<compile_context>
chip_gen: v7x
topology: tpu7x:2x2x1
jax: 0.10.2.dev20260603
libtpu: 0.0.44.dev20260713+nightly
codegen_flags: <defaults>
</compile_context>

<pallas_src>
import functools

import jax
import jax.numpy as jnp
from jax import lax
from jax.experimental import pallas as pl
from jax.experimental.pallas import tpu as pltpu
from jax.experimental.pallas import tpu_sc as plsc

N = 10000
E = 320000
F = 64
NC, NS = 2, 16
NW = NC * NS
B = 128
CH = 81
EP = NW * CH * B
ROWS_PER_TILE = 632
NP = NS * ROWS_PER_TILE


def _segsum_sc(g, colp, rowp):
    mesh = plsc.VectorSubcoreMesh(core_axis_name="c", subcore_axis_name="s")

    @functools.partial(
        pl.kernel,
        out_type=jax.ShapeDtypeStruct((NC, NP, F), jnp.float32),
        mesh=mesh,
        scratch_types=[
            pltpu.VMEM((CH, B), jnp.int32),
            pltpu.VMEM((CH, B), jnp.int32),
            pltpu.VMEM((3, B, F), jnp.float32),
            pltpu.VMEM_SHARED((NP, F), jnp.float32),
            pltpu.VMEM_SHARED((NP, F), jnp.float32),
            [pltpu.SemaphoreType.DMA] * 3,
        ],
        compiler_params=pltpu.CompilerParams(use_tc_tiling_on_sc=False),
    )
    def k(g_hbm, col_hbm, row_hbm, out_hbm, col_v, row_v, buf, table, acc,
          sem_g):
        c = lax.axis_index("c")
        s = lax.axis_index("s")
        wid = s * NC + c

        a0 = s * ROWS_PER_TILE
        pltpu.sync_copy(g_hbm.at[pl.ds(a0, ROWS_PER_TILE)],
                        table.at[pl.ds(a0, ROWS_PER_TILE)])

        z = jnp.zeros((16,), jnp.float32)

        def zero_row(i, _):
            k = i // B
            r = i % B
            buf[k, r, pl.ds(0, 16)] = z
            buf[k, r, pl.ds(16, 16)] = z
            buf[k, r, pl.ds(32, 16)] = z
            buf[k, r, pl.ds(48, 16)] = z
            return _

        lax.fori_loop(0, 3 * B, zero_row, 0)
        for zc in range(5):
            rows = B if zc < 4 else ROWS_PER_TILE - 4 * B
            pltpu.sync_copy(buf.at[zc % 3].at[pl.ds(0, rows)],
                            acc.at[pl.ds(a0 + zc * B, rows)])

        pltpu.sync_copy(col_hbm.at[wid], col_v)
        pltpu.sync_copy(row_hbm.at[wid], row_v)

        plsc.subcore_barrier()

        def src_of(j, u):
            return g_hbm if u % 3 == 0 else table

        def fire_gather(j, slot, u):
            pltpu.async_copy(src_of(j, u).at[col_v.at[j]], buf.at[slot],
                             sem_g[slot])

        def wait_gather(j, slot, u):
            pltpu.make_async_copy(
                src_of(j, u).at[col_v.at[j]], buf.at[slot], sem_g[slot]).wait()

        fire_gather(0, 0, 0)
        fire_gather(1, 1, 1)

        def edge_chunk3(j3, carry):
            j = j3 * 3
            for u in range(3):
                ju = j + u
                jf = ju + 2
                kf = (u + 2) % 3

                @pl.when(jf < CH)
                def _(jf=jf, kf=kf, uf=(u + 2) % 3):
                    fire_gather(jf, kf, uf)
                wait_gather(ju, u, u)
                pltpu.sync_copy(buf.at[u], acc.at[row_v.at[ju]], add=True)
            return carry

        lax.fori_loop(0, CH // 3, edge_chunk3, 0)
        plsc.subcore_barrier()

        r0 = s * ROWS_PER_TILE
        pltpu.sync_copy(acc.at[pl.ds(r0, ROWS_PER_TILE)],
                        out_hbm.at[c].at[pl.ds(r0, ROWS_PER_TILE)])

    return k(g, colp, rowp)


def _mm_body(x_ref, w_ref, o_ref):
    o_ref[:] = jnp.dot(x_ref[:], w_ref[:], preferred_element_type=jnp.float32)


def _combine_body(p_ref, b_ref, w_ref, o_ref):
    h = jnp.maximum(p_ref[0] + p_ref[1] + b_ref[:], 0.0)
    o_ref[:] = jnp.dot(h, w_ref[:], preferred_element_type=jnp.float32)


def _head_body(p_ref, b3_ref, wf1_ref, bf1_ref, wf2_ref, bf2_ref, o_ref):
    h = jnp.maximum(p_ref[0, :N] + p_ref[1, :N] + b3_ref[:], 0.0)
    m = jnp.sum(h, axis=0, keepdims=True) * (1.0 / N)
    a = jnp.dot(m, wf1_ref[:], preferred_element_type=jnp.float32) + bf1_ref[:]
    a = jnp.maximum(a, 0.0)
    z = jnp.sum(a * wf2_ref[:], axis=1, keepdims=True) + bf2_ref[:]
    o_ref[:] = jax.nn.sigmoid(z)


def kernel(x, edge_index, W1, b1, W2, b2, W3, b3, Wf1, bf1, Wf2, bf2):
    f32 = jnp.float32
    col = edge_index[1]
    row = edge_index[0]
    pad_per_w = CH * B - E // NW
    pad_rows = jnp.broadcast_to(
        N + jnp.arange(pad_per_w, dtype=jnp.int32) % (NP - N), (NW, pad_per_w))
    colp = jnp.pad(col.reshape(NW, E // NW),
                   ((0, 0), (0, pad_per_w))).reshape(NW, CH, B)
    rowp = jnp.concatenate(
        [row.reshape(NW, E // NW), pad_rows], axis=1).reshape(NW, CH, B)

    xp = jnp.pad(x, ((0, NP - N), (0, 0)))

    g = pl.pallas_call(
        _mm_body, out_shape=jax.ShapeDtypeStruct((NP, F), f32)
    )(xp, W1.T)

    for W_next, b in ((W2, b1), (W3, b2)):
        p = _segsum_sc(g, colp, rowp)
        g = pl.pallas_call(
            _combine_body, out_shape=jax.ShapeDtypeStruct((NP, F), f32)
        )(p, b.reshape(1, F), W_next.T)

    p = _segsum_sc(g, colp, rowp)
    out = pl.pallas_call(
        _head_body, out_shape=jax.ShapeDtypeStruct((1, 1), f32)
    )(p, b3.reshape(1, F), Wf1.T, bf1.reshape(1, 32), Wf2, bf2.reshape(1, 1))
    return out.reshape(1)

# --- scband reference (transcript-rebuilt; emitter-appended) ---
"""Pipeline reference for scband-gnn-90881507983447 (READ-ONLY COPY).

The authoritative reference and input builder live on the scoring server;
editing this copy changes nothing except your own understanding.
"""

import jax, jax.numpy as jnp
import numpy as np

N_NODES = 10000
N_EDGES = 320000
D_FEAT = 128


def _linear_params(key, out_f, in_f):
    k1, k2 = jax.random.split(key)
    bound = 1.0 / np.sqrt(in_f)
    W = jax.random.uniform(k1, (out_f, in_f), dtype=jnp.float32, minval=-bound, maxval=bound)
    b = jax.random.uniform(k2, (out_f,), dtype=jnp.float32, minval=-bound, maxval=bound)
    return W, b


def setup_inputs(seed: int = 0) -> dict:
    key = jax.random.key(seed)
    ks = jax.random.split(key, 8)
    x = jax.random.normal(ks[0], (N_NODES, D_FEAT), dtype=jnp.float32)
    edge_index = jax.random.randint(ks[1], (2, N_EDGES), 0, N_NODES, dtype=jnp.int32)
    W1, b1 = _linear_params(ks[2], 64, D_FEAT)
    W2, b2 = _linear_params(ks[3], 64, 64)
    W3, b3 = _linear_params(ks[4], 64, 64)
    Wf1, bf1 = _linear_params(ks[5], 32, 64)
    Wf2, bf2 = _linear_params(ks[6], 1, 32)
    return {"x": x, "edge_index": edge_index, "W1": W1, "b1": b1, "W2": W2, "b2": b2, "W3": W3, "b3": b3, "Wf1": Wf1, "bf1": bf1, "Wf2": Wf2, "bf2": bf2}


def reference(x, edge_index, W1, b1, W2, b2, W3, b3, Wf1, bf1, Wf2, bf2):
    row = edge_index[0]
    col = edge_index[1]
    n = x.shape[0]
    h = x
    for W, b in ((W1, b1), (W2, b2), (W3, b3)):
        # torch: out = zeros_like(h); out.index_add_(0, row, h[col])
        out = jax.ops.segment_sum(h[col], row, num_segments=n)
        h = jax.nn.relu(out @ W.T + b)
    h = h.mean(axis=0)
    h = jax.nn.relu(h @ Wf1.T + bf1)
    h = h @ Wf2.T + bf2
    return jax.nn.sigmoid(h)

if __name__ == "__main__":
    import jax
    _d = setup_inputs()
    print(jax.jit(kernel)(*tuple(_d.values())))

</pallas_src>

<mosaic_0001>
#map = affine_map<(d0, d1) -> (0, 0)>
#map1 = affine_map<(d0, d1) -> (0, 0, 0)>
module attributes {stable_mosaic.version = 14 : i64} {
  func.func @k(%arg0: i32, %arg1: i32, %arg2: memref<10112x64xf32, #tpu.memory_space<hbm>>, %arg3: memref<32x81x128xi32, #tpu.memory_space<hbm>>, %arg4: memref<32x81x128xi32, #tpu.memory_space<hbm>>, %arg5: memref<2x10112x64xf32, #tpu.memory_space<hbm>>, %arg6: memref<81x128xi32, #tpu.memory_space<vmem>>, %arg7: memref<81x128xi32, #tpu.memory_space<vmem>>, %arg8: memref<3x128x64xf32, #tpu.memory_space<vmem>>, %arg9: memref<10112x64xf32, #tpu.memory_space<vmem_shared>>, %arg10: memref<10112x64xf32, #tpu.memory_space<vmem_shared>>, %arg11: memref<!tpu.dma_semaphore, #tpu.memory_space<semaphore_mem>>, %arg12: memref<!tpu.dma_semaphore, #tpu.memory_space<semaphore_mem>>, %arg13: memref<!tpu.dma_semaphore, #tpu.memory_space<semaphore_mem>>) attributes {dimension_semantics = [#tpu.dimension_semantics<core_parallel>, #tpu.dimension_semantics<subcore_parallel>], iteration_bounds = array<i64: 2, 16>, scalar_prefetch = 0 : i64, scratch_operands = 8 : i64, tpu.core_type = #tpu.core_type<sc_vector_subcore>, window_params = [{transform_indices = #map}, {transform_indices = #map1}, {transform_indices = #map1}, {transform_indices = #map1}]} {
    %mul3A = arith.constant 2 : i32
    %mul3A_0 = arith.muli %arg1, %mul3A : i32
    %add3A = arith.addi %mul3A_0, %arg0 : i32
    %mul3A_1 = arith.constant 632 : i32
    %mul3A_2 = arith.muli %arg1, %mul3A_1 : i32
    "tpu.region"() ({
      %run_scoped3A_55 = tpu.sem_alloc : memref<!tpu.dma_semaphore, #tpu.memory_space<semaphore_mem>>
      %dma_start3A_56 = arith.constant 0 : i32
      %dma_start3A_57 = tpu.memref_slice %arg9[%mul3A_2, %dma_start3A_56] : memref<10112x64xf32, #tpu.memory_space<vmem_shared>> -> memref<632x64xf32, #tpu.memory_space<vmem_shared>>
      %dma_start3A_58 = arith.constant 0 : i32
      %dma_start3A_59 = tpu.memref_slice %arg2[%mul3A_2, %dma_start3A_58] : memref<10112x64xf32, #tpu.memory_space<hbm>> -> memref<632x64xf32, #tpu.memory_space<hbm>>
      tpu.enqueue_dma source(%dma_start3A_59 : memref<632x64xf32, #tpu.memory_space<hbm>>) target(%dma_start3A_57 : memref<632x64xf32, #tpu.memory_space<vmem_shared>>) target_semaphore(%run_scoped3A_55 : memref<!tpu.dma_semaphore, #tpu.memory_space<semaphore_mem>>)
      %dma_wait3A = arith.constant 0 : i32
      %dma_wait3A_60 = tpu.memref_slice %arg9[%mul3A_2, %dma_wait3A] : memref<10112x64xf32, #tpu.memory_space<vmem_shared>> -> memref<632x64xf32, #tpu.memory_space<vmem_shared>>
      %dma_wait3A_61 = arith.constant 0 : i32
      %dma_wait3A_62 = tpu.memref_slice %arg2[%mul3A_2, %dma_wait3A_61] : memref<10112x64xf32, #tpu.memory_space<hbm>> -> memref<632x64xf32, #tpu.memory_space<hbm>>
      tpu.wait_dma2 semaphore(%run_scoped3A_55 : memref<!tpu.dma_semaphore, #tpu.memory_space<semaphore_mem>>) src(%dma_wait3A_62 : memref<632x64xf32, #tpu.memory_space<hbm>>) dst(%dma_wait3A_60 : memref<632x64xf32, #tpu.memory_space<vmem_shared>>)
      tpu.yield
    }) : () -> ()
    %broadcast_in_dim3A = arith.constant 0.000000e+00 : f32
    %broadcast_in_dim3A_3 = vector.broadcast %broadcast_in_dim3A : f32 to vector<16xf32>
    %scan3A = arith.constant 0 : i32
    %scan3A_4 = arith.constant 0 : i32
    %scan3A_5 = arith.constant 384 : i32
    %scan3A_6 = arith.addi %scan3A_4, %scan3A_5 : i32
    %scan3A_7 = arith.constant 1 : i32
    scf.for %scan3A_55 = %scan3A_4 to %scan3A_6 step %scan3A_7  : i32 {
      %jit3A = arith.constant 128 : i32
      %div3A = arith.divsi %scan3A_55, %jit3A : i32
      %sign3A = arith.constant 0 : i32
      %sign3A_56 = arith.cmpi sgt, %scan3A_55, %sign3A : i32
      %sign3A_57 = arith.extui %sign3A_56 : i1 to i32
      %sign3A_58 = arith.constant 0 : i32
      %sign3A_59 = arith.cmpi slt, %scan3A_55, %sign3A_58 : i32
      %sign3A_60 = arith.extui %sign3A_59 : i1 to i32
      %sign3A_61 = arith.subi %sign3A_57, %sign3A_60 : i32
      %sign3A_62 = arith.constant 0 : i32
      %sign3A_63 = arith.cmpi sgt, %jit3A, %sign3A_62 : i32
      %sign3A_64 = arith.extui %sign3A_63 : i1 to i32
      %sign3A_65 = arith.constant 0 : i32
      %sign3A_66 = arith.cmpi slt, %jit3A, %sign3A_65 : i32
      %sign3A_67 = arith.extui %sign3A_66 : i1 to i32
      %sign3A_68 = arith.subi %sign3A_64, %sign3A_67 : i32
      %ne3A = arith.cmpi ne, %sign3A_61, %sign3A_68 : i32
      %rem3A = arith.remsi %scan3A_55, %jit3A : i32
      %ne3A_69 = arith.constant 0 : i32
      %ne3A_70 = arith.cmpi ne, %rem3A, %ne3A_69 : i32
      %and3A = arith.andi %ne3A, %ne3A_70 : i1
      %sub3A = arith.constant 1 : i32
      %sub3A_71 = arith.subi %div3A, %sub3A : i32
      %select_n3A = arith.select %and3A, %sub3A_71, %div3A : i32
      %jit3A_72 = arith.constant 128 : i32
      %eq3A = arith.constant 0 : i32
      %eq3A_73 = arith.cmpi eq, %jit3A_72, %eq3A : i32
      %jit3A_74 = arith.constant 1 : i32
      %select_n3A_75 = arith.select %eq3A_73, %jit3A_74, %jit3A_72 : i32
      %rem3A_76 = arith.remsi %scan3A_55, %select_n3A_75 : i32
      %ne3A_77 = arith.constant 0 : i32
      %ne3A_78 = arith.cmpi ne, %rem3A_76, %ne3A_77 : i32
      %lt3A = arith.constant 0 : i32
      %lt3A_79 = arith.cmpi slt, %rem3A_76, %lt3A : i32
      %lt3A_80 = arith.constant 0 : i32
      %lt3A_81 = arith.cmpi slt, %select_n3A_75, %lt3A_80 : i32
      %ne3A_82 = arith.xori %lt3A_79, %lt3A_81 : i1
      %and3A_83 = arith.andi %ne3A_82, %ne3A_78 : i1
      %add3A_84 = arith.addi %rem3A_76, %select_n3A_75 : i32
      %select_n3A_85 = arith.select %and3A_83, %add3A_84, %rem3A_76 : i32
      %swap3A = arith.index_cast %select_n3A : i32 to index
      %swap3A_86 = arith.index_cast %select_n3A_85 : i32 to index
      %swap3A_87 = arith.constant 0 : index
      %swap3A_88 = tpu.vector_load %arg8[%swap3A, %swap3A_86, %swap3A_87] {strides = array<i32>} : memref<3x128x64xf32, #tpu.memory_space<vmem>>, vector<1x1x16xf32>,
      %swap3A_89 = vector.shape_cast %swap3A_88 : vector<1x1x16xf32> to vector<16xf32>
      %swap3A_90 = vector.shape_cast %broadcast_in_dim3A_3 : vector<16xf32> to vector<1x1x16xf32>
      tpu.vector_store %arg8[%swap3A, %swap3A_86, %swap3A_87], %swap3A_90 {strides = array<i32>} : memref<3x128x64xf32, #tpu.memory_space<vmem>>, vector<1x1x16xf32>,
      %swap3A_91 = arith.index_cast %select_n3A : i32 to index
      %swap3A_92 = arith.index_cast %select_n3A_85 : i32 to index
      %swap3A_93 = arith.constant 16 : index
      %swap3A_94 = tpu.vector_load %arg8[%swap3A_91, %swap3A_92, %swap3A_93] {strides = array<i32>} : memref<3x128x64xf32, #tpu.memory_space<vmem>>, vector<1x1x16xf32>,
      %swap3A_95 = vector.shape_cast %swap3A_94 : vector<1x1x16xf32> to vector<16xf32>
      %swap3A_96 = vector.shape_cast %broadcast_in_dim3A_3 : vector<16xf32> to vector<1x1x16xf32>
      tpu.vector_store %arg8[%swap3A_91, %swap3A_92, %swap3A_93], %swap3A_96 {strides = array<i32>} : memref<3x128x64xf32, #tpu.memory_space<vmem>>, vector<1x1x16xf32>,
      %swap3A_97 = arith.index_cast %select_n3A : i32 to index
      %swap3A_98 = arith.index_cast %select_n3A_85 : i32 to index
      %swap3A_99 = arith.constant 32 : index
      %swap3A_100 = tpu.vector_load %arg8[%swap3A_97, %swap3A_98, %swap3A_99] {strides = array<i32>} : memref<3x128x64xf32, #tpu.memory_space<vmem>>, vector<1x1x16xf32>,
      %swap3A_101 = vector.shape_cast %swap3A_100 : vector<1x1x16xf32> to vector<16xf32>
      %swap3A_102 = vector.shape_cast %broadcast_in_dim3A_3 : vector<16xf32> to vector<1x1x16xf32>
      tpu.vector_store %arg8[%swap3A_97, %swap3A_98, %swap3A_99], %swap3A_102 {strides = array<i32>} : memref<3x128x64xf32, #tpu.memory_space<vmem>>, vector<1x1x16xf32>,
      %swap3A_103 = arith.index_cast %select_n3A : i32 to index
      %swap3A_104 = arith.index_cast %select_n3A_85 : i32 to index
      %swap3A_105 = arith.constant 48 : index
      %swap3A_106 = tpu.vector_load %arg8[%swap3A_103, %swap3A_104, %swap3A_105] {strides = array<i32>} : memref<3x128x64xf32, #tpu.memory_space<vmem>>, vector<1x1x16xf32>,
      %swap3A_107 = vector.shape_cast %swap3A_106 : vector<1x1x16xf32> to vector<16xf32>
      %swap3A_108 = vector.shape_cast %broadcast_in_dim3A_3 : vector<16xf32> to vector<1x1x16xf32>
      tpu.vector_store %arg8[%swap3A_103, %swap3A_104, %swap3A_105], %swap3A_108 {strides = array<i32>} : memref<3x128x64xf32, #tpu.memory_space<vmem>>, vector<1x1x16xf32>,
    }
    %scan3A_8 = arith.constant 384 : i32
    %add3A_9 = arith.constant 0 : i32
    %add3A_10 = arith.addi %mul3A_2, %add3A_9 : i32
    %run_scoped3A = arith.constant 0 : i32
    "tpu.region"() ({
      %run_scoped3A_55 = tpu.sem_alloc : memref<!tpu.dma_semaphore, #tpu.memory_space<semaphore_mem>>
      %dma_start3A_56 = arith.constant 0 : i32
      %dma_start3A_57 = arith.constant 0 : i32
      %dma_start3A_58 = tpu.memref_slice %arg8[%run_scoped3A, %dma_start3A_56, %dma_start3A_57] : memref<3x128x64xf32, #tpu.memory_space<vmem>> -> memref<1x128x64xf32, #tpu.memory_space<vmem>>
      %dma_start3A_59 = tpu.memref_squeeze %dma_start3A_58 : memref<1x128x64xf32, #tpu.memory_space<vmem>> -> memref<128x64xf32, #tpu.memory_space<vmem>>
      %dma_start3A_60 = arith.constant 0 : i32
      %dma_start3A_61 = arith.constant 0 : i32
      %dma_start3A_62 = tpu.memref_slice %dma_start3A_59[%dma_start3A_60, %dma_start3A_61] : memref<128x64xf32, #tpu.memory_space<vmem>> -> memref<128x64xf32, #tpu.memory_space<vmem>>
      %dma_start3A_63 = arith.constant 0 : i32
      %dma_start3A_64 = tpu.memref_slice %arg10[%add3A_10, %dma_start3A_63] : memref<10112x64xf32, #tpu.memory_space<vmem_shared>> -> memref<128x64xf32, #tpu.memory_space<vmem_shared>>
      %dma_start3A_65 = arith.constant 0 : i32
      %dma_start3A_66 = tpu.memref_slice %arg10[%add3A_10, %dma_start3A_65] : memref<10112x64xf32, #tpu.memory_space<vmem_shared>> -> memref<128x64xf32, #tpu.memory_space<vmem_shared>>
      %dma_start3A_67 = arith.constant 0 : i32
      %dma_start3A_68 = arith.constant 0 : i32
      %dma_start3A_69 = tpu.memref_slice %arg8[%run_scoped3A, %dma_start3A_67, %dma_start3A_68] : memref<3x128x64xf32, #tpu.memory_space<vmem>> -> memref<1x128x64xf32, #tpu.memory_space<vmem>>
      %dma_start3A_70 = tpu.memref_squeeze %dma_start3A_69 : memref<1x128x64xf32, #tpu.memory_space<vmem>> -> memref<128x64xf32, #tpu.memory_space<vmem>>
      %dma_start3A_71 = arith.constant 0 : i32
      %dma_start3A_72 = arith.constant 0 : i32
      %dma_start3A_73 = tpu.memref_slice %dma_start3A_70[%dma_start3A_71, %dma_start3A_72] : memref<128x64xf32, #tpu.memory_space<vmem>> -> memref<128x64xf32, #tpu.memory_space<vmem>>
      tpu.enqueue_dma source(%dma_start3A_73 : memref<128x64xf32, #tpu.memory_space<vmem>>) target(%dma_start3A_66 : memref<128x64xf32, #tpu.memory_space<vmem_shared>>) target_semaphore(%run_scoped3A_55 : memref<!tpu.dma_semaphore, #tpu.memory_space<semaphore_mem>>)
      %dma_wait3A = arith.constant 0 : i32
      %dma_wait3A_74 = arith.constant 0 : i32
      %dma_wait3A_75 = tpu.memref_slice %arg8[%run_scoped3A, %dma_wait3A, %dma_wait3A_74] : memref<3x128x64xf32, #tpu.memory_space<vmem>> -> memref<1x128x64xf32, #tpu.memory_space<vmem>>
      %dma_wait3A_76 = tpu.memref_squeeze %dma_wait3A_75 : memref<1x128x64xf32, #tpu.memory_space<vmem>> -> memref<128x64xf32, #tpu.memory_space<vmem>>
      %dma_wait3A_77 = arith.constant 0 : i32
      %dma_wait3A_78 = arith.constant 0 : i32
      %dma_wait3A_79 = tpu.memref_slice %dma_wait3A_76[%dma_wait3A_77, %dma_wait3A_78] : memref<128x64xf32, #tpu.memory_space<vmem>> -> memref<128x64xf32, #tpu.memory_space<vmem>>
      %dma_wait3A_80 = arith.constant 0 : i32
      %dma_wait3A_81 = tpu.memref_slice %arg10[%add3A_10, %dma_wait3A_80] : memref<10112x64xf32, #tpu.memory_space<vmem_shared>> -> memref<128x64xf32, #tpu.memory_space<vmem_shared>>
      %dma_wait3A_82 = arith.constant 0 : i32
      %dma_wait3A_83 = tpu.memref_slice %arg10[%add3A_10, %dma_wait3A_82] : memref<10112x64xf32, #tpu.memory_space<vmem_shared>> -> memref<128x64xf32, #tpu.memory_space<vmem_shared>>
      %dma_wait3A_84 = arith.constant 0 : i32
      %dma_wait3A_85 = arith.constant 0 : i32
      %dma_wait3A_86 = tpu.memref_slice %arg8[%run_scoped3A, %dma_wait3A_84, %dma_wait3A_85] : memref<3x128x64xf32, #tpu.memory_space<vmem>> -> memref<1x128x64xf32, #tpu.memory_space<vmem>>
      %dma_wait3A_87 = tpu.memref_squeeze %dma_wait3A_86 : memref<1x128x64xf32, #tpu.memory_space<vmem>> -> memref<128x64xf32, #tpu.memory_space<vmem>>
      %dma_wait3A_88 = arith.constant 0 : i32
      %dma_wait3A_89 = arith.constant 0 : i32
      %dma_wait3A_90 = tpu.memref_slice %dma_wait3A_87[%dma_wait3A_88, %dma_wait3A_89] : memref<128x64xf32, #tpu.memory_space<vmem>> -> memref<128x64xf32, #tpu.memory_space<vmem>>
      tpu.wait_dma2 semaphore(%run_scoped3A_55 : memref<!tpu.dma_semaphore, #tpu.memory_space<semaphore_mem>>) src(%dma_wait3A_90 : memref<128x64xf32, #tpu.memory_space<vmem>>) dst(%dma_wait3A_83 : memref<128x64xf32, #tpu.memory_space<vmem_shared>>)
      tpu.yield
    }) : () -> ()
    %add3A_11 = arith.constant 128 : i32
    %add3A_12 = arith.addi %mul3A_2, %add3A_11 : i32
    %run_scoped3A_13 = arith.constant 1 : i32
    "tpu.region"() ({
      %run_scoped3A_55 = tpu.sem_alloc : memref<!tpu.dma_semaphore, #tpu.memory_space<semaphore_mem>>
      %dma_start3A_56 = arith.constant 0 : i32
      %dma_start3A_57 = arith.constant 0 : i32
      %dma_start3A_58 = tpu.memref_slice %arg8[%run_scoped3A_13, %dma_start3A_56, %dma_start3A_57] : memref<3x128x64xf32, #tpu.memory_space<vmem>> -> memref<1x128x64xf32, #tpu.memory_space<vmem>>
      %dma_start3A_59 = tpu.memref_squeeze %dma_start3A_58 : memref<1x128x64xf32, #tpu.memory_space<vmem>> -> memref<128x64xf32, #tpu.memory_space<vmem>>
      %dma_start3A_60 = arith.constant 0 : i32
      %dma_start3A_61 = arith.constant 0 : i32
      %dma_start3A_62 = tpu.memref_slice %dma_start3A_59[%dma_start3A_60, %dma_start3A_61] : memref<128x64xf32, #tpu.memory_space<vmem>> -> memref<128x64xf32, #tpu.memory_space<vmem>>
      %dma_start3A_63 = arith.constant 0 : i32
      %dma_start3A_64 = tpu.memref_slice %arg10[%add3A_12, %dma_start3A_63] : memref<10112x64xf32, #tpu.memory_space<vmem_shared>> -> memref<128x64xf32, #tpu.memory_space<vmem_shared>>
      %dma_start3A_65 = arith.constant 0 : i32
      %dma_start3A_66 = tpu.memref_slice %arg10[%add3A_12, %dma_start3A_65] : memref<10112x64xf32, #tpu.memory_space<vmem_shared>> -> memref<128x64xf32, #tpu.memory_space<vmem_shared>>
      %dma_start3A_67 = arith.constant 0 : i32
      %dma_start3A_68 = arith.constant 0 : i32
      %dma_start3A_69 = tpu.memref_slice %arg8[%run_scoped3A_13, %dma_start3A_67, %dma_start3A_68] : memref<3x128x64xf32, #tpu.memory_space<vmem>> -> memref<1x128x64xf32, #tpu.memory_space<vmem>>
      %dma_start3A_70 = tpu.memref_squeeze %dma_start3A_69 : memref<1x128x64xf32, #tpu.memory_space<vmem>> -> memref<128x64xf32, #tpu.memory_space<vmem>>
      %dma_start3A_71 = arith.constant 0 : i32
      %dma_start3A_72 = arith.constant 0 : i32
      %dma_start3A_73 = tpu.memref_slice %dma_start3A_70[%dma_start3A_71, %dma_start3A_72] : memref<128x64xf32, #tpu.memory_space<vmem>> -> memref<128x64xf32, #tpu.memory_space<vmem>>
      tpu.enqueue_dma source(%dma_start3A_73 : memref<128x64xf32, #tpu.memory_space<vmem>>) target(%dma_start3A_66 : memref<128x64xf32, #tpu.memory_space<vmem_shared>>) target_semaphore(%run_scoped3A_55 : memref<!tpu.dma_semaphore, #tpu.memory_space<semaphore_mem>>)
      %dma_wait3A = arith.constant 0 : i32
      %dma_wait3A_74 = arith.constant 0 : i32
      %dma_wait3A_75 = tpu.memref_slice %arg8[%run_scoped3A_13, %dma_wait3A, %dma_wait3A_74] : memref<3x128x64xf32, #tpu.memory_space<vmem>> -> memref<1x128x64xf32, #tpu.memory_space<vmem>>
      %dma_wait3A_76 = tpu.memref_squeeze %dma_wait3A_75 : memref<1x128x64xf32, #tpu.memory_space<vmem>> -> memref<128x64xf32, #tpu.memory_space<vmem>>
      %dma_wait3A_77 = arith.constant 0 : i32
      %dma_wait3A_78 = arith.constant 0 : i32
      %dma_wait3A_79 = tpu.memref_slice %dma_wait3A_76[%dma_wait3A_77, %dma_wait3A_78] : memref<128x64xf32, #tpu.memory_space<vmem>> -> memref<128x64xf32, #tpu.memory_space<vmem>>
      %dma_wait3A_80 = arith.constant 0 : i32
      %dma_wait3A_81 = tpu.memref_slice %arg10[%add3A_12, %dma_wait3A_80] : memref<10112x64xf32, #tpu.memory_space<vmem_shared>> -> memref<128x64xf32, #tpu.memory_space<vmem_shared>>
      %dma_wait3A_82 = arith.constant 0 : i32
      %dma_wait3A_83 = tpu.memref_slice %arg10[%add3A_12, %dma_wait3A_82] : memref<10112x64xf32, #tpu.memory_space<vmem_shared>> -> memref<128x64xf32, #tpu.memory_space<vmem_shared>>
      %dma_wait3A_84 = arith.constant 0 : i32
      %dma_wait3A_85 = arith.constant 0 : i32
      %dma_wait3A_86 = tpu.memref_slice %arg8[%run_scoped3A_13, %dma_wait3A_84, %dma_wait3A_85] : memref<3x128x64xf32, #tpu.memory_space<vmem>> -> memref<1x128x64xf32, #tpu.memory_space<vmem>>
      %dma_wait3A_87 = tpu.memref_squeeze %dma_wait3A_86 : memref<1x128x64xf32, #tpu.memory_space<vmem>> -> memref<128x64xf32, #tpu.memory_space<vmem>>
      %dma_wait3A_88 = arith.constant 0 : i32
      %dma_wait3A_89 = arith.constant 0 : i32
      %dma_wait3A_90 = tpu.memref_slice %dma_wait3A_87[%dma_wait3A_88, %dma_wait3A_89] : memref<128x64xf32, #tpu.memory_space<vmem>> -> memref<128x64xf32, #tpu.memory_space<vmem>>
      tpu.wait_dma2 semaphore(%run_scoped3A_55 : memref<!tpu.dma_semaphore, #tpu.memory_space<semaphore_mem>>) src(%dma_wait3A_90 : memref<128x64xf32, #tpu.memory_space<vmem>>) dst(%dma_wait3A_83 : memref<128x64xf32, #tpu.memory_space<vmem_shared>>)
      tpu.yield
    }) : () -> ()
    %add3A_14 = arith.constant 256 : i32
    %add3A_15 = arith.addi %mul3A_2, %add3A_14 : i32
    %run_scoped3A_16 = arith.constant 2 : i32
    "tpu.region"() ({
      %run_scoped3A_55 = tpu.sem_alloc : memref<!tpu.dma_semaphore, #tpu.memory_space<semaphore_mem>>
      %dma_start3A_56 = arith.constant 0 : i32
      %dma_start3A_57 = arith.constant 0 : i32
      %dma_start3A_58 = tpu.memref_slice %arg8[%run_scoped3A_16, %dma_start3A_56, %dma_start3A_57] : memref<3x128x64xf32, #tpu.memory_space<vmem>> -> memref<1x128x64xf32, #tpu.memory_space<vmem>>
      %dma_start3A_59 = tpu.memref_squeeze %dma_start3A_58 : memref<1x128x64xf32, #tpu.memory_space<vmem>> -> memref<128x64xf32, #tpu.memory_space<vmem>>
      %dma_start3A_60 = arith.constant 0 : i32
      %dma_start3A_61 = arith.constant 0 : i32
      %dma_start3A_62 = tpu.memref_slice %dma_start3A_59[%dma_start3A_60, %dma_start3A_61] : memref<128x64xf32, #tpu.memory_space<vmem>> -> memref<128x64xf32, #tpu.memory_space<vmem>>
      %dma_start3A_63 = arith.constant 0 : i32
      %dma_start3A_64 = tpu.memref_slice %arg10[%add3A_15, %dma_start3A_63] : memref<10112x64xf32, #tpu.memory_space<vmem_shared>> -> memref<128x64xf32, #tpu.memory_space<vmem_shared>>
      %dma_start3A_65 = arith.constant 0 : i32
      %dma_start3A_66 = tpu.memref_slice %arg10[%add3A_15, %dma_start3A_65] : memref<10112x64xf32, #tpu.memory_space<vmem_shared>> -> memref<128x64xf32, #tpu.memory_space<vmem_shared>>
      %dma_start3A_67 = arith.constant 0 : i32
      %dma_start3A_68 = arith.constant 0 : i32
      %dma_start3A_69 = tpu.memref_slice %arg8[%run_scoped3A_16, %dma_start3A_67, %dma_start3A_68] : memref<3x128x64xf32, #tpu.memory_space<vmem>> -> memref<1x128x64xf32, #tpu.memory_space<vmem>>
      %dma_start3A_70 = tpu.memref_squeeze %dma_start3A_69 : memref<1x128x64xf32, #tpu.memory_space<vmem>> -> memref<128x64xf32, #tpu.memory_space<vmem>>
      %dma_start3A_71 = arith.constant 0 : i32
      %dma_start3A_72 = arith.constant 0 : i32
      %dma_start3A_73 = tpu.memref_slice %dma_start3A_70[%dma_start3A_71, %dma_start3A_72] : memref<128x64xf32, #tpu.memory_space<vmem>> -> memref<128x64xf32, #tpu.memory_space<vmem>>
      tpu.enqueue_dma source(%dma_start3A_73 : memref<128x64xf32, #tpu.memory_space<vmem>>) target(%dma_start3A_66 : memref<128x64xf32, #tpu.memory_space<vmem_shared>>) target_semaphore(%run_scoped3A_55 : memref<!tpu.dma_semaphore, #tpu.memory_space<semaphore_mem>>)
      %dma_wait3A = arith.constant 0 : i32
      %dma_wait3A_74 = arith.constant 0 : i32
      %dma_wait3A_75 = tpu.memref_slice %arg8[%run_scoped3A_16, %dma_wait3A, %dma_wait3A_74] : memref<3x128x64xf32, #tpu.memory_space<vmem>> -> memref<1x128x64xf32, #tpu.memory_space<vmem>>
      %dma_wait3A_76 = tpu.memref_squeeze %dma_wait3A_75 : memref<1x128x64xf32, #tpu.memory_space<vmem>> -> memref<128x64xf32, #tpu.memory_space<vmem>>
      %dma_wait3A_77 = arith.constant 0 : i32
      %dma_wait3A_78 = arith.constant 0 : i32
      %dma_wait3A_79 = tpu.memref_slice %dma_wait3A_76[%dma_wait3A_77, %dma_wait3A_78] : memref<128x64xf32, #tpu.memory_space<vmem>> -> memref<128x64xf32, #tpu.memory_space<vmem>>
      %dma_wait3A_80 = arith.constant 0 : i32
      %dma_wait3A_81 = tpu.memref_slice %arg10[%add3A_15, %dma_wait3A_80] : memref<10112x64xf32, #tpu.memory_space<vmem_shared>> -> memref<128x64xf32, #tpu.memory_space<vmem_shared>>
      %dma_wait3A_82 = arith.constant 0 : i32
      %dma_wait3A_83 = tpu.memref_slice %arg10[%add3A_15, %dma_wait3A_82] : memref<10112x64xf32, #tpu.memory_space<vmem_shared>> -> memref<128x64xf32, #tpu.memory_space<vmem_shared>>
      %dma_wait3A_84 = arith.constant 0 : i32
      %dma_wait3A_85 = arith.constant 0 : i32
      %dma_wait3A_86 = tpu.memref_slice %arg8[%run_scoped3A_16, %dma_wait3A_84, %dma_wait3A_85] : memref<3x128x64xf32, #tpu.memory_space<vmem>> -> memref<1x128x64xf32, #tpu.memory_space<vmem>>
      %dma_wait3A_87 = tpu.memref_squeeze %dma_wait3A_86 : memref<1x128x64xf32, #tpu.memory_space<vmem>> -> memref<128x64xf32, #tpu.memory_space<vmem>>
      %dma_wait3A_88 = arith.constant 0 : i32
      %dma_wait3A_89 = arith.constant 0 : i32
      %dma_wait3A_90 = tpu.memref_slice %dma_wait3A_87[%dma_wait3A_88, %dma_wait3A_89] : memref<128x64xf32, #tpu.memory_space<vmem>> -> memref<128x64xf32, #tpu.memory_space<vmem>>
      tpu.wait_dma2 semaphore(%run_scoped3A_55 : memref<!tpu.dma_semaphore, #tpu.memory_space<semaphore_mem>>) src(%dma_wait3A_90 : memref<128x64xf32, #tpu.memory_space<vmem>>) dst(%dma_wait3A_83 : memref<128x64xf32, #tpu.memory_space<vmem_shared>>)
      tpu.yield
    }) : () -> ()
    %add3A_17 = arith.constant 384 : i32
    %add3A_18 = arith.addi %mul3A_2, %add3A_17 : i32
    %run_scoped3A_19 = arith.constant 0 : i32
    "tpu.region"() ({
      %run_scoped3A_55 = tpu.sem_alloc : memref<!tpu.dma_semaphore, #tpu.memory_space<semaphore_mem>>
      %dma_start3A_56 = arith.constant 0 : i32
      %dma_start3A_57 = arith.constant 0 : i32
      %dma_start3A_58 = tpu.memref_slice %arg8[%run_scoped3A_19, %dma_start3A_56, %dma_start3A_57] : memref<3x128x64xf32, #tpu.memory_space<vmem>> -> memref<1x128x64xf32, #tpu.memory_space<vmem>>
      %dma_start3A_59 = tpu.memref_squeeze %dma_start3A_58 : memref<1x128x64xf32, #tpu.memory_space<vmem>> -> memref<128x64xf32, #tpu.memory_space<vmem>>
      %dma_start3A_60 = arith.constant 0 : i32
      %dma_start3A_61 = arith.constant 0 : i32
      %dma_start3A_62 = tpu.memref_slice %dma_start3A_59[%dma_start3A_60, %dma_start3A_61] : memref<128x64xf32, #tpu.memory_space<vmem>> -> memref<128x64xf32, #tpu.memory_space<vmem>>
      %dma_start3A_63 = arith.constant 0 : i32
      %dma_start3A_64 = tpu.memref_slice %arg10[%add3A_18, %dma_start3A_63] : memref<10112x64xf32, #tpu.memory_space<vmem_shared>> -> memref<128x64xf32, #tpu.memory_space<vmem_shared>>
      %dma_start3A_65 = arith.constant 0 : i32
      %dma_start3A_66 = tpu.memref_slice %arg10[%add3A_18, %dma_start3A_65] : memref<10112x64xf32, #tpu.memory_space<vmem_shared>> -> memref<128x64xf32, #tpu.memory_space<vmem_shared>>
      %dma_start3A_67 = arith.constant 0 : i32
      %dma_start3A_68 = arith.constant 0 : i32
      %dma_start3A_69 = tpu.memref_slice %arg8[%run_scoped3A_19, %dma_start3A_67, %dma_start3A_68] : memref<3x128x64xf32, #tpu.memory_space<vmem>> -> memref<1x128x64xf32, #tpu.memory_space<vmem>>
      %dma_start3A_70 = tpu.memref_squeeze %dma_start3A_69 : memref<1x128x64xf32, #tpu.memory_space<vmem>> -> memref<128x64xf32, #tpu.memory_space<vmem>>
      %dma_start3A_71 = arith.constant 0 : i32
      %dma_start3A_72 = arith.constant 0 : i32
      %dma_start3A_73 = tpu.memref_slice %dma_start3A_70[%dma_start3A_71, %dma_start3A_72] : memref<128x64xf32, #tpu.memory_space<vmem>> -> memref<128x64xf32, #tpu.memory_space<vmem>>
      tpu.enqueue_dma source(%dma_start3A_73 : memref<128x64xf32, #tpu.memory_space<vmem>>) target(%dma_start3A_66 : memref<128x64xf32, #tpu.memory_space<vmem_shared>>) target_semaphore(%run_scoped3A_55 : memref<!tpu.dma_semaphore, #tpu.memory_space<semaphore_mem>>)
      %dma_wait3A = arith.constant 0 : i32
      %dma_wait3A_74 = arith.constant 0 : i32
      %dma_wait3A_75 = tpu.memref_slice %arg8[%run_scoped3A_19, %dma_wait3A, %dma_wait3A_74] : memref<3x128x64xf32, #tpu.memory_space<vmem>> -> memref<1x128x64xf32, #tpu.memory_space<vmem>>
      %dma_wait3A_76 = tpu.memref_squeeze %dma_wait3A_75 : memref<1x128x64xf32, #tpu.memory_space<vmem>> -> memref<128x64xf32, #tpu.memory_space<vmem>>
      %dma_wait3A_77 = arith.constant 0 : i32
      %dma_wait3A_78 = arith.constant 0 : i32
      %dma_wait3A_79 = tpu.memref_slice %dma_wait3A_76[%dma_wait3A_77, %dma_wait3A_78] : memref<128x64xf32, #tpu.memory_space<vmem>> -> memref<128x64xf32, #tpu.memory_space<vmem>>
      %dma_wait3A_80 = arith.constant 0 : i32
      %dma_wait3A_81 = tpu.memref_slice %arg10[%add3A_18, %dma_wait3A_80] : memref<10112x64xf32, #tpu.memory_space<vmem_shared>> -> memref<128x64xf32, #tpu.memory_space<vmem_shared>>
      %dma_wait3A_82 = arith.constant 0 : i32
      %dma_wait3A_83 = tpu.memref_slice %arg10[%add3A_18, %dma_wait3A_82] : memref<10112x64xf32, #tpu.memory_space<vmem_shared>> -> memref<128x64xf32, #tpu.memory_space<vmem_shared>>
      %dma_wait3A_84 = arith.constant 0 : i32
      %dma_wait3A_85 = arith.constant 0 : i32
      %dma_wait3A_86 = tpu.memref_slice %arg8[%run_scoped3A_19, %dma_wait3A_84, %dma_wait3A_85] : memref<3x128x64xf32, #tpu.memory_space<vmem>> -> memref<1x128x64xf32, #tpu.memory_space<vmem>>
      %dma_wait3A_87 = tpu.memref_squeeze %dma_wait3A_86 : memref<1x128x64xf32, #tpu.memory_space<vmem>> -> memref<128x64xf32, #tpu.memory_space<vmem>>
      %dma_wait3A_88 = arith.constant 0 : i32
      %dma_wait3A_89 = arith.constant 0 : i32
      %dma_wait3A_90 = tpu.memref_slice %dma_wait3A_87[%dma_wait3A_88, %dma_wait3A_89] : memref<128x64xf32, #tpu.memory_space<vmem>> -> memref<128x64xf32, #tpu.memory_space<vmem>>
      tpu.wait_dma2 semaphore(%run_scoped3A_55 : memref<!tpu.dma_semaphore, #tpu.memory_space<semaphore_mem>>) src(%dma_wait3A_90 : memref<128x64xf32, #tpu.memory_space<vmem>>) dst(%dma_wait3A_83 : memref<128x64xf32, #tpu.memory_space<vmem_shared>>)
      tpu.yield
    }) : () -> ()
    %add3A_20 = arith.constant 512 : i32
    %add3A_21 = arith.addi %mul3A_2, %add3A_20 : i32
    %run_scoped3A_22 = arith.constant 1 : i32
    "tpu.region"() ({
      %run_scoped3A_55 = tpu.sem_alloc : memref<!tpu.dma_semaphore, #tpu.memory_space<semaphore_mem>>
      %dma_start3A_56 = arith.constant 0 : i32
      %dma_start3A_57 = arith.constant 0 : i32
      %dma_start3A_58 = tpu.memref_slice %arg8[%run_scoped3A_22, %dma_start3A_56, %dma_start3A_57] : memref<3x128x64xf32, #tpu.memory_space<vmem>> -> memref<1x128x64xf32, #tpu.memory_space<vmem>>
      %dma_start3A_59 = tpu.memref_squeeze %dma_start3A_58 : memref<1x128x64xf32, #tpu.memory_space<vmem>> -> memref<128x64xf32, #tpu.memory_space<vmem>>
      %dma_start3A_60 = arith.constant 0 : i32
      %dma_start3A_61 = arith.constant 0 : i32
      %dma_start3A_62 = tpu.memref_slice %dma_start3A_59[%dma_start3A_60, %dma_start3A_61] : memref<128x64xf32, #tpu.memory_space<vmem>> -> memref<120x64xf32, #tpu.memory_space<vmem>>
      %dma_start3A_63 = arith.constant 0 : i32
      %dma_start3A_64 = tpu.memref_slice %arg10[%add3A_21, %dma_start3A_63] : memref<10112x64xf32, #tpu.memory_space<vmem_shared>> -> memref<120x64xf32, #tpu.memory_space<vmem_shared>>
      %dma_start3A_65 = arith.constant 0 : i32
      %dma_start3A_66 = tpu.memref_slice %arg10[%add3A_21, %dma_start3A_65] : memref<10112x64xf32, #tpu.memory_space<vmem_shared>> -> memref<120x64xf32, #tpu.memory_space<vmem_shared>>
      %dma_start3A_67 = arith.constant 0 : i32
      %dma_start3A_68 = arith.constant 0 : i32
      %dma_start3A_69 = tpu.memref_slice %arg8[%run_scoped3A_22, %dma_start3A_67, %dma_start3A_68] : memref<3x128x64xf32, #tpu.memory_space<vmem>> -> memref<1x128x64xf32, #tpu.memory_space<vmem>>
      %dma_start3A_70 = tpu.memref_squeeze %dma_start3A_69 : memref<1x128x64xf32, #tpu.memory_space<vmem>> -> memref<128x64xf32, #tpu.memory_space<vmem>>
      %dma_start3A_71 = arith.constant 0 : i32
      %dma_start3A_72 = arith.constant 0 : i32
      %dma_start3A_73 = tpu.memref_slice %dma_start3A_70[%dma_start3A_71, %dma_start3A_72] : memref<128x64xf32, #tpu.memory_space<vmem>> -> memref<120x64xf32, #tpu.memory_space<vmem>>
      tpu.enqueue_dma source(%dma_start3A_73 : memref<120x64xf32, #tpu.memory_space<vmem>>) target(%dma_start3A_66 : memref<120x64xf32, #tpu.memory_space<vmem_shared>>) target_semaphore(%run_scoped3A_55 : memref<!tpu.dma_semaphore, #tpu.memory_space<semaphore_mem>>)
      %dma_wait3A = arith.constant 0 : i32
      %dma_wait3A_74 = arith.constant 0 : i32
      %dma_wait3A_75 = tpu.memref_slice %arg8[%run_scoped3A_22, %dma_wait3A, %dma_wait3A_74] : memref<3x128x64xf32, #tpu.memory_space<vmem>> -> memref<1x128x64xf32, #tpu.memory_space<vmem>>
      %dma_wait3A_76 = tpu.memref_squeeze %dma_wait3A_75 : memref<1x128x64xf32, #tpu.memory_space<vmem>> -> memref<128x64xf32, #tpu.memory_space<vmem>>
      %dma_wait3A_77 = arith.constant 0 : i32
      %dma_wait3A_78 = arith.constant 0 : i32
      %dma_wait3A_79 = tpu.memref_slice %dma_wait3A_76[%dma_wait3A_77, %dma_wait3A_78] : memref<128x64xf32, #tpu.memory_space<vmem>> -> memref<120x64xf32, #tpu.memory_space<vmem>>
      %dma_wait3A_80 = arith.constant 0 : i32
      %dma_wait3A_81 = tpu.memref_slice %arg10[%add3A_21, %dma_wait3A_80] : memref<10112x64xf32, #tpu.memory_space<vmem_shared>> -> memref<120x64xf32, #tpu.memory_space<vmem_shared>>
      %dma_wait3A_82 = arith.constant 0 : i32
      %dma_wait3A_83 = tpu.memref_slice %arg10[%add3A_21, %dma_wait3A_82] : memref<10112x64xf32, #tpu.memory_space<vmem_shared>> -> memref<120x64xf32, #tpu.memory_space<vmem_shared>>
      %dma_wait3A_84 = arith.constant 0 : i32
      %dma_wait3A_85 = arith.constant 0 : i32
      %dma_wait3A_86 = tpu.memref_slice %arg8[%run_scoped3A_22, %dma_wait3A_84, %dma_wait3A_85] : memref<3x128x64xf32, #tpu.memory_space<vmem>> -> memref<1x128x64xf32, #tpu.memory_space<vmem>>
      %dma_wait3A_87 = tpu.memref_squeeze %dma_wait3A_86 : memref<1x128x64xf32, #tpu.memory_space<vmem>> -> memref<128x64xf32, #tpu.memory_space<vmem>>
      %dma_wait3A_88 = arith.constant 0 : i32
      %dma_wait3A_89 = arith.constant 0 : i32
      %dma_wait3A_90 = tpu.memref_slice %dma_wait3A_87[%dma_wait3A_88, %dma_wait3A_89] : memref<128x64xf32, #tpu.memory_space<vmem>> -> memref<120x64xf32, #tpu.memory_space<vmem>>
      tpu.wait_dma2 semaphore(%run_scoped3A_55 : memref<!tpu.dma_semaphore, #tpu.memory_space<semaphore_mem>>) src(%dma_wait3A_90 : memref<120x64xf32, #tpu.memory_space<vmem>>) dst(%dma_wait3A_83 : memref<120x64xf32, #tpu.memory_space<vmem_shared>>)
      tpu.yield
    }) : () -> ()
    "tpu.region"() ({
      %run_scoped3A_55 = tpu.sem_alloc : memref<!tpu.dma_semaphore, #tpu.memory_space<semaphore_mem>>
      %dma_start3A_56 = arith.constant 0 : i32
      %dma_start3A_57 = arith.constant 0 : i32
      %dma_start3A_58 = tpu.memref_slice %arg3[%add3A, %dma_start3A_56, %dma_start3A_57] : memref<32x81x128xi32, #tpu.memory_space<hbm>> -> memref<1x81x128xi32, #tpu.memory_space<hbm>>
      %dma_start3A_59 = tpu.memref_squeeze %dma_start3A_58 : memref<1x81x128xi32, #tpu.memory_space<hbm>> -> memref<81x128xi32, #tpu.memory_space<hbm>>
      %dma_start3A_60 = arith.constant 0 : i32
      %dma_start3A_61 = arith.constant 0 : i32
      %dma_start3A_62 = tpu.memref_slice %arg3[%add3A, %dma_start3A_60, %dma_start3A_61] : memref<32x81x128xi32, #tpu.memory_space<hbm>> -> memref<1x81x128xi32, #tpu.memory_space<hbm>>
      %dma_start3A_63 = tpu.memref_squeeze %dma_start3A_62 : memref<1x81x128xi32, #tpu.memory_space<hbm>> -> memref<81x128xi32, #tpu.memory_space<hbm>>
      tpu.enqueue_dma source(%dma_start3A_63 : memref<81x128xi32, #tpu.memory_space<hbm>>) target(%arg6 : memref<81x128xi32, #tpu.memory_space<vmem>>) target_semaphore(%run_scoped3A_55 : memref<!tpu.dma_semaphore, #tpu.memory_space<semaphore_mem>>)
      %dma_wait3A = arith.constant 0 : i32
      %dma_wait3A_64 = arith.constant 0 : i32
      %dma_wait3A_65 = tpu.memref_slice %arg3[%add3A, %dma_wait3A, %dma_wait3A_64] : memref<32x81x128xi32, #tpu.memory_space<hbm>> -> memref<1x81x128xi32, #tpu.memory_space<hbm>>
      %dma_wait3A_66 = tpu.memref_squeeze %dma_wait3A_65 : memref<1x81x128xi32, #tpu.memory_space<hbm>> -> memref<81x128xi32, #tpu.memory_space<hbm>>
      %dma_wait3A_67 = arith.constant 0 : i32
      %dma_wait3A_68 = arith.constant 0 : i32
      %dma_wait3A_69 = tpu.memref_slice %arg3[%add3A, %dma_wait3A_67, %dma_wait3A_68] : memref<32x81x128xi32, #tpu.memory_space<hbm>> -> memref<1x81x128xi32, #tpu.memory_space<hbm>>
      %dma_wait3A_70 = tpu.memref_squeeze %dma_wait3A_69 : memref<1x81x128xi32, #tpu.memory_space<hbm>> -> memref<81x128xi32, #tpu.memory_space<hbm>>
      tpu.wait_dma2 semaphore(%run_scoped3A_55 : memref<!tpu.dma_semaphore, #tpu.memory_space<semaphore_mem>>) src(%dma_wait3A_70 : memref<81x128xi32, #tpu.memory_space<hbm>>) dst(%arg6 : memref<81x128xi32, #tpu.memory_space<vmem>>)
      tpu.yield
    }) : () -> ()
    "tpu.region"() ({
      %run_scoped3A_55 = tpu.sem_alloc : memref<!tpu.dma_semaphore, #tpu.memory_space<semaphore_mem>>
      %dma_start3A_56 = arith.constant 0 : i32
      %dma_start3A_57 = arith.constant 0 : i32
      %dma_start3A_58 = tpu.memref_slice %arg4[%add3A, %dma_start3A_56, %dma_start3A_57] : memref<32x81x128xi32, #tpu.memory_space<hbm>> -> memref<1x81x128xi32, #tpu.memory_space<hbm>>
      %dma_start3A_59 = tpu.memref_squeeze %dma_start3A_58 : memref<1x81x128xi32, #tpu.memory_space<hbm>> -> memref<81x128xi32, #tpu.memory_space<hbm>>
      %dma_start3A_60 = arith.constant 0 : i32
      %dma_start3A_61 = arith.constant 0 : i32
      %dma_start3A_62 = tpu.memref_slice %arg4[%add3A, %dma_start3A_60, %dma_start3A_61] : memref<32x81x128xi32, #tpu.memory_space<hbm>> -> memref<1x81x128xi32, #tpu.memory_space<hbm>>
      %dma_start3A_63 = tpu.memref_squeeze %dma_start3A_62 : memref<1x81x128xi32, #tpu.memory_space<hbm>> -> memref<81x128xi32, #tpu.memory_space<hbm>>
      tpu.enqueue_dma source(%dma_start3A_63 : memref<81x128xi32, #tpu.memory_space<hbm>>) target(%arg7 : memref<81x128xi32, #tpu.memory_space<vmem>>) target_semaphore(%run_scoped3A_55 : memref<!tpu.dma_semaphore, #tpu.memory_space<semaphore_mem>>)
      %dma_wait3A = arith.constant 0 : i32
      %dma_wait3A_64 = arith.constant 0 : i32
      %dma_wait3A_65 = tpu.memref_slice %arg4[%add3A, %dma_wait3A, %dma_wait3A_64] : memref<32x81x128xi32, #tpu.memory_space<hbm>> -> memref<1x81x128xi32, #tpu.memory_space<hbm>>
      %dma_wait3A_66 = tpu.memref_squeeze %dma_wait3A_65 : memref<1x81x128xi32, #tpu.memory_space<hbm>> -> memref<81x128xi32, #tpu.memory_space<hbm>>
      %dma_wait3A_67 = arith.constant 0 : i32
      %dma_wait3A_68 = arith.constant 0 : i32
      %dma_wait3A_69 = tpu.memref_slice %arg4[%add3A, %dma_wait3A_67, %dma_wait3A_68] : memref<32x81x128xi32, #tpu.memory_space<hbm>> -> memref<1x81x128xi32, #tpu.memory_space<hbm>>
      %dma_wait3A_70 = tpu.memref_squeeze %dma_wait3A_69 : memref<1x81x128xi32, #tpu.memory_space<hbm>> -> memref<81x128xi32, #tpu.memory_space<hbm>>
      tpu.wait_dma2 semaphore(%run_scoped3A_55 : memref<!tpu.dma_semaphore, #tpu.memory_space<semaphore_mem>>) src(%dma_wait3A_70 : memref<81x128xi32, #tpu.memory_space<hbm>>) dst(%arg7 : memref<81x128xi32, #tpu.memory_space<vmem>>)
      tpu.yield
    }) : () -> ()
    %barrier3A = arith.constant 0 : index
    tpu.barrier barrier_id(%barrier3A)
    %dma_start3A = arith.constant 0 : i32
    %dma_start3A_23 = arith.constant 0 : i32
    %dma_start3A_24 = arith.constant 0 : i32
    %dma_start3A_25 = arith.constant 0 : i32
    %dma_start3A_26 = tpu.memref_slice %arg8[%dma_start3A_23, %dma_start3A_24, %dma_start3A_25] : memref<3x128x64xf32, #tpu.memory_space<vmem>> -> memref<1x128x64xf32, #tpu.memory_space<vmem>>
    %dma_start3A_27 = tpu.memref_squeeze %dma_start3A_26 : memref<1x128x64xf32, #tpu.memory_space<vmem>> -> memref<128x64xf32, #tpu.memory_space<vmem>>
    %dma_start3A_28 = arith.constant 0 : i32
    %dma_start3A_29 = tpu.memref_slice %arg6[%dma_start3A, %dma_start3A_28] : memref<81x128xi32, #tpu.memory_space<vmem>> -> memref<1x128xi32, #tpu.memory_space<vmem>>
    %dma_start3A_30 = tpu.memref_squeeze %dma_start3A_29 : memref<1x128xi32, #tpu.memory_space<vmem>> -> memref<128xi32, #tpu.memory_space<vmem>>
    %dma_start3A_31 = arith.constant 0 : i32
    %dma_start3A_32 = arith.constant 0 : i32
    %dma_start3A_33 = tpu.memref_slice %arg2[%dma_start3A_31, %dma_start3A_32] : memref<10112x64xf32, #tpu.memory_space<hbm>> -> memref<10112x64xf32, #tpu.memory_space<hbm>>
    tpu.enqueue_indirect_dma source(%dma_start3A_33 : memref<10112x64xf32, #tpu.memory_space<hbm>>) target(%dma_start3A_27 : memref<128x64xf32, #tpu.memory_space<vmem>>) offsets(%dma_start3A_30 : memref<128xi32, #tpu.memory_space<vmem>>) semaphore(%arg11 : memref<!tpu.dma_semaphore, #tpu.memory_space<semaphore_mem>>)
    %dma_start3A_34 = arith.constant 1 : i32
    %dma_start3A_35 = arith.constant 1 : i32
    %dma_start3A_36 = arith.constant 0 : i32
    %dma_start3A_37 = arith.constant 0 : i32
    %dma_start3A_38 = tpu.memref_slice %arg8[%dma_start3A_35, %dma_start3A_36, %dma_start3A_37] : memref<3x128x64xf32, #tpu.memory_space<vmem>> -> memref<1x128x64xf32, #tpu.memory_space<vmem>>
    %dma_start3A_39 = tpu.memref_squeeze %dma_start3A_38 : memref<1x128x64xf32, #tpu.memory_space<vmem>> -> memref<128x64xf32, #tpu.memory_space<vmem>>
    %dma_start3A_40 = arith.constant 0 : i32
    %dma_start3A_41 = tpu.memref_slice %arg6[%dma_start3A_34, %dma_start3A_40] : memref<81x128xi32, #tpu.memory_space<vmem>> -> memref<1x128xi32, #tpu.memory_space<vmem>>
    %dma_start3A_42 = tpu.memref_squeeze %dma_start3A_41 : memref<1x128xi32, #tpu.memory_space<vmem>> -> memref<128xi32, #tpu.memory_space<vmem>>
    %dma_start3A_43 = arith.constant 0 : i32
    %dma_start3A_44 = arith.constant 0 : i32
    %dma_start3A_45 = tpu.memref_slice %arg9[%dma_start3A_43, %dma_start3A_44] : memref<10112x64xf32, #tpu.memory_space<vmem_shared>> -> memref<10112x64xf32, #tpu.memory_space<vmem_shared>>
    tpu.enqueue_indirect_dma source(%dma_start3A_45 : memref<10112x64xf32, #tpu.memory_space<vmem_shared>>) target(%dma_start3A_39 : memref<128x64xf32, #tpu.memory_space<vmem>>) offsets(%dma_start3A_42 : memref<128xi32, #tpu.memory_space<vmem>>) semaphore(%arg12 : memref<!tpu.dma_semaphore, #tpu.memory_space<semaphore_mem>>)
    %scan3A_46 = arith.constant 0 : i32
    %scan3A_47 = arith.constant 0 : i32
    %scan3A_48 = arith.constant 27 : i32
    %scan3A_49 = arith.addi %scan3A_47, %scan3A_48 : i32
    %scan3A_50 = arith.constant 1 : i32
    scf.for %scan3A_55 = %scan3A_47 to %scan3A_49 step %scan3A_50  : i32 {
      %mul3A_56 = arith.constant 3 : i32
      %mul3A_57 = arith.muli %scan3A_55, %mul3A_56 : i32
      %add3A_58 = arith.constant 0 : i32
      %add3A_59 = arith.addi %mul3A_57, %add3A_58 : i32
      %add3A_60 = arith.constant 2 : i32
      %add3A_61 = arith.addi %add3A_59, %add3A_60 : i32
      %lt3A = arith.constant 81 : i32
      %lt3A_62 = arith.cmpi slt, %add3A_61, %lt3A : i32
      %convert_element_type3A = arith.extui %lt3A_62 : i1 to i32
      %cond3A = arith.constant 0 : i32
      %cond3A_63 = arith.cmpi ne, %convert_element_type3A, %cond3A : i32
      scf.if %cond3A_63 {
        %dma_start3A_117 = arith.constant 2 : i32
        %dma_start3A_118 = arith.constant 0 : i32
        %dma_start3A_119 = arith.constant 0 : i32
        %dma_start3A_120 = tpu.memref_slice %arg8[%dma_start3A_117, %dma_start3A_118, %dma_start3A_119] : memref<3x128x64xf32, #tpu.memory_space<vmem>> -> memref<1x128x64xf32, #tpu.memory_space<vmem>>
        %dma_start3A_121 = tpu.memref_squeeze %dma_start3A_120 : memref<1x128x64xf32, #tpu.memory_space<vmem>> -> memref<128x64xf32, #tpu.memory_space<vmem>>
        %dma_start3A_122 = arith.constant 0 : i32
        %dma_start3A_123 = tpu.memref_slice %arg6[%add3A_61, %dma_start3A_122] : memref<81x128xi32, #tpu.memory_space<vmem>> -> memref<1x128xi32, #tpu.memory_space<vmem>>
        %dma_start3A_124 = tpu.memref_squeeze %dma_start3A_123 : memref<1x128xi32, #tpu.memory_space<vmem>> -> memref<128xi32, #tpu.memory_space<vmem>>
        %dma_start3A_125 = arith.constant 0 : i32
        %dma_start3A_126 = arith.constant 0 : i32
        %dma_start3A_127 = tpu.memref_slice %arg9[%dma_start3A_125, %dma_start3A_126] : memref<10112x64xf32, #tpu.memory_space<vmem_shared>> -> memref<10112x64xf32, #tpu.memory_space<vmem_shared>>
        tpu.enqueue_indirect_dma source(%dma_start3A_127 : memref<10112x64xf32, #tpu.memory_space<vmem_shared>>) target(%dma_start3A_121 : memref<128x64xf32, #tpu.memory_space<vmem>>) offsets(%dma_start3A_124 : memref<128xi32, #tpu.memory_space<vmem>>) semaphore(%arg13 : memref<!tpu.dma_semaphore, #tpu.memory_space<semaphore_mem>>)
      } else {
      }
      %dma_wait3A = arith.constant 0 : i32
      %dma_wait3A_64 = arith.constant 0 : i32
      %dma_wait3A_65 = arith.constant 0 : i32
      %dma_wait3A_66 = tpu.memref_slice %arg8[%dma_wait3A, %dma_wait3A_64, %dma_wait3A_65] : memref<3x128x64xf32, #tpu.memory_space<vmem>> -> memref<1x128x64xf32, #tpu.memory_space<vmem>>
      %dma_wait3A_67 = tpu.memref_squeeze %dma_wait3A_66 : memref<1x128x64xf32, #tpu.memory_space<vmem>> -> memref<128x64xf32, #tpu.memory_space<vmem>>
      %dma_wait3A_68 = arith.constant 0 : i32
      %dma_wait3A_69 = tpu.memref_slice %arg6[%add3A_59, %dma_wait3A_68] : memref<81x128xi32, #tpu.memory_space<vmem>> -> memref<1x128xi32, #tpu.memory_space<vmem>>
      %dma_wait3A_70 = tpu.memref_squeeze %dma_wait3A_69 : memref<1x128xi32, #tpu.memory_space<vmem>> -> memref<128xi32, #tpu.memory_space<vmem>>
      %dma_wait3A_71 = arith.constant 0 : i32
      %dma_wait3A_72 = arith.constant 0 : i32
      %dma_wait3A_73 = tpu.memref_slice %arg2[%dma_wait3A_71, %dma_wait3A_72] : memref<10112x64xf32, #tpu.memory_space<hbm>> -> memref<10112x64xf32, #tpu.memory_space<hbm>>
      tpu.wait_indirect_dma semaphore(%arg11 : memref<!tpu.dma_semaphore, #tpu.memory_space<semaphore_mem>>) src(%dma_wait3A_73 : memref<10112x64xf32, #tpu.memory_space<hbm>>) dst(%dma_wait3A_67 : memref<128x64xf32, #tpu.memory_space<vmem>>)
      %run_scoped3A_74 = arith.constant 0 : i32
      "tpu.region"() ({
        %run_scoped3A_117 = tpu.sem_alloc : memref<!tpu.dma_semaphore, #tpu.memory_space<semaphore_mem>>
        %dma_start3A_118 = arith.constant 0 : i32
        %dma_start3A_119 = arith.constant 0 : i32
        %dma_start3A_120 = tpu.memref_slice %arg8[%run_scoped3A_74, %dma_start3A_118, %dma_start3A_119] : memref<3x128x64xf32, #tpu.memory_space<vmem>> -> memref<1x128x64xf32, #tpu.memory_space<vmem>>
        %dma_start3A_121 = tpu.memref_squeeze %dma_start3A_120 : memref<1x128x64xf32, #tpu.memory_space<vmem>> -> memref<128x64xf32, #tpu.memory_space<vmem>>
        %dma_start3A_122 = arith.constant 0 : i32
        %dma_start3A_123 = tpu.memref_slice %arg7[%add3A_59, %dma_start3A_122] : memref<81x128xi32, #tpu.memory_space<vmem>> -> memref<1x128xi32, #tpu.memory_space<vmem>>
        %dma_start3A_124 = tpu.memref_squeeze %dma_start3A_123 : memref<1x128xi32, #tpu.memory_space<vmem>> -> memref<128xi32, #tpu.memory_space<vmem>>
        %dma_start3A_125 = arith.constant 0 : i32
        %dma_start3A_126 = arith.constant 0 : i32
        %dma_start3A_127 = tpu.memref_slice %arg10[%dma_start3A_125, %dma_start3A_126] : memref<10112x64xf32, #tpu.memory_space<vmem_shared>> -> memref<10112x64xf32, #tpu.memory_space<vmem_shared>>
        tpu.enqueue_indirect_dma source(%dma_start3A_121 : memref<128x64xf32, #tpu.memory_space<vmem>>) target(%dma_start3A_127 : memref<10112x64xf32, #tpu.memory_space<vmem_shared>>) offsets(%dma_start3A_124 : memref<128xi32, #tpu.memory_space<vmem>>) semaphore(%run_scoped3A_117 : memref<!tpu.dma_semaphore, #tpu.memory_space<semaphore_mem>>) {add = true}
        %dma_wait3A_128 = arith.constant 0 : i32
        %dma_wait3A_129 = arith.constant 0 : i32
        %dma_wait3A_130 = tpu.memref_slice %arg8[%run_scoped3A_74, %dma_wait3A_128, %dma_wait3A_129] : memref<3x128x64xf32, #tpu.memory_space<vmem>> -> memref<1x128x64xf32, #tpu.memory_space<vmem>>
        %dma_wait3A_131 = tpu.memref_squeeze %dma_wait3A_130 : memref<1x128x64xf32, #tpu.memory_space<vmem>> -> memref<128x64xf32, #tpu.memory_space<vmem>>
        %dma_wait3A_132 = arith.constant 0 : i32
        %dma_wait3A_133 = tpu.memref_slice %arg7[%add3A_59, %dma_wait3A_132] : memref<81x128xi32, #tpu.memory_space<vmem>> -> memref<1x128xi32, #tpu.memory_space<vmem>>
        %dma_wait3A_134 = tpu.memref_squeeze %dma_wait3A_133 : memref<1x128xi32, #tpu.memory_space<vmem>> -> memref<128xi32, #tpu.memory_space<vmem>>
        %dma_wait3A_135 = arith.constant 0 : i32
        %dma_wait3A_136 = arith.constant 0 : i32
        %dma_wait3A_137 = tpu.memref_slice %arg10[%dma_wait3A_135, %dma_wait3A_136] : memref<10112x64xf32, #tpu.memory_space<vmem_shared>> -> memref<10112x64xf32, #tpu.memory_space<vmem_shared>>
        tpu.wait_indirect_dma semaphore(%run_scoped3A_117 : memref<!tpu.dma_semaphore, #tpu.memory_space<semaphore_mem>>) src(%dma_wait3A_131 : memref<128x64xf32, #tpu.memory_space<vmem>>) dst(%dma_wait3A_137 : memref<10112x64xf32, #tpu.memory_space<vmem_shared>>)
        tpu.yield
      }) : () -> ()
      %add3A_75 = arith.constant 1 : i32
      %add3A_76 = arith.addi %mul3A_57, %add3A_75 : i32
      %add3A_77 = arith.constant 2 : i32
      %add3A_78 = arith.addi %add3A_76, %add3A_77 : i32
      %lt3A_79 = arith.constant 81 : i32
      %lt3A_80 = arith.cmpi slt, %add3A_78, %lt3A_79 : i32
      %convert_element_type3A_81 = arith.extui %lt3A_80 : i1 to i32
      %cond3A_82 = arith.constant 0 : i32
      %cond3A_83 = arith.cmpi ne, %convert_element_type3A_81, %cond3A_82 : i32
      scf.if %cond3A_83 {
        %dma_start3A_117 = arith.constant 0 : i32
        %dma_start3A_118 = arith.constant 0 : i32
        %dma_start3A_119 = arith.constant 0 : i32
        %dma_start3A_120 = tpu.memref_slice %arg8[%dma_start3A_117, %dma_start3A_118, %dma_start3A_119] : memref<3x128x64xf32, #tpu.memory_space<vmem>> -> memref<1x128x64xf32, #tpu.memory_space<vmem>>
        %dma_start3A_121 = tpu.memref_squeeze %dma_start3A_120 : memref<1x128x64xf32, #tpu.memory_space<vmem>> -> memref<128x64xf32, #tpu.memory_space<vmem>>
        %dma_start3A_122 = arith.constant 0 : i32
        %dma_start3A_123 = tpu.memref_slice %arg6[%add3A_78, %dma_start3A_122] : memref<81x128xi32, #tpu.memory_space<vmem>> -> memref<1x128xi32, #tpu.memory_space<vmem>>
        %dma_start3A_124 = tpu.memref_squeeze %dma_start3A_123 : memref<1x128xi32, #tpu.memory_space<vmem>> -> memref<128xi32, #tpu.memory_space<vmem>>
        %dma_start3A_125 = arith.constant 0 : i32
        %dma_start3A_126 = arith.constant 0 : i32
        %dma_start3A_127 = tpu.memref_slice %arg2[%dma_start3A_125, %dma_start3A_126] : memref<10112x64xf32, #tpu.memory_space<hbm>> -> memref<10112x64xf32, #tpu.memory_space<hbm>>
        tpu.enqueue_indirect_dma source(%dma_start3A_127 : memref<10112x64xf32, #tpu.memory_space<hbm>>) target(%dma_start3A_121 : memref<128x64xf32, #tpu.memory_space<vmem>>) offsets(%dma_start3A_124 : memref<128xi32, #tpu.memory_space<vmem>>) semaphore(%arg11 : memref<!tpu.dma_semaphore, #tpu.memory_space<semaphore_mem>>)
      } else {
      }
      %dma_wait3A_84 = arith.constant 1 : i32
      %dma_wait3A_85 = arith.constant 0 : i32
      %dma_wait3A_86 = arith.constant 0 : i32
      %dma_wait3A_87 = tpu.memref_slice %arg8[%dma_wait3A_84, %dma_wait3A_85, %dma_wait3A_86] : memref<3x128x64xf32, #tpu.memory_space<vmem>> -> memref<1x128x64xf32, #tpu.memory_space<vmem>>
      %dma_wait3A_88 = tpu.memref_squeeze %dma_wait3A_87 : memref<1x128x64xf32, #tpu.memory_space<vmem>> -> memref<128x64xf32, #tpu.memory_space<vmem>>
      %dma_wait3A_89 = arith.constant 0 : i32
      %dma_wait3A_90 = tpu.memref_slice %arg6[%add3A_76, %dma_wait3A_89] : memref<81x128xi32, #tpu.memory_space<vmem>> -> memref<1x128xi32, #tpu.memory_space<vmem>>
      %dma_wait3A_91 = tpu.memref_squeeze %dma_wait3A_90 : memref<1x128xi32, #tpu.memory_space<vmem>> -> memref<128xi32, #tpu.memory_space<vmem>>
      %dma_wait3A_92 = arith.constant 0 : i32
      %dma_wait3A_93 = arith.constant 0 : i32
      %dma_wait3A_94 = tpu.memref_slice %arg9[%dma_wait3A_92, %dma_wait3A_93] : memref<10112x64xf32, #tpu.memory_space<vmem_shared>> -> memref<10112x64xf32, #tpu.memory_space<vmem_shared>>
      tpu.wait_indirect_dma semaphore(%arg12 : memref<!tpu.dma_semaphore, #tpu.memory_space<semaphore_mem>>) src(%dma_wait3A_94 : memref<10112x64xf32, #tpu.memory_space<vmem_shared>>) dst(%dma_wait3A_88 : memref<128x64xf32, #tpu.memory_space<vmem>>)
      %run_scoped3A_95 = arith.constant 1 : i32
      "tpu.region"() ({
        %run_scoped3A_117 = tpu.sem_alloc : memref<!tpu.dma_semaphore, #tpu.memory_space<semaphore_mem>>
        %dma_start3A_118 = arith.constant 0 : i32
        %dma_start3A_119 = arith.constant 0 : i32
        %dma_start3A_120 = tpu.memref_slice %arg8[%run_scoped3A_95, %dma_start3A_118, %dma_start3A_119] : memref<3x128x64xf32, #tpu.memory_space<vmem>> -> memref<1x128x64xf32, #tpu.memory_space<vmem>>
        %dma_start3A_121 = tpu.memref_squeeze %dma_start3A_120 : memref<1x128x64xf32, #tpu.memory_space<vmem>> -> memref<128x64xf32, #tpu.memory_space<vmem>>
        %dma_start3A_122 = arith.constant 0 : i32
        %dma_start3A_123 = tpu.memref_slice %arg7[%add3A_76, %dma_start3A_122] : memref<81x128xi32, #tpu.memory_space<vmem>> -> memref<1x128xi32, #tpu.memory_space<vmem>>
        %dma_start3A_124 = tpu.memref_squeeze %dma_start3A_123 : memref<1x128xi32, #tpu.memory_space<vmem>> -> memref<128xi32, #tpu.memory_space<vmem>>
        %dma_start3A_125 = arith.constant 0 : i32
        %dma_start3A_126 = arith.constant 0 : i32
        %dma_start3A_127 = tpu.memref_slice %arg10[%dma_start3A_125, %dma_start3A_126] : memref<10112x64xf32, #tpu.memory_space<vmem_shared>> -> memref<10112x64xf32, #tpu.memory_space<vmem_shared>>
        tpu.enqueue_indirect_dma source(%dma_start3A_121 : memref<128x64xf32, #tpu.memory_space<vmem>>) target(%dma_start3A_127 : memref<10112x64xf32, #tpu.memory_space<vmem_shared>>) offsets(%dma_start3A_124 : memref<128xi32, #tpu.memory_space<vmem>>) semaphore(%run_scoped3A_117 : memref<!tpu.dma_semaphore, #tpu.memory_space<semaphore_mem>>) {add = true}
        %dma_wait3A_128 = arith.constant 0 : i32
        %dma_wait3A_129 = arith.constant 0 : i32
        %dma_wait3A_130 = tpu.memref_slice %arg8[%run_scoped3A_95, %dma_wait3A_128, %dma_wait3A_129] : memref<3x128x64xf32, #tpu.memory_space<vmem>> -> memref<1x128x64xf32, #tpu.memory_space<vmem>>
        %dma_wait3A_131 = tpu.memref_squeeze %dma_wait3A_130 : memref<1x128x64xf32, #tpu.memory_space<vmem>> -> memref<128x64xf32, #tpu.memory_space<vmem>>
        %dma_wait3A_132 = arith.constant 0 : i32
        %dma_wait3A_133 = tpu.memref_slice %arg7[%add3A_76, %dma_wait3A_132] : memref<81x128xi32, #tpu.memory_space<vmem>> -> memref<1x128xi32, #tpu.memory_space<vmem>>
        %dma_wait3A_134 = tpu.memref_squeeze %dma_wait3A_133 : memref<1x128xi32, #tpu.memory_space<vmem>> -> memref<128xi32, #tpu.memory_space<vmem>>
        %dma_wait3A_135 = arith.constant 0 : i32
        %dma_wait3A_136 = arith.constant 0 : i32
        %dma_wait3A_137 = tpu.memref_slice %arg10[%dma_wait3A_135, %dma_wait3A_136] : memref<10112x64xf32, #tpu.memory_space<vmem_shared>> -> memref<10112x64xf32, #tpu.memory_space<vmem_shared>>
        tpu.wait_indirect_dma semaphore(%run_scoped3A_117 : memref<!tpu.dma_semaphore, #tpu.memory_space<semaphore_mem>>) src(%dma_wait3A_131 : memref<128x64xf32, #tpu.memory_space<vmem>>) dst(%dma_wait3A_137 : memref<10112x64xf32, #tpu.memory_space<vmem_shared>>)
        tpu.yield
      }) : () -> ()
      %add3A_96 = arith.constant 2 : i32
      %add3A_97 = arith.addi %mul3A_57, %add3A_96 : i32
      %add3A_98 = arith.constant 2 : i32
      %add3A_99 = arith.addi %add3A_97, %add3A_98 : i32
      %lt3A_100 = arith.constant 81 : i32
      %lt3A_101 = arith.cmpi slt, %add3A_99, %lt3A_100 : i32
      %convert_element_type3A_102 = arith.extui %lt3A_101 : i1 to i32
      %cond3A_103 = arith.constant 0 : i32
      %cond3A_104 = arith.cmpi ne, %convert_element_type3A_102, %cond3A_103 : i32
      scf.if %cond3A_104 {
        %dma_start3A_117 = arith.constant 1 : i32
        %dma_start3A_118 = arith.constant 0 : i32
        %dma_start3A_119 = arith.constant 0 : i32
        %dma_start3A_120 = tpu.memref_slice %arg8[%dma_start3A_117, %dma_start3A_118, %dma_start3A_119] : memref<3x128x64xf32, #tpu.memory_space<vmem>> -> memref<1x128x64xf32, #tpu.memory_space<vmem>>
        %dma_start3A_121 = tpu.memref_squeeze %dma_start3A_120 : memref<1x128x64xf32, #tpu.memory_space<vmem>> -> memref<128x64xf32, #tpu.memory_space<vmem>>
        %dma_start3A_122 = arith.constant 0 : i32
        %dma_start3A_123 = tpu.memref_slice %arg6[%add3A_99, %dma_start3A_122] : memref<81x128xi32, #tpu.memory_space<vmem>> -> memref<1x128xi32, #tpu.memory_space<vmem>>
        %dma_start3A_124 = tpu.memref_squeeze %dma_start3A_123 : memref<1x128xi32, #tpu.memory_space<vmem>> -> memref<128xi32, #tpu.memory_space<vmem>>
        %dma_start3A_125 = arith.constant 0 : i32
        %dma_start3A_126 = arith.constant 0 : i32
        %dma_start3A_127 = tpu.memref_slice %arg9[%dma_start3A_125, %dma_start3A_126] : memref<10112x64xf32, #tpu.memory_space<vmem_shared>> -> memref<10112x64xf32, #tpu.memory_space<vmem_shared>>
        tpu.enqueue_indirect_dma source(%dma_start3A_127 : memref<10112x64xf32, #tpu.memory_space<vmem_shared>>) target(%dma_start3A_121 : memref<128x64xf32, #tpu.memory_space<vmem>>) offsets(%dma_start3A_124 : memref<128xi32, #tpu.memory_space<vmem>>) semaphore(%arg12 : memref<!tpu.dma_semaphore, #tpu.memory_space<semaphore_mem>>)
      } else {
      }
      %dma_wait3A_105 = arith.constant 2 : i32
      %dma_wait3A_106 = arith.constant 0 : i32
      %dma_wait3A_107 = arith.constant 0 : i32
      %dma_wait3A_108 = tpu.memref_slice %arg8[%dma_wait3A_105, %dma_wait3A_106, %dma_wait3A_107] : memref<3x128x64xf32, #tpu.memory_space<vmem>> -> memref<1x128x64xf32, #tpu.memory_space<vmem>>
      %dma_wait3A_109 = tpu.memref_squeeze %dma_wait3A_108 : memref<1x128x64xf32, #tpu.memory_space<vmem>> -> memref<128x64xf32, #tpu.memory_space<vmem>>
      %dma_wait3A_110 = arith.constant 0 : i32
      %dma_wait3A_111 = tpu.memref_slice %arg6[%add3A_97, %dma_wait3A_110] : memref<81x128xi32, #tpu.memory_space<vmem>> -> memref<1x128xi32, #tpu.memory_space<vmem>>
      %dma_wait3A_112 = tpu.memref_squeeze %dma_wait3A_111 : memref<1x128xi32, #tpu.memory_space<vmem>> -> memref<128xi32, #tpu.memory_space<vmem>>
      %dma_wait3A_113 = arith.constant 0 : i32
      %dma_wait3A_114 = arith.constant 0 : i32
      %dma_wait3A_115 = tpu.memref_slice %arg9[%dma_wait3A_113, %dma_wait3A_114] : memref<10112x64xf32, #tpu.memory_space<vmem_shared>> -> memref<10112x64xf32, #tpu.memory_space<vmem_shared>>
      tpu.wait_indirect_dma semaphore(%arg13 : memref<!tpu.dma_semaphore, #tpu.memory_space<semaphore_mem>>) src(%dma_wait3A_115 : memref<10112x64xf32, #tpu.memory_space<vmem_shared>>) dst(%dma_wait3A_109 : memref<128x64xf32, #tpu.memory_space<vmem>>)
      %run_scoped3A_116 = arith.constant 2 : i32
      "tpu.region"() ({
        %run_scoped3A_117 = tpu.sem_alloc : memref<!tpu.dma_semaphore, #tpu.memory_space<semaphore_mem>>
        %dma_start3A_118 = arith.constant 0 : i32
        %dma_start3A_119 = arith.constant 0 : i32
        %dma_start3A_120 = tpu.memref_slice %arg8[%run_scoped3A_116, %dma_start3A_118, %dma_start3A_119] : memref<3x128x64xf32, #tpu.memory_space<vmem>> -> memref<1x128x64xf32, #tpu.memory_space<vmem>>
        %dma_start3A_121 = tpu.memref_squeeze %dma_start3A_120 : memref<1x128x64xf32, #tpu.memory_space<vmem>> -> memref<128x64xf32, #tpu.memory_space<vmem>>
        %dma_start3A_122 = arith.constant 0 : i32
        %dma_start3A_123 = tpu.memref_slice %arg7[%add3A_97, %dma_start3A_122] : memref<81x128xi32, #tpu.memory_space<vmem>> -> memref<1x128xi32, #tpu.memory_space<vmem>>
        %dma_start3A_124 = tpu.memref_squeeze %dma_start3A_123 : memref<1x128xi32, #tpu.memory_space<vmem>> -> memref<128xi32, #tpu.memory_space<vmem>>
        %dma_start3A_125 = arith.constant 0 : i32
        %dma_start3A_126 = arith.constant 0 : i32
        %dma_start3A_127 = tpu.memref_slice %arg10[%dma_start3A_125, %dma_start3A_126] : memref<10112x64xf32, #tpu.memory_space<vmem_shared>> -> memref<10112x64xf32, #tpu.memory_space<vmem_shared>>
        tpu.enqueue_indirect_dma source(%dma_start3A_121 : memref<128x64xf32, #tpu.memory_space<vmem>>) target(%dma_start3A_127 : memref<10112x64xf32, #tpu.memory_space<vmem_shared>>) offsets(%dma_start3A_124 : memref<128xi32, #tpu.memory_space<vmem>>) semaphore(%run_scoped3A_117 : memref<!tpu.dma_semaphore, #tpu.memory_space<semaphore_mem>>) {add = true}
        %dma_wait3A_128 = arith.constant 0 : i32
        %dma_wait3A_129 = arith.constant 0 : i32
        %dma_wait3A_130 = tpu.memref_slice %arg8[%run_scoped3A_116, %dma_wait3A_128, %dma_wait3A_129] : memref<3x128x64xf32, #tpu.memory_space<vmem>> -> memref<1x128x64xf32, #tpu.memory_space<vmem>>
        %dma_wait3A_131 = tpu.memref_squeeze %dma_wait3A_130 : memref<1x128x64xf32, #tpu.memory_space<vmem>> -> memref<128x64xf32, #tpu.memory_space<vmem>>
        %dma_wait3A_132 = arith.constant 0 : i32
        %dma_wait3A_133 = tpu.memref_slice %arg7[%add3A_97, %dma_wait3A_132] : memref<81x128xi32, #tpu.memory_space<vmem>> -> memref<1x128xi32, #tpu.memory_space<vmem>>
        %dma_wait3A_134 = tpu.memref_squeeze %dma_wait3A_133 : memref<1x128xi32, #tpu.memory_space<vmem>> -> memref<128xi32, #tpu.memory_space<vmem>>
        %dma_wait3A_135 = arith.constant 0 : i32
        %dma_wait3A_136 = arith.constant 0 : i32
        %dma_wait3A_137 = tpu.memref_slice %arg10[%dma_wait3A_135, %dma_wait3A_136] : memref<10112x64xf32, #tpu.memory_space<vmem_shared>> -> memref<10112x64xf32, #tpu.memory_space<vmem_shared>>
        tpu.wait_indirect_dma semaphore(%run_scoped3A_117 : memref<!tpu.dma_semaphore, #tpu.memory_space<semaphore_mem>>) src(%dma_wait3A_131 : memref<128x64xf32, #tpu.memory_space<vmem>>) dst(%dma_wait3A_137 : memref<10112x64xf32, #tpu.memory_space<vmem_shared>>)
        tpu.yield
      }) : () -> ()
    }
    %scan3A_51 = arith.constant 27 : i32
    %barrier3A_52 = arith.constant 0 : index
    tpu.barrier barrier_id(%barrier3A_52)
    %mul3A_53 = arith.constant 632 : i32
    %mul3A_54 = arith.muli %arg1, %mul3A_53 : i32
    "tpu.region"() ({
      %run_scoped3A_55 = tpu.sem_alloc : memref<!tpu.dma_semaphore, #tpu.memory_space<semaphore_mem>>
      %dma_start3A_56 = arith.constant 0 : i32
      %dma_start3A_57 = arith.constant 0 : i32
      %dma_start3A_58 = tpu.memref_slice %arg5[%arg0, %dma_start3A_56, %dma_start3A_57] : memref<2x10112x64xf32, #tpu.memory_space<hbm>> -> memref<1x10112x64xf32, #tpu.memory_space<hbm>>
      %dma_start3A_59 = tpu.memref_squeeze %dma_start3A_58 : memref<1x10112x64xf32, #tpu.memory_space<hbm>> -> memref<10112x64xf32, #tpu.memory_space<hbm>>
      %dma_start3A_60 = arith.constant 0 : i32
      %dma_start3A_61 = tpu.memref_slice %dma_start3A_59[%mul3A_54, %dma_start3A_60] : memref<10112x64xf32, #tpu.memory_space<hbm>> -> memref<632x64xf32, #tpu.memory_space<hbm>>
      %dma_start3A_62 = arith.constant 0 : i32
      %dma_start3A_63 = tpu.memref_slice %arg10[%mul3A_54, %dma_start3A_62] : memref<10112x64xf32, #tpu.memory_space<vmem_shared>> -> memref<632x64xf32, #tpu.memory_space<vmem_shared>>
      tpu.enqueue_dma source(%dma_start3A_63 : memref<632x64xf32, #tpu.memory_space<vmem_shared>>) target(%dma_start3A_61 : memref<632x64xf32, #tpu.memory_space<hbm>>) target_semaphore(%run_scoped3A_55 : memref<!tpu.dma_semaphore, #tpu.memory_space<semaphore_mem>>)
      %dma_wait3A = arith.constant 0 : i32
      %dma_wait3A_64 = arith.constant 0 : i32
      %dma_wait3A_65 = tpu.memref_slice %arg5[%arg0, %dma_wait3A, %dma_wait3A_64] : memref<2x10112x64xf32, #tpu.memory_space<hbm>> -> memref<1x10112x64xf32, #tpu.memory_space<hbm>>
      %dma_wait3A_66 = tpu.memref_squeeze %dma_wait3A_65 : memref<1x10112x64xf32, #tpu.memory_space<hbm>> -> memref<10112x64xf32, #tpu.memory_space<hbm>>
      %dma_wait3A_67 = arith.constant 0 : i32
      %dma_wait3A_68 = tpu.memref_slice %dma_wait3A_66[%mul3A_54, %dma_wait3A_67] : memref<10112x64xf32, #tpu.memory_space<hbm>> -> memref<632x64xf32, #tpu.memory_space<hbm>>
      %dma_wait3A_69 = arith.constant 0 : i32
      %dma_wait3A_70 = tpu.memref_slice %arg10[%mul3A_54, %dma_wait3A_69] : memref<10112x64xf32, #tpu.memory_space<vmem_shared>> -> memref<632x64xf32, #tpu.memory_space<vmem_shared>>
      tpu.wait_dma2 semaphore(%run_scoped3A_55 : memref<!tpu.dma_semaphore, #tpu.memory_space<semaphore_mem>>) src(%dma_wait3A_70 : memref<632x64xf32, #tpu.memory_space<vmem_shared>>) dst(%dma_wait3A_68 : memref<632x64xf32, #tpu.memory_space<hbm>>)
      tpu.yield
    }) : () -> ()
    return
  }
}

#map = affine_map<(d0, d1) -> (0, 0)>
#map1 = affine_map<(d0, d1) -> (0, 0, 0)>
module attributes {stable_mosaic.version = 14 : i64} {
  func.func @k(%arg0: i32, %arg1: i32, %arg2: memref<10112x64xf32, #tpu.memory_space<hbm>>, %arg3: memref<32x81x128xi32, #tpu.memory_space<hbm>>, %arg4: memref<32x81x128xi32, #tpu.memory_space<hbm>>, %arg5: memref<2x10112x64xf32, #tpu.memory_space<hbm>>, %arg6: memref<81x128xi32, #tpu.memory_space<vmem>>, %arg7: memref<81x128xi32, #tpu.memory_space<vmem>>, %arg8: memref<3x128x64xf32, #tpu.memory_space<vmem>>, %arg9: memref<10112x64xf32, #tpu.memory_space<vmem_shared>>, %arg10: memref<10112x64xf32, #tpu.memory_space<vmem_shared>>, %arg11: memref<!tpu.dma_semaphore, #tpu.memory_space<semaphore_mem>>, %arg12: memref<!tpu.dma_semaphore, #tpu.memory_space<semaphore_mem>>, %arg13: memref<!tpu.dma_semaphore, #tpu.memory_space<semaphore_mem>>) attributes {dimension_semantics = [#tpu.dimension_semantics<core_parallel>, #tpu.dimension_semantics<subcore_parallel>], iteration_bounds = array<i64: 2, 16>, scalar_prefetch = 0 : i64, scratch_operands = 8 : i64, tpu.core_type = #tpu.core_type<sc_vector_subcore>, window_params = [{transform_indices = #map}, {transform_indices = #map1}, {transform_indices = #map1}, {transform_indices = #map1}]} {
    %mul3A = arith.constant 2 : i32
    %mul3A_0 = arith.muli %arg1, %mul3A : i32
    %add3A = arith.addi %mul3A_0, %arg0 : i32
    %mul3A_1 = arith.constant 632 : i32
    %mul3A_2 = arith.muli %arg1, %mul3A_1 : i32
    "tpu.region"() ({
      %run_scoped3A_55 = tpu.sem_alloc : memref<!tpu.dma_semaphore, #tpu.memory_space<semaphore_mem>>
      %dma_start3A_56 = arith.constant 0 : i32
      %dma_start3A_57 = tpu.memref_slice %arg9[%mul3A_2, %dma_start3A_56] : memref<10112x64xf32, #tpu.memory_space<vmem_shared>> -> memref<632x64xf32, #tpu.memory_space<vmem_shared>>
      %dma_start3A_58 = arith.constant 0 : i32
      %dma_start3A_59 = tpu.memref_slice %arg2[%mul3A_2, %dma_start3A_58] : memref<10112x64xf32, #tpu.memory_space<hbm>> -> memref<632x64xf32, #tpu.memory_space<hbm>>
      tpu.enqueue_dma source(%dma_start3A_59 : memref<632x64xf32, #tpu.memory_space<hbm>>) target(%dma_start3A_57 : memref<632x64xf32, #tpu.memory_space<vmem_shared>>) target_semaphore(%run_scoped3A_55 : memref<!tpu.dma_semaphore, #tpu.memory_space<semaphore_mem>>)
      %dma_wait3A = arith.constant 0 : i32
      %dma_wait3A_60 = tpu.memref_slice %arg9[%mul3A_2, %dma_wait3A] : memref<10112x64xf32, #tpu.memory_space<vmem_shared>> -> memref<632x64xf32, #tpu.memory_space<vmem_shared>>
      %dma_wait3A_61 = arith.constant 0 : i32
      %dma_wait3A_62 = tpu.memref_slice %arg2[%mul3A_2, %dma_wait3A_61] : memref<10112x64xf32, #tpu.memory_space<hbm>> -> memref<632x64xf32, #tpu.memory_space<hbm>>
      tpu.wait_dma2 semaphore(%run_scoped3A_55 : memref<!tpu.dma_semaphore, #tpu.memory_space<semaphore_mem>>) src(%dma_wait3A_62 : memref<632x64xf32, #tpu.memory_space<hbm>>) dst(%dma_wait3A_60 : memref<632x64xf32, #tpu.memory_space<vmem_shared>>)
      tpu.yield
    }) : () -> ()
    %broadcast_in_dim3A = arith.constant 0.000000e+00 : f32
    %broadcast_in_dim3A_3 = vector.broadcast %broadcast_in_dim3A : f32 to vector<16xf32>
    %scan3A = arith.constant 0 : i32
    %scan3A_4 = arith.constant 0 : i32
    %scan3A_5 = arith.constant 384 : i32
    %scan3A_6 = arith.addi %scan3A_4, %scan3A_5 : i32
    %scan3A_7 = arith.constant 1 : i32
    scf.for %scan3A_55 = %scan3A_4 to %scan3A_6 step %scan3A_7  : i32 {
      %jit3A = arith.constant 128 : i32
      %div3A = arith.divsi %scan3A_55, %jit3A : i32
      %sign3A = arith.constant 0 : i32
      %sign3A_56 = arith.cmpi sgt, %scan3A_55, %sign3A : i32
      %sign3A_57 = arith.extui %sign3A_56 : i1 to i32
      %sign3A_58 = arith.constant 0 : i32
      %sign3A_59 = arith.cmpi slt, %scan3A_55, %sign3A_58 : i32
      %sign3A_60 = arith.extui %sign3A_59 : i1 to i32
      %sign3A_61 = arith.subi %sign3A_57, %sign3A_60 : i32
      %sign3A_62 = arith.constant 0 : i32
      %sign3A_63 = arith.cmpi sgt, %jit3A, %sign3A_62 : i32
      %sign3A_64 = arith.extui %sign3A_63 : i1 to i32
      %sign3A_65 = arith.constant 0 : i32
      %sign3A_66 = arith.cmpi slt, %jit3A, %sign3A_65 : i32
      %sign3A_67 = arith.extui %sign3A_66 : i1 to i32
      %sign3A_68 = arith.subi %sign3A_64, %sign3A_67 : i32
      %ne3A = arith.cmpi ne, %sign3A_61, %sign3A_68 : i32
      %rem3A = arith.remsi %scan3A_55, %jit3A : i32
      %ne3A_69 = arith.constant 0 : i32
      %ne3A_70 = arith.cmpi ne, %rem3A, %ne3A_69 : i32
      %and3A = arith.andi %ne3A, %ne3A_70 : i1
      %sub3A = arith.constant 1 : i32
      %sub3A_71 = arith.subi %div3A, %sub3A : i32
      %select_n3A = arith.select %and3A, %sub3A_71, %div3A : i32
      %jit3A_72 = arith.constant 128 : i32
      %eq3A = arith.constant 0 : i32
      %eq3A_73 = arith.cmpi eq, %jit3A_72, %eq3A : i32
      %jit3A_74 = arith.constant 1 : i32
      %select_n3A_75 = arith.select %eq3A_73, %jit3A_74, %jit3A_72 : i32
      %rem3A_76 = arith.remsi %scan3A_55, %select_n3A_75 : i32
      %ne3A_77 = arith.constant 0 : i32
      %ne3A_78 = arith.cmpi ne, %rem3A_76, %ne3A_77 : i32
      %lt3A = arith.constant 0 : i32
      %lt3A_79 = arith.cmpi slt, %rem3A_76, %lt3A : i32
      %lt3A_80 = arith.constant 0 : i32
      %lt3A_81 = arith.cmpi slt, %select_n3A_75, %lt3A_80 : i32
      %ne3A_82 = arith.xori %lt3A_79, %lt3A_81 : i1
      %and3A_83 = arith.andi %ne3A_82, %ne3A_78 : i1
      %add3A_84 = arith.addi %rem3A_76, %select_n3A_75 : i32
      %select_n3A_85 = arith.select %and3A_83, %add3A_84, %rem3A_76 : i32
      %swap3A = arith.index_cast %select_n3A : i32 to index
      %swap3A_86 = arith.index_cast %select_n3A_85 : i32 to index
      %swap3A_87 = arith.constant 0 : index
      %swap3A_88 = tpu.vector_load %arg8[%swap3A, %swap3A_86, %swap3A_87] {strides = array<i32>} : memref<3x128x64xf32, #tpu.memory_space<vmem>>, vector<1x1x16xf32>,
      %swap3A_89 = vector.shape_cast %swap3A_88 : vector<1x1x16xf32> to vector<16xf32>
      %swap3A_90 = vector.shape_cast %broadcast_in_dim3A_3 : vector<16xf32> to vector<1x1x16xf32>
      tpu.vector_store %arg8[%swap3A, %swap3A_86, %swap3A_87], %swap3A_90 {strides = array<i32>} : memref<3x128x64xf32, #tpu.memory_space<vmem>>, vector<1x1x16xf32>,
      %swap3A_91 = arith.index_cast %select_n3A : i32 to index
      %swap3A_92 = arith.index_cast %select_n3A_85 : i32 to index
      %swap3A_93 = arith.constant 16 : index
      %swap3A_94 = tpu.vector_load %arg8[%swap3A_91, %swap3A_92, %swap3A_93] {strides = array<i32>} : memref<3x128x64xf32, #tpu.memory_space<vmem>>, vector<1x1x16xf32>,
      %swap3A_95 = vector.shape_cast %swap3A_94 : vector<1x1x16xf32> to vector<16xf32>
      %swap3A_96 = vector.shape_cast %broadcast_in_dim3A_3 : vector<16xf32> to vector<1x1x16xf32>
      tpu.vector_store %arg8[%swap3A_91, %swap3A_92, %swap3A_93], %swap3A_96 {strides = array<i32>} : memref<3x128x64xf32, #tpu.memory_space<vmem>>, vector<1x1x16xf32>,
      %swap3A_97 = arith.index_cast %select_n3A : i32 to index
      %swap3A_98 = arith.index_cast %select_n3A_85 : i32 to index
      %swap3A_99 = arith.constant 32 : index
      %swap3A_100 = tpu.vector_load %arg8[%swap3A_97, %swap3A_98, %swap3A_99] {strides = array<i32>} : memref<3x128x64xf32, #tpu.memory_space<vmem>>, vector<1x1x16xf32>,
      %swap3A_101 = vector.shape_cast %swap3A_100 : vector<1x1x16xf32> to vector<16xf32>
      %swap3A_102 = vector.shape_cast %broadcast_in_dim3A_3 : vector<16xf32> to vector<1x1x16xf32>
      tpu.vector_store %arg8[%swap3A_97, %swap3A_98, %swap3A_99], %swap3A_102 {strides = array<i32>} : memref<3x128x64xf32, #tpu.memory_space<vmem>>, vector<1x1x16xf32>,
      %swap3A_103 = arith.index_cast %select_n3A : i32 to index
      %swap3A_104 = arith.index_cast %select_n3A_85 : i32 to index
      %swap3A_105 = arith.constant 48 : index
      %swap3A_106 = tpu.vector_load %arg8[%swap3A_103, %swap3A_104, %swap3A_105] {strides = array<i32>} : memref<3x128x64xf32, #tpu.memory_space<vmem>>, vector<1x1x16xf32>,
      %swap3A_107 = vector.shape_cast %swap3A_106 : vector<1x1x16xf32> to vector<16xf32>
      %swap3A_108 = vector.shape_cast %broadcast_in_dim3A_3 : vector<16xf32> to vector<1x1x16xf32>
      tpu.vector_store %arg8[%swap3A_103, %swap3A_104, %swap3A_105], %swap3A_108 {strides = array<i32>} : memref<3x128x64xf32, #tpu.memory_space<vmem>>, vector<1x1x16xf32>,
    }
    %scan3A_8 = arith.constant 384 : i32
    %add3A_9 = arith.constant 0 : i32
    %add3A_10 = arith.addi %mul3A_2, %add3A_9 : i32
    %run_scoped3A = arith.constant 0 : i32
    "tpu.region"() ({
      %run_scoped3A_55 = tpu.sem_alloc : memref<!tpu.dma_semaphore, #tpu.memory_space<semaphore_mem>>
      %dma_start3A_56 = arith.constant 0 : i32
      %dma_start3A_57 = arith.constant 0 : i32
      %dma_start3A_58 = tpu.memref_slice %arg8[%run_scoped3A, %dma_start3A_56, %dma_start3A_57] : memref<3x128x64xf32, #tpu.memory_space<vmem>> -> memref<1x128x64xf32, #tpu.memory_space<vmem>>
      %dma_start3A_59 = tpu.memref_squeeze %dma_start3A_58 : memref<1x128x64xf32, #tpu.memory_space<vmem>> -> memref<128x64xf32, #tpu.memory_space<vmem>>
      %dma_start3A_60 = arith.constant 0 : i32
      %dma_start3A_61 = arith.constant 0 : i32
      %dma_start3A_62 = tpu.memref_slice %dma_start3A_59[%dma_start3A_60, %dma_start3A_61] : memref<128x64xf32, #tpu.memory_space<vmem>> -> memref<128x64xf32, #tpu.memory_space<vmem>>
      %dma_start3A_63 = arith.constant 0 : i32
      %dma_start3A_64 = tpu.memref_slice %arg10[%add3A_10, %dma_start3A_63] : memref<10112x64xf32, #tpu.memory_space<vmem_shared>> -> memref<128x64xf32, #tpu.memory_space<vmem_shared>>
      %dma_start3A_65 = arith.constant 0 : i32
      %dma_start3A_66 = tpu.memref_slice %arg10[%add3A_10, %dma_start3A_65] : memref<10112x64xf32, #tpu.memory_space<vmem_shared>> -> memref<128x64xf32, #tpu.memory_space<vmem_shared>>
      %dma_start3A_67 = arith.constant 0 : i32
      %dma_start3A_68 = arith.constant 0 : i32
      %dma_start3A_69 = tpu.memref_slice %arg8[%run_scoped3A, %dma_start3A_67, %dma_start3A_68] : memref<3x128x64xf32, #tpu.memory_space<vmem>> -> memref<1x128x64xf32, #tpu.memory_space<vmem>>
      %dma_start3A_70 = tpu.memref_squeeze %dma_start3A_69 : memref<1x128x64xf32, #tpu.memory_space<vmem>> -> memref<128x64xf32, #tpu.memory_space<vmem>>
      %dma_start3A_71 = arith.constant 0 : i32
      %dma_start3A_72 = arith.constant 0 : i32
      %dma_start3A_73 = tpu.memref_slice %dma_start3A_70[%dma_start3A_71, %dma_start3A_72] : memref<128x64xf32, #tpu.memory_space<vmem>> -> memref<128x64xf32, #tpu.memory_space<vmem>>
      tpu.enqueue_dma source(%dma_start3A_73 : memref<128x64xf32, #tpu.memory_space<vmem>>) target(%dma_start3A_66 : memref<128x64xf32, #tpu.memory_space<vmem_shared>>) target_semaphore(%run_scoped3A_55 : memref<!tpu.dma_semaphore, #tpu.memory_space<semaphore_mem>>)
      %dma_wait3A = arith.constant 0 : i32
      %dma_wait3A_74 = arith.constant 0 : i32
      %dma_wait3A_75 = tpu.memref_slice %arg8[%run_scoped3A, %dma_wait3A, %dma_wait3A_74] : memref<3x128x64xf32, #tpu.memory_space<vmem>> -> memref<1x128x64xf32, #tpu.memory_space<vmem>>
      %dma_wait3A_76 = tpu.memref_squeeze %dma_wait3A_75 : memref<1x128x64xf32, #tpu.memory_space<vmem>> -> memref<128x64xf32, #tpu.memory_space<vmem>>
      %dma_wait3A_77 = arith.constant 0 : i32
      %dma_wait3A_78 = arith.constant 0 : i32
      %dma_wait3A_79 = tpu.memref_slice %dma_wait3A_76[%dma_wait3A_77, %dma_wait3A_78] : memref<128x64xf32, #tpu.memory_space<vmem>> -> memref<128x64xf32, #tpu.memory_space<vmem>>
      %dma_wait3A_80 = arith.constant 0 : i32
      %dma_wait3A_81 = tpu.memref_slice %arg10[%add3A_10, %dma_wait3A_80] : memref<10112x64xf32, #tpu.memory_space<vmem_shared>> -> memref<128x64xf32, #tpu.memory_space<vmem_shared>>
      %dma_wait3A_82 = arith.constant 0 : i32
      %dma_wait3A_83 = tpu.memref_slice %arg10[%add3A_10, %dma_wait3A_82] : memref<10112x64xf32, #tpu.memory_space<vmem_shared>> -> memref<128x64xf32, #tpu.memory_space<vmem_shared>>
      %dma_wait3A_84 = arith.constant 0 : i32
      %dma_wait3A_85 = arith.constant 0 : i32
      %dma_wait3A_86 = tpu.memref_slice %arg8[%run_scoped3A, %dma_wait3A_84, %dma_wait3A_85] : memref<3x128x64xf32, #tpu.memory_space<vmem>> -> memref<1x128x64xf32, #tpu.memory_space<vmem>>
      %dma_wait3A_87 = tpu.memref_squeeze %dma_wait3A_86 : memref<1x128x64xf32, #tpu.memory_space<vmem>> -> memref<128x64xf32, #tpu.memory_space<vmem>>
      %dma_wait3A_88 = arith.constant 0 : i32
      %dma_wait3A_89 = arith.constant 0 : i32
      %dma_wait3A_90 = tpu.memref_slice %dma_wait3A_87[%dma_wait3A_88, %dma_wait3A_89] : memref<128x64xf32, #tpu.memory_space<vmem>> -> memref<128x64xf32, #tpu.memory_space<vmem>>
      tpu.wait_dma2 semaphore(%run_scoped3A_55 : memref<!tpu.dma_semaphore, #tpu.memory_space<semaphore_mem>>) src(%dma_wait3A_90 : memref<128x64xf32, #tpu.memory_space<vmem>>) dst(%dma_wait3A_83 : memref<128x64xf32, #tpu.memory_space<vmem_shared>>)
      tpu.yield
    }) : () -> ()
    %add3A_11 = arith.constant 128 : i32
    %add3A_12 = arith.addi %mul3A_2, %add3A_11 : i32
    %run_scoped3A_13 = arith.constant 1 : i32
    "tpu.region"() ({
      %run_scoped3A_55 = tpu.sem_alloc : memref<!tpu.dma_semaphore, #tpu.memory_space<semaphore_mem>>
      %dma_start3A_56 = arith.constant 0 : i32
      %dma_start3A_57 = arith.constant 0 : i32
      %dma_start3A_58 = tpu.memref_slice %arg8[%run_scoped3A_13, %dma_start3A_56, %dma_start3A_57] : memref<3x128x64xf32, #tpu.memory_space<vmem>> -> memref<1x128x64xf32, #tpu.memory_space<vmem>>
      %dma_start3A_59 = tpu.memref_squeeze %dma_start3A_58 : memref<1x128x64xf32, #tpu.memory_space<vmem>> -> memref<128x64xf32, #tpu.memory_space<vmem>>
      %dma_start3A_60 = arith.constant 0 : i32
      %dma_start3A_61 = arith.constant 0 : i32
      %dma_start3A_62 = tpu.memref_slice %dma_start3A_59[%dma_start3A_60, %dma_start3A_61] : memref<128x64xf32, #tpu.memory_space<vmem>> -> memref<128x64xf32, #tpu.memory_space<vmem>>
      %dma_start3A_63 = arith.constant 0 : i32
      %dma_start3A_64 = tpu.memref_slice %arg10[%add3A_12, %dma_start3A_63] : memref<10112x64xf32, #tpu.memory_space<vmem_shared>> -> memref<128x64xf32, #tpu.memory_space<vmem_shared>>
      %dma_start3A_65 = arith.constant 0 : i32
      %dma_start3A_66 = tpu.memref_slice %arg10[%add3A_12, %dma_start3A_65] : memref<10112x64xf32, #tpu.memory_space<vmem_shared>> -> memref<128x64xf32, #tpu.memory_space<vmem_shared>>
      %dma_start3A_67 = arith.constant 0 : i32
      %dma_start3A_68 = arith.constant 0 : i32
      %dma_start3A_69 = tpu.memref_slice %arg8[%run_scoped3A_13, %dma_start3A_67, %dma_start3A_68] : memref<3x128x64xf32, #tpu.memory_space<vmem>> -> memref<1x128x64xf32, #tpu.memory_space<vmem>>
      %dma_start3A_70 = tpu.memref_squeeze %dma_start3A_69 : memref<1x128x64xf32, #tpu.memory_space<vmem>> -> memref<128x64xf32, #tpu.memory_space<vmem>>
      %dma_start3A_71 = arith.constant 0 : i32
      %dma_start3A_72 = arith.constant 0 : i32
      %dma_start3A_73 = tpu.memref_slice %dma_start3A_70[%dma_start3A_71, %dma_start3A_72] : memref<128x64xf32, #tpu.memory_space<vmem>> -> memref<128x64xf32, #tpu.memory_space<vmem>>
      tpu.enqueue_dma source(%dma_start3A_73 : memref<128x64xf32, #tpu.memory_space<vmem>>) target(%dma_start3A_66 : memref<128x64xf32, #tpu.memory_space<vmem_shared>>) target_semaphore(%run_scoped3A_55 : memref<!tpu.dma_semaphore, #tpu.memory_space<semaphore_mem>>)
      %dma_wait3A = arith.constant 0 : i32
      %dma_wait3A_74 = arith.constant 0 : i32
      %dma_wait3A_75 = tpu.memref_slice %arg8[%run_scoped3A_13, %dma_wait3A, %dma_wait3A_74] : memref<3x128x64xf32, #tpu.memory_space<vmem>> -> memref<1x128x64xf32, #tpu.memory_space<vmem>>
      %dma_wait3A_76 = tpu.memref_squeeze %dma_wait3A_75 : memref<1x128x64xf32, #tpu.memory_space<vmem>> -> memref<128x64xf32, #tpu.memory_space<vmem>>
      %dma_wait3A_77 = arith.constant 0 : i32
      %dma_wait3A_78 = arith.constant 0 : i32
      %dma_wait3A_79 = tpu.memref_slice %dma_wait3A_76[%dma_wait3A_77, %dma_wait3A_78] : memref<128x64xf32, #tpu.memory_space<vmem>> -> memref<128x64xf32, #tpu.memory_space<vmem>>
      %dma_wait3A_80 = arith.constant 0 : i32
      %dma_wait3A_81 = tpu.memref_slice %arg10[%add3A_12, %dma_wait3A_80] : memref<10112x64xf32, #tpu.memory_space<vmem_shared>> -> memref<128x64xf32, #tpu.memory_space<vmem_shared>>
      %dma_wait3A_82 = arith.constant 0 : i32
      %dma_wait3A_83 = tpu.memref_slice %arg10[%add3A_12, %dma_wait3A_82] : memref<10112x64xf32, #tpu.memory_space<vmem_shared>> -> memref<128x64xf32, #tpu.memory_space<vmem_shared>>
      %dma_wait3A_84 = arith.constant 0 : i32
      %dma_wait3A_85 = arith.constant 0 : i32
      %dma_wait3A_86 = tpu.memref_slice %arg8[%run_scoped3A_13, %dma_wait3A_84, %dma_wait3A_85] : memref<3x128x64xf32, #tpu.memory_space<vmem>> -> memref<1x128x64xf32, #tpu.memory_space<vmem>>
      %dma_wait3A_87 = tpu.memref_squeeze %dma_wait3A_86 : memref<1x128x64xf32, #tpu.memory_space<vmem>> -> memref<128x64xf32, #tpu.memory_space<vmem>>
      %dma_wait3A_88 = arith.constant 0 : i32
      %dma_wait3A_89 = arith.constant 0 : i32
      %dma_wait3A_90 = tpu.memref_slice %dma_wait3A_87[%dma_wait3A_88, %dma_wait3A_89] : memref<128x64xf32, #tpu.memory_space<vmem>> -> memref<128x64xf32, #tpu.memory_space<vmem>>
      tpu.wait_dma2 semaphore(%run_scoped3A_55 : memref<!tpu.dma_semaphore, #tpu.memory_space<semaphore_mem>>) src(%dma_wait3A_90 : memref<128x64xf32, #tpu.memory_space<vmem>>) dst(%dma_wait3A_83 : memref<128x64xf32, #tpu.memory_space<vmem_shared>>)
      tpu.yield
    }) : () -> ()
    %add3A_14 = arith.constant 256 : i32
    %add3A_15 = arith.addi %mul3A_2, %add3A_14 : i32
    %run_scoped3A_16 = arith.constant 2 : i32
    "tpu.region"() ({
      %run_scoped3A_55 = tpu.sem_alloc : memref<!tpu.dma_semaphore, #tpu.memory_space<semaphore_mem>>
      %dma_start3A_56 = arith.constant 0 : i32
      %dma_start3A_57 = arith.constant 0 : i32
      %dma_start3A_58 = tpu.memref_slice %arg8[%run_scoped3A_16, %dma_start3A_56, %dma_start3A_57] : memref<3x128x64xf32, #tpu.memory_space<vmem>> -> memref<1x128x64xf32, #tpu.memory_space<vmem>>
      %dma_start3A_59 = tpu.memref_squeeze %dma_start3A_58 : memref<1x128x64xf32, #tpu.memory_space<vmem>> -> memref<128x64xf32, #tpu.memory_space<vmem>>
      %dma_start3A_60 = arith.constant 0 : i32
      %dma_start3A_61 = arith.constant 0 : i32
      %dma_start3A_62 = tpu.memref_slice %dma_start3A_59[%dma_start3A_60, %dma_start3A_61] : memref<128x64xf32, #tpu.memory_space<vmem>> -> memref<128x64xf32, #tpu.memory_space<vmem>>
      %dma_start3A_63 = arith.constant 0 : i32
      %dma_start3A_64 = tpu.memref_slice %arg10[%add3A_15, %dma_start3A_63] : memref<10112x64xf32, #tpu.memory_space<vmem_shared>> -> memref<128x64xf32, #tpu.memory_space<vmem_shared>>
      %dma_start3A_65 = arith.constant 0 : i32
      %dma_start3A_66 = tpu.memref_slice %arg10[%add3A_15, %dma_start3A_65] : memref<10112x64xf32, #tpu.memory_space<vmem_shared>> -> memref<128x64xf32, #tpu.memory_space<vmem_shared>>
      %dma_start3A_67 = arith.constant 0 : i32
      %dma_start3A_68 = arith.constant 0 : i32
      %dma_start3A_69 = tpu.memref_slice %arg8[%run_scoped3A_16, %dma_start3A_67, %dma_start3A_68] : memref<3x128x64xf32, #tpu.memory_space<vmem>> -> memref<1x128x64xf32, #tpu.memory_space<vmem>>
      %dma_start3A_70 = tpu.memref_squeeze %dma_start3A_69 : memref<1x128x64xf32, #tpu.memory_space<vmem>> -> memref<128x64xf32, #tpu.memory_space<vmem>>
      %dma_start3A_71 = arith.constant 0 : i32
      %dma_start3A_72 = arith.constant 0 : i32
      %dma_start3A_73 = tpu.memref_slice %dma_start3A_70[%dma_start3A_71, %dma_start3A_72] : memref<128x64xf32, #tpu.memory_space<vmem>> -> memref<128x64xf32, #tpu.memory_space<vmem>>
      tpu.enqueue_dma source(%dma_start3A_73 : memref<128x64xf32, #tpu.memory_space<vmem>>) target(%dma_start3A_66 : memref<128x64xf32, #tpu.memory_space<vmem_shared>>) target_semaphore(%run_scoped3A_55 : memref<!tpu.dma_semaphore, #tpu.memory_space<semaphore_mem>>)
      %dma_wait3A = arith.constant 0 : i32
      %dma_wait3A_74 = arith.constant 0 : i32
      %dma_wait3A_75 = tpu.memref_slice %arg8[%run_scoped3A_16, %dma_wait3A, %dma_wait3A_74] : memref<3x128x64xf32, #tpu.memory_space<vmem>> -> memref<1x128x64xf32, #tpu.memory_space<vmem>>
      %dma_wait3A_76 = tpu.memref_squeeze %dma_wait3A_75 : memref<1x128x64xf32, #tpu.memory_space<vmem>> -> memref<128x64xf32, #tpu.memory_space<vmem>>
      %dma_wait3A_77 = arith.constant 0 : i32
      %dma_wait3A_78 = arith.constant 0 : i32
      %dma_wait3A_79 = tpu.memref_slice %dma_wait3A_76[%dma_wait3A_77, %dma_wait3A_78] : memref<128x64xf32, #tpu.memory_space<vmem>> -> memref<128x64xf32, #tpu.memory_space<vmem>>
      %dma_wait3A_80 = arith.constant 0 : i32
      %dma_wait3A_81 = tpu.memref_slice %arg10[%add3A_15, %dma_wait3A_80] : memref<10112x64xf32, #tpu.memory_space<vmem_shared>> -> memref<128x64xf32, #tpu.memory_space<vmem_shared>>
      %dma_wait3A_82 = arith.constant 0 : i32
      %dma_wait3A_83 = tpu.memref_slice %arg10[%add3A_15, %dma_wait3A_82] : memref<10112x64xf32, #tpu.memory_space<vmem_shared>> -> memref<128x64xf32, #tpu.memory_space<vmem_shared>>
      %dma_wait3A_84 = arith.constant 0 : i32
      %dma_wait3A_85 = arith.constant 0 : i32
      %dma_wait3A_86 = tpu.memref_slice %arg8[%run_scoped3A_16, %dma_wait3A_84, %dma_wait3A_85] : memref<3x128x64xf32, #tpu.memory_space<vmem>> -> memref<1x128x64xf32, #tpu.memory_space<vmem>>
      %dma_wait3A_87 = tpu.memref_squeeze %dma_wait3A_86 : memref<1x128x64xf32, #tpu.memory_space<vmem>> -> memref<128x64xf32, #tpu.memory_space<vmem>>
      %dma_wait3A_88 = arith.constant 0 : i32
      %dma_wait3A_89 = arith.constant 0 : i32
      %dma_wait3A_90 = tpu.memref_slice %dma_wait3A_87[%dma_wait3A_88, %dma_wait3A_89] : memref<128x64xf32, #tpu.memory_space<vmem>> -> memref<128x64xf32, #tpu.memory_space<vmem>>
      tpu.wait_dma2 semaphore(%run_scoped3A_55 : memref<!tpu.dma_semaphore, #tpu.memory_space<semaphore_mem>>) src(%dma_wait3A_90 : memref<128x64xf32, #tpu.memory_space<vmem>>) dst(%dma_wait3A_83 : memref<128x64xf32, #tpu.memory_space<vmem_shared>>)
      tpu.yield
    }) : () -> ()
    %add3A_17 = arith.constant 384 : i32
    %add3A_18 = arith.addi %mul3A_2, %add3A_17 : i32
    %run_scoped3A_19 = arith.constant 0 : i32
    "tpu.region"() ({
      %run_scoped3A_55 = tpu.sem_alloc : memref<!tpu.dma_semaphore, #tpu.memory_space<semaphore_mem>>
      %dma_start3A_56 = arith.constant 0 : i32
      %dma_start3A_57 = arith.constant 0 : i32
      %dma_start3A_58 = tpu.memref_slice %arg8[%run_scoped3A_19, %dma_start3A_56, %dma_start3A_57] : memref<3x128x64xf32, #tpu.memory_space<vmem>> -> memref<1x128x64xf32, #tpu.memory_space<vmem>>
      %dma_start3A_59 = tpu.memref_squeeze %dma_start3A_58 : memref<1x128x64xf32, #tpu.memory_space<vmem>> -> memref<128x64xf32, #tpu.memory_space<vmem>>
      %dma_start3A_60 = arith.constant 0 : i32
      %dma_start3A_61 = arith.constant 0 : i32
      %dma_start3A_62 = tpu.memref_slice %dma_start3A_59[%dma_start3A_60, %dma_start3A_61] : memref<128x64xf32, #tpu.memory_space<vmem>> -> memref<128x64xf32, #tpu.memory_space<vmem>>
      %dma_start3A_63 = arith.constant 0 : i32
      %dma_start3A_64 = tpu.memref_slice %arg10[%add3A_18, %dma_start3A_63] : memref<10112x64xf32, #tpu.memory_space<vmem_shared>> -> memref<128x64xf32, #tpu.memory_space<vmem_shared>>
      %dma_start3A_65 = arith.constant 0 : i32
      %dma_start3A_66 = tpu.memref_slice %arg10[%add3A_18, %dma_start3A_65] : memref<10112x64xf32, #tpu.memory_space<vmem_shared>> -> memref<128x64xf32, #tpu.memory_space<vmem_shared>>
      %dma_start3A_67 = arith.constant 0 : i32
      %dma_start3A_68 = arith.constant 0 : i32
      %dma_start3A_69 = tpu.memref_slice %arg8[%run_scoped3A_19, %dma_start3A_67, %dma_start3A_68] : memref<3x128x64xf32, #tpu.memory_space<vmem>> -> memref<1x128x64xf32, #tpu.memory_space<vmem>>
      %dma_start3A_70 = tpu.memref_squeeze %dma_start3A_69 : memref<1x128x64xf32, #tpu.memory_space<vmem>> -> memref<128x64xf32, #tpu.memory_space<vmem>>
      %dma_start3A_71 = arith.constant 0 : i32
      %dma_start3A_72 = arith.constant 0 : i32
      %dma_start3A_73 = tpu.memref_slice %dma_start3A_70[%dma_start3A_71, %dma_start3A_72] : memref<128x64xf32, #tpu.memory_space<vmem>> -> memref<128x64xf32, #tpu.memory_space<vmem>>
      tpu.enqueue_dma source(%dma_start3A_73 : memref<128x64xf32, #tpu.memory_space<vmem>>) target(%dma_start3A_66 : memref<128x64xf32, #tpu.memory_space<vmem_shared>>) target_semaphore(%run_scoped3A_55 : memref<!tpu.dma_semaphore, #tpu.memory_space<semaphore_mem>>)
      %dma_wait3A = arith.constant 0 : i32
      %dma_wait3A_74 = arith.constant 0 : i32
      %dma_wait3A_75 = tpu.memref_slice %arg8[%run_scoped3A_19, %dma_wait3A, %dma_wait3A_74] : memref<3x128x64xf32, #tpu.memory_space<vmem>> -> memref<1x128x64xf32, #tpu.memory_space<vmem>>
      %dma_wait3A_76 = tpu.memref_squeeze %dma_wait3A_75 : memref<1x128x64xf32, #tpu.memory_space<vmem>> -> memref<128x64xf32, #tpu.memory_space<vmem>>
      %dma_wait3A_77 = arith.constant 0 : i32
      %dma_wait3A_78 = arith.constant 0 : i32
      %dma_wait3A_79 = tpu.memref_slice %dma_wait3A_76[%dma_wait3A_77, %dma_wait3A_78] : memref<128x64xf32, #tpu.memory_space<vmem>> -> memref<128x64xf32, #tpu.memory_space<vmem>>
      %dma_wait3A_80 = arith.constant 0 : i32
      %dma_wait3A_81 = tpu.memref_slice %arg10[%add3A_18, %dma_wait3A_80] : memref<10112x64xf32, #tpu.memory_space<vmem_shared>> -> memref<128x64xf32, #tpu.memory_space<vmem_shared>>
      %dma_wait3A_82 = arith.constant 0 : i32
      %dma_wait3A_83 = tpu.memref_slice %arg10[%add3A_18, %dma_wait3A_82] : memref<10112x64xf32, #tpu.memory_space<vmem_shared>> -> memref<128x64xf32, #tpu.memory_space<vmem_shared>>
      %dma_wait3A_84 = arith.constant 0 : i32
      %dma_wait3A_85 = arith.constant 0 : i32
      %dma_wait3A_86 = tpu.memref_slice %arg8[%run_scoped3A_19, %dma_wait3A_84, %dma_wait3A_85] : memref<3x128x64xf32, #tpu.memory_space<vmem>> -> memref<1x128x64xf32, #tpu.memory_space<vmem>>
      %dma_wait3A_87 = tpu.memref_squeeze %dma_wait3A_86 : memref<1x128x64xf32, #tpu.memory_space<vmem>> -> memref<128x64xf32, #tpu.memory_space<vmem>>
      %dma_wait3A_88 = arith.constant 0 : i32
      %dma_wait3A_89 = arith.constant 0 : i32
      %dma_wait3A_90 = tpu.memref_slice %dma_wait3A_87[%dma_wait3A_88, %dma_wait3A_89] : memref<128x64xf32, #tpu.memory_space<vmem>> -> memref<128x64xf32, #tpu.memory_space<vmem>>
      tpu.wait_dma2 semaphore(%run_scoped3A_55 : memref<!tpu.dma_semaphore, #tpu.memory_space<semaphore_mem>>) src(%dma_wait3A_90 : memref<128x64xf32, #tpu.memory_space<vmem>>) dst(%dma_wait3A_83 : memref<128x64xf32, #tpu.memory_space<vmem_shared>>)
      tpu.yield
    }) : () -> ()
    %add3A_20 = arith.constant 512 : i32
    %add3A_21 = arith.addi %mul3A_2, %add3A_20 : i32
    %run_scoped3A_22 = arith.constant 1 : i32
    "tpu.region"() ({
      %run_scoped3A_55 = tpu.sem_alloc : memref<!tpu.dma_semaphore, #tpu.memory_space<semaphore_mem>>
      %dma_start3A_56 = arith.constant 0 : i32
      %dma_start3A_57 = arith.constant 0 : i32
      %dma_start3A_58 = tpu.memref_slice %arg8[%run_scoped3A_22, %dma_start3A_56, %dma_start3A_57] : memref<3x128x64xf32, #tpu.memory_space<vmem>> -> memref<1x128x64xf32, #tpu.memory_space<vmem>>
      %dma_start3A_59 = tpu.memref_squeeze %dma_start3A_58 : memref<1x128x64xf32, #tpu.memory_space<vmem>> -> memref<128x64xf32, #tpu.memory_space<vmem>>
      %dma_start3A_60 = arith.constant 0 : i32
      %dma_start3A_61 = arith.constant 0 : i32
      %dma_start3A_62 = tpu.memref_slice %dma_start3A_59[%dma_start3A_60, %dma_start3A_61] : memref<128x64xf32, #tpu.memory_space<vmem>> -> memref<120x64xf32, #tpu.memory_space<vmem>>
      %dma_start3A_63 = arith.constant 0 : i32
      %dma_start3A_64 = tpu.memref_slice %arg10[%add3A_21, %dma_start3A_63] : memref<10112x64xf32, #tpu.memory_space<vmem_shared>> -> memref<120x64xf32, #tpu.memory_space<vmem_shared>>
      %dma_start3A_65 = arith.constant 0 : i32
      %dma_start3A_66 = tpu.memref_slice %arg10[%add3A_21, %dma_start3A_65] : memref<10112x64xf32, #tpu.memory_space<vmem_shared>> -> memref<120x64xf32, #tpu.memory_space<vmem_shared>>
      %dma_start3A_67 = arith.constant 0 : i32
      %dma_start3A_68 = arith.constant 0 : i32
      %dma_start3A_69 = tpu.memref_slice %arg8[%run_scoped3A_22, %dma_start3A_67, %dma_start3A_68] : memref<3x128x64xf32, #tpu.memory_space<vmem>> -> memref<1x128x64xf32, #tpu.memory_space<vmem>>
      %dma_start3A_70 = tpu.memref_squeeze %dma_start3A_69 : memref<1x128x64xf32, #tpu.memory_space<vmem>> -> memref<128x64xf32, #tpu.memory_space<vmem>>
      %dma_start3A_71 = arith.constant 0 : i32
      %dma_start3A_72 = arith.constant 0 : i32
      %dma_start3A_73 = tpu.memref_slice %dma_start3A_70[%dma_start3A_71, %dma_start3A_72] : memref<128x64xf32, #tpu.memory_space<vmem>> -> memref<120x64xf32, #tpu.memory_space<vmem>>
      tpu.enqueue_dma source(%dma_start3A_73 : memref<120x64xf32, #tpu.memory_space<vmem>>) target(%dma_start3A_66 : memref<120x64xf32, #tpu.memory_space<vmem_shared>>) target_semaphore(%run_scoped3A_55 : memref<!tpu.dma_semaphore, #tpu.memory_space<semaphore_mem>>)
      %dma_wait3A = arith.constant 0 : i32
      %dma_wait3A_74 = arith.constant 0 : i32
      %dma_wait3A_75 = tpu.memref_slice %arg8[%run_scoped3A_22, %dma_wait3A, %dma_wait3A_74] : memref<3x128x64xf32, #tpu.memory_space<vmem>> -> memref<1x128x64xf32, #tpu.memory_space<vmem>>
      %dma_wait3A_76 = tpu.memref_squeeze %dma_wait3A_75 : memref<1x128x64xf32, #tpu.memory_space<vmem>> -> memref<128x64xf32, #tpu.memory_space<vmem>>
      %dma_wait3A_77 = arith.constant 0 : i32
      %dma_wait3A_78 = arith.constant 0 : i32
      %dma_wait3A_79 = tpu.memref_slice %dma_wait3A_76[%dma_wait3A_77, %dma_wait3A_78] : memref<128x64xf32, #tpu.memory_space<vmem>> -> memref<120x64xf32, #tpu.memory_space<vmem>>
      %dma_wait3A_80 = arith.constant 0 : i32
      %dma_wait3A_81 = tpu.memref_slice %arg10[%add3A_21, %dma_wait3A_80] : memref<10112x64xf32, #tpu.memory_space<vmem_shared>> -> memref<120x64xf32, #tpu.memory_space<vmem_shared>>
      %dma_wait3A_82 = arith.constant 0 : i32
      %dma_wait3A_83 = tpu.memref_slice %arg10[%add3A_21, %dma_wait3A_82] : memref<10112x64xf32, #tpu.memory_space<vmem_shared>> -> memref<120x64xf32, #tpu.memory_space<vmem_shared>>
      %dma_wait3A_84 = arith.constant 0 : i32
      %dma_wait3A_85 = arith.constant 0 : i32
      %dma_wait3A_86 = tpu.memref_slice %arg8[%run_scoped3A_22, %dma_wait3A_84, %dma_wait3A_85] : memref<3x128x64xf32, #tpu.memory_space<vmem>> -> memref<1x128x64xf32, #tpu.memory_space<vmem>>
      %dma_wait3A_87 = tpu.memref_squeeze %dma_wait3A_86 : memref<1x128x64xf32, #tpu.memory_space<vmem>> -> memref<128x64xf32, #tpu.memory_space<vmem>>
      %dma_wait3A_88 = arith.constant 0 : i32
      %dma_wait3A_89 = arith.constant 0 : i32
      %dma_wait3A_90 = tpu.memref_slice %dma_wait3A_87[%dma_wait3A_88, %dma_wait3A_89] : memref<128x64xf32, #tpu.memory_space<vmem>> -> memref<120x64xf32, #tpu.memory_space<vmem>>
      tpu.wait_dma2 semaphore(%run_scoped3A_55 : memref<!tpu.dma_semaphore, #tpu.memory_space<semaphore_mem>>) src(%dma_wait3A_90 : memref<120x64xf32, #tpu.memory_space<vmem>>) dst(%dma_wait3A_83 : memref<120x64xf32, #tpu.memory_space<vmem_shared>>)
      tpu.yield
    }) : () -> ()
    "tpu.region"() ({
      %run_scoped3A_55 = tpu.sem_alloc : memref<!tpu.dma_semaphore, #tpu.memory_space<semaphore_mem>>
      %dma_start3A_56 = arith.constant 0 : i32
      %dma_start3A_57 = arith.constant 0 : i32
      %dma_start3A_58 = tpu.memref_slice %arg3[%add3A, %dma_start3A_56, %dma_start3A_57] : memref<32x81x128xi32, #tpu.memory_space<hbm>> -> memref<1x81x128xi32, #tpu.memory_space<hbm>>
      %dma_start3A_59 = tpu.memref_squeeze %dma_start3A_58 : memref<1x81x128xi32, #tpu.memory_space<hbm>> -> memref<81x128xi32, #tpu.memory_space<hbm>>
      %dma_start3A_60 = arith.constant 0 : i32
      %dma_start3A_61 = arith.constant 0 : i32
      %dma_start3A_62 = tpu.memref_slice %arg3[%add3A, %dma_start3A_60, %dma_start3A_61] : memref<32x81x128xi32, #tpu.memory_space<hbm>> -> memref<1x81x128xi32, #tpu.memory_space<hbm>>
      %dma_start3A_63 = tpu.memref_squeeze %dma_start3A_62 : memref<1x81x128xi32, #tpu.memory_space<hbm>> -> memref<81x128xi32, #tpu.memory_space<hbm>>
      tpu.enqueue_dma source(%dma_start3A_63 : memref<81x128xi32, #tpu.memory_space<hbm>>) target(%arg6 : memref<81x128xi32, #tpu.memory_space<vmem>>) target_semaphore(%run_scoped3A_55 : memref<!tpu.dma_semaphore, #tpu.memory_space<semaphore_mem>>)
      %dma_wait3A = arith.constant 0 : i32
      %dma_wait3A_64 = arith.constant 0 : i32
      %dma_wait3A_65 = tpu.memref_slice %arg3[%add3A, %dma_wait3A, %dma_wait3A_64] : memref<32x81x128xi32, #tpu.memory_space<hbm>> -> memref<1x81x128xi32, #tpu.memory_space<hbm>>
      %dma_wait3A_66 = tpu.memref_squeeze %dma_wait3A_65 : memref<1x81x128xi32, #tpu.memory_space<hbm>> -> memref<81x128xi32, #tpu.memory_space<hbm>>
      %dma_wait3A_67 = arith.constant 0 : i32
      %dma_wait3A_68 = arith.constant 0 : i32
      %dma_wait3A_69 = tpu.memref_slice %arg3[%add3A, %dma_wait3A_67, %dma_wait3A_68] : memref<32x81x128xi32, #tpu.memory_space<hbm>> -> memref<1x81x128xi32, #tpu.memory_space<hbm>>
      %dma_wait3A_70 = tpu.memref_squeeze %dma_wait3A_69 : memref<1x81x128xi32, #tpu.memory_space<hbm>> -> memref<81x128xi32, #tpu.memory_space<hbm>>
      tpu.wait_dma2 semaphore(%run_scoped3A_55 : memref<!tpu.dma_semaphore, #tpu.memory_space<semaphore_mem>>) src(%dma_wait3A_70 : memref<81x128xi32, #tpu.memory_space<hbm>>) dst(%arg6 : memref<81x128xi32, #tpu.memory_space<vmem>>)
      tpu.yield
    }) : () -> ()
    "tpu.region"() ({
      %run_scoped3A_55 = tpu.sem_alloc : memref<!tpu.dma_semaphore, #tpu.memory_space<semaphore_mem>>
      %dma_start3A_56 = arith.constant 0 : i32
      %dma_start3A_57 = arith.constant 0 : i32
      %dma_start3A_58 = tpu.memref_slice %arg4[%add3A, %dma_start3A_56, %dma_start3A_57] : memref<32x81x128xi32, #tpu.memory_space<hbm>> -> memref<1x81x128xi32, #tpu.memory_space<hbm>>
      %dma_start3A_59 = tpu.memref_squeeze %dma_start3A_58 : memref<1x81x128xi32, #tpu.memory_space<hbm>> -> memref<81x128xi32, #tpu.memory_space<hbm>>
      %dma_start3A_60 = arith.constant 0 : i32
      %dma_start3A_61 = arith.constant 0 : i32
      %dma_start3A_62 = tpu.memref_slice %arg4[%add3A, %dma_start3A_60, %dma_start3A_61] : memref<32x81x128xi32, #tpu.memory_space<hbm>> -> memref<1x81x128xi32, #tpu.memory_space<hbm>>
      %dma_start3A_63 = tpu.memref_squeeze %dma_start3A_62 : memref<1x81x128xi32, #tpu.memory_space<hbm>> -> memref<81x128xi32, #tpu.memory_space<hbm>>
      tpu.enqueue_dma source(%dma_start3A_63 : memref<81x128xi32, #tpu.memory_space<hbm>>) target(%arg7 : memref<81x128xi32, #tpu.memory_space<vmem>>) target_semaphore(%run_scoped3A_55 : memref<!tpu.dma_semaphore, #tpu.memory_space<semaphore_mem>>)
      %dma_wait3A = arith.constant 0 : i32
      %dma_wait3A_64 = arith.constant 0 : i32
      %dma_wait3A_65 = tpu.memref_slice %arg4[%add3A, %dma_wait3A, %dma_wait3A_64] : memref<32x81x128xi32, #tpu.memory_space<hbm>> -> memref<1x81x128xi32, #tpu.memory_space<hbm>>
      %dma_wait3A_66 = tpu.memref_squeeze %dma_wait3A_65 : memref<1x81x128xi32, #tpu.memory_space<hbm>> -> memref<81x128xi32, #tpu.memory_space<hbm>>
      %dma_wait3A_67 = arith.constant 0 : i32
      %dma_wait3A_68 = arith.constant 0 : i32
      %dma_wait3A_69 = tpu.memref_slice %arg4[%add3A, %dma_wait3A_67, %dma_wait3A_68] : memref<32x81x128xi32, #tpu.memory_space<hbm>> -> memref<1x81x128xi32, #tpu.memory_space<hbm>>
      %dma_wait3A_70 = tpu.memref_squeeze %dma_wait3A_69 : memref<1x81x128xi32, #tpu.memory_space<hbm>> -> memref<81x128xi32, #tpu.memory_space<hbm>>
      tpu.wait_dma2 semaphore(%run_scoped3A_55 : memref<!tpu.dma_semaphore, #tpu.memory_space<semaphore_mem>>) src(%dma_wait3A_70 : memref<81x128xi32, #tpu.memory_space<hbm>>) dst(%arg7 : memref<81x128xi32, #tpu.memory_space<vmem>>)
      tpu.yield
    }) : () -> ()
    %barrier3A = arith.constant 0 : index
    tpu.barrier barrier_id(%barrier3A)
    %dma_start3A = arith.constant 0 : i32
    %dma_start3A_23 = arith.constant 0 : i32
    %dma_start3A_24 = arith.constant 0 : i32
    %dma_start3A_25 = arith.constant 0 : i32
    %dma_start3A_26 = tpu.memref_slice %arg8[%dma_start3A_23, %dma_start3A_24, %dma_start3A_25] : memref<3x128x64xf32, #tpu.memory_space<vmem>> -> memref<1x128x64xf32, #tpu.memory_space<vmem>>
    %dma_start3A_27 = tpu.memref_squeeze %dma_start3A_26 : memref<1x128x64xf32, #tpu.memory_space<vmem>> -> memref<128x64xf32, #tpu.memory_space<vmem>>
    %dma_start3A_28 = arith.constant 0 : i32
    %dma_start3A_29 = tpu.memref_slice %arg6[%dma_start3A, %dma_start3A_28] : memref<81x128xi32, #tpu.memory_space<vmem>> -> memref<1x128xi32, #tpu.memory_space<vmem>>
    %dma_start3A_30 = tpu.memref_squeeze %dma_start3A_29 : memref<1x128xi32, #tpu.memory_space<vmem>> -> memref<128xi32, #tpu.memory_space<vmem>>
    %dma_start3A_31 = arith.constant 0 : i32
    %dma_start3A_32 = arith.constant 0 : i32
    %dma_start3A_33 = tpu.memref_slice %arg2[%dma_start3A_31, %dma_start3A_32] : memref<10112x64xf32, #tpu.memory_space<hbm>> -> memref<10112x64xf32, #tpu.memory_space<hbm>>
    tpu.enqueue_indirect_dma source(%dma_start3A_33 : memref<10112x64xf32, #tpu.memory_space<hbm>>) target(%dma_start3A_27 : memref<128x64xf32, #tpu.memory_space<vmem>>) offsets(%dma_start3A_30 : memref<128xi32, #tpu.memory_space<vmem>>) semaphore(%arg11 : memref<!tpu.dma_semaphore, #tpu.memory_space<semaphore_mem>>)
    %dma_start3A_34 = arith.constant 1 : i32
    %dma_start3A_35 = arith.constant 1 : i32
    %dma_start3A_36 = arith.constant 0 : i32
    %dma_start3A_37 = arith.constant 0 : i32
    %dma_start3A_38 = tpu.memref_slice %arg8[%dma_start3A_35, %dma_start3A_36, %dma_start3A_37] : memref<3x128x64xf32, #tpu.memory_space<vmem>> -> memref<1x128x64xf32, #tpu.memory_space<vmem>>
    %dma_start3A_39 = tpu.memref_squeeze %dma_start3A_38 : memref<1x128x64xf32, #tpu.memory_space<vmem>> -> memref<128x64xf32, #tpu.memory_space<vmem>>
    %dma_start3A_40 = arith.constant 0 : i32
    %dma_start3A_41 = tpu.memref_slice %arg6[%dma_start3A_34, %dma_start3A_40] : memref<81x128xi32, #tpu.memory_space<vmem>> -> memref<1x128xi32, #tpu.memory_space<vmem>>
    %dma_start3A_42 = tpu.memref_squeeze %dma_start3A_41 : memref<1x128xi32, #tpu.memory_space<vmem>> -> memref<128xi32, #tpu.memory_space<vmem>>
    %dma_start3A_43 = arith.constant 0 : i32
    %dma_start3A_44 = arith.constant 0 : i32
    %dma_start3A_45 = tpu.memref_slice %arg9[%dma_start3A_43, %dma_start3A_44] : memref<10112x64xf32, #tpu.memory_space<vmem_shared>> -> memref<10112x64xf32, #tpu.memory_space<vmem_shared>>
    tpu.enqueue_indirect_dma source(%dma_start3A_45 : memref<10112x64xf32, #tpu.memory_space<vmem_shared>>) target(%dma_start3A_39 : memref<128x64xf32, #tpu.memory_space<vmem>>) offsets(%dma_start3A_42 : memref<128xi32, #tpu.memory_space<vmem>>) semaphore(%arg12 : memref<!tpu.dma_semaphore, #tpu.memory_space<semaphore_mem>>)
    %scan3A_46 = arith.constant 0 : i32
    %scan3A_47 = arith.constant 0 : i32
    %scan3A_48 = arith.constant 27 : i32
    %scan3A_49 = arith.addi %scan3A_47, %scan3A_48 : i32
    %scan3A_50 = arith.constant 1 : i32
    scf.for %scan3A_55 = %scan3A_47 to %scan3A_49 step %scan3A_50  : i32 {
      %mul3A_56 = arith.constant 3 : i32
      %mul3A_57 = arith.muli %scan3A_55, %mul3A_56 : i32
      %add3A_58 = arith.constant 0 : i32
      %add3A_59 = arith.addi %mul3A_57, %add3A_58 : i32
      %add3A_60 = arith.constant 2 : i32
      %add3A_61 = arith.addi %add3A_59, %add3A_60 : i32
      %lt3A = arith.constant 81 : i32
      %lt3A_62 = arith.cmpi slt, %add3A_61, %lt3A : i32
      %convert_element_type3A = arith.extui %lt3A_62 : i1 to i32
      %cond3A = arith.constant 0 : i32
      %cond3A_63 = arith.cmpi ne, %convert_element_type3A, %cond3A : i32
      scf.if %cond3A_63 {
        %dma_start3A_117 = arith.constant 2 : i32
        %dma_start3A_118 = arith.constant 0 : i32
        %dma_start3A_119 = arith.constant 0 : i32
        %dma_start3A_120 = tpu.memref_slice %arg8[%dma_start3A_117, %dma_start3A_118, %dma_start3A_119] : memref<3x128x64xf32, #tpu.memory_space<vmem>> -> memref<1x128x64xf32, #tpu.memory_space<vmem>>
        %dma_start3A_121 = tpu.memref_squeeze %dma_start3A_120 : memref<1x128x64xf32, #tpu.memory_space<vmem>> -> memref<128x64xf32, #tpu.memory_space<vmem>>
        %dma_start3A_122 = arith.constant 0 : i32
        %dma_start3A_123 = tpu.memref_slice %arg6[%add3A_61, %dma_start3A_122] : memref<81x128xi32, #tpu.memory_space<vmem>> -> memref<1x128xi32, #tpu.memory_space<vmem>>
        %dma_start3A_124 = tpu.memref_squeeze %dma_start3A_123 : memref<1x128xi32, #tpu.memory_space<vmem>> -> memref<128xi32, #tpu.memory_space<vmem>>
        %dma_start3A_125 = arith.constant 0 : i32
        %dma_start3A_126 = arith.constant 0 : i32
        %dma_start3A_127 = tpu.memref_slice %arg9[%dma_start3A_125, %dma_start3A_126] : memref<10112x64xf32, #tpu.memory_space<vmem_shared>> -> memref<10112x64xf32, #tpu.memory_space<vmem_shared>>
        tpu.enqueue_indirect_dma source(%dma_start3A_127 : memref<10112x64xf32, #tpu.memory_space<vmem_shared>>) target(%dma_start3A_121 : memref<128x64xf32, #tpu.memory_space<vmem>>) offsets(%dma_start3A_124 : memref<128xi32, #tpu.memory_space<vmem>>) semaphore(%arg13 : memref<!tpu.dma_semaphore, #tpu.memory_space<semaphore_mem>>)
      } else {
      }
      %dma_wait3A = arith.constant 0 : i32
      %dma_wait3A_64 = arith.constant 0 : i32
      %dma_wait3A_65 = arith.constant 0 : i32
      %dma_wait3A_66 = tpu.memref_slice %arg8[%dma_wait3A, %dma_wait3A_64, %dma_wait3A_65] : memref<3x128x64xf32, #tpu.memory_space<vmem>> -> memref<1x128x64xf32, #tpu.memory_space<vmem>>
      %dma_wait3A_67 = tpu.memref_squeeze %dma_wait3A_66 : memref<1x128x64xf32, #tpu.memory_space<vmem>> -> memref<128x64xf32, #tpu.memory_space<vmem>>
      %dma_wait3A_68 = arith.constant 0 : i32
      %dma_wait3A_69 = tpu.memref_slice %arg6[%add3A_59, %dma_wait3A_68] : memref<81x128xi32, #tpu.memory_space<vmem>> -> memref<1x128xi32, #tpu.memory_space<vmem>>
      %dma_wait3A_70 = tpu.memref_squeeze %dma_wait3A_69 : memref<1x128xi32, #tpu.memory_space<vmem>> -> memref<128xi32, #tpu.memory_space<vmem>>
      %dma_wait3A_71 = arith.constant 0 : i32
      %dma_wait3A_72 = arith.constant 0 : i32
      %dma_wait3A_73 = tpu.memref_slice %arg2[%dma_wait3A_71, %dma_wait3A_72] : memref<10112x64xf32, #tpu.memory_space<hbm>> -> memref<10112x64xf32, #tpu.memory_space<hbm>>
      tpu.wait_indirect_dma semaphore(%arg11 : memref<!tpu.dma_semaphore, #tpu.memory_space<semaphore_mem>>) src(%dma_wait3A_73 : memref<10112x64xf32, #tpu.memory_space<hbm>>) dst(%dma_wait3A_67 : memref<128x64xf32, #tpu.memory_space<vmem>>)
      %run_scoped3A_74 = arith.constant 0 : i32
      "tpu.region"() ({
        %run_scoped3A_117 = tpu.sem_alloc : memref<!tpu.dma_semaphore, #tpu.memory_space<semaphore_mem>>
        %dma_start3A_118 = arith.constant 0 : i32
        %dma_start3A_119 = arith.constant 0 : i32
        %dma_start3A_120 = tpu.memref_slice %arg8[%run_scoped3A_74, %dma_start3A_118, %dma_start3A_119] : memref<3x128x64xf32, #tpu.memory_space<vmem>> -> memref<1x128x64xf32, #tpu.memory_space<vmem>>
        %dma_start3A_121 = tpu.memref_squeeze %dma_start3A_120 : memref<1x128x64xf32, #tpu.memory_space<vmem>> -> memref<128x64xf32, #tpu.memory_space<vmem>>
        %dma_start3A_122 = arith.constant 0 : i32
        %dma_start3A_123 = tpu.memref_slice %arg7[%add3A_59, %dma_start3A_122] : memref<81x128xi32, #tpu.memory_space<vmem>> -> memref<1x128xi32, #tpu.memory_space<vmem>>
        %dma_start3A_124 = tpu.memref_squeeze %dma_start3A_123 : memref<1x128xi32, #tpu.memory_space<vmem>> -> memref<128xi32, #tpu.memory_space<vmem>>
        %dma_start3A_125 = arith.constant 0 : i32
        %dma_start3A_126 = arith.constant 0 : i32
        %dma_start3A_127 = tpu.memref_slice %arg10[%dma_start3A_125, %dma_start3A_126] : memref<10112x64xf32, #tpu.memory_space<vmem_shared>> -> memref<10112x64xf32, #tpu.memory_space<vmem_shared>>
        tpu.enqueue_indirect_dma source(%dma_start3A_121 : memref<128x64xf32, #tpu.memory_space<vmem>>) target(%dma_start3A_127 : memref<10112x64xf32, #tpu.memory_space<vmem_shared>>) offsets(%dma_start3A_124 : memref<128xi32, #tpu.memory_space<vmem>>) semaphore(%run_scoped3A_117 : memref<!tpu.dma_semaphore, #tpu.memory_space<semaphore_mem>>) {add = true}
        %dma_wait3A_128 = arith.constant 0 : i32
        %dma_wait3A_129 = arith.constant 0 : i32
        %dma_wait3A_130 = tpu.memref_slice %arg8[%run_scoped3A_74, %dma_wait3A_128, %dma_wait3A_129] : memref<3x128x64xf32, #tpu.memory_space<vmem>> -> memref<1x128x64xf32, #tpu.memory_space<vmem>>
        %dma_wait3A_131 = tpu.memref_squeeze %dma_wait3A_130 : memref<1x128x64xf32, #tpu.memory_space<vmem>> -> memref<128x64xf32, #tpu.memory_space<vmem>>
        %dma_wait3A_132 = arith.constant 0 : i32
        %dma_wait3A_133 = tpu.memref_slice %arg7[%add3A_59, %dma_wait3A_132] : memref<81x128xi32, #tpu.memory_space<vmem>> -> memref<1x128xi32, #tpu.memory_space<vmem>>
        %dma_wait3A_134 = tpu.memref_squeeze %dma_wait3A_133 : memref<1x128xi32, #tpu.memory_space<vmem>> -> memref<128xi32, #tpu.memory_space<vmem>>
        %dma_wait3A_135 = arith.constant 0 : i32
        %dma_wait3A_136 = arith.constant 0 : i32
        %dma_wait3A_137 = tpu.memref_slice %arg10[%dma_wait3A_135, %dma_wait3A_136] : memref<10112x64xf32, #tpu.memory_space<vmem_shared>> -> memref<10112x64xf32, #tpu.memory_space<vmem_shared>>
        tpu.wait_indirect_dma semaphore(%run_scoped3A_117 : memref<!tpu.dma_semaphore, #tpu.memory_space<semaphore_mem>>) src(%dma_wait3A_131 : memref<128x64xf32, #tpu.memory_space<vmem>>) dst(%dma_wait3A_137 : memref<10112x64xf32, #tpu.memory_space<vmem_shared>>)
        tpu.yield
      }) : () -> ()
      %add3A_75 = arith.constant 1 : i32
      %add3A_76 = arith.addi %mul3A_57, %add3A_75 : i32
      %add3A_77 = arith.constant 2 : i32
      %add3A_78 = arith.addi %add3A_76, %add3A_77 : i32
      %lt3A_79 = arith.constant 81 : i32
      %lt3A_80 = arith.cmpi slt, %add3A_78, %lt3A_79 : i32
      %convert_element_type3A_81 = arith.extui %lt3A_80 : i1 to i32
      %cond3A_82 = arith.constant 0 : i32
      %cond3A_83 = arith.cmpi ne, %convert_element_type3A_81, %cond3A_82 : i32
      scf.if %cond3A_83 {
        %dma_start3A_117 = arith.constant 0 : i32
        %dma_start3A_118 = arith.constant 0 : i32
        %dma_start3A_119 = arith.constant 0 : i32
        %dma_start3A_120 = tpu.memref_slice %arg8[%dma_start3A_117, %dma_start3A_118, %dma_start3A_119] : memref<3x128x64xf32, #tpu.memory_space<vmem>> -> memref<1x128x64xf32, #tpu.memory_space<vmem>>
        %dma_start3A_121 = tpu.memref_squeeze %dma_start3A_120 : memref<1x128x64xf32, #tpu.memory_space<vmem>> -> memref<128x64xf32, #tpu.memory_space<vmem>>
        %dma_start3A_122 = arith.constant 0 : i32
        %dma_start3A_123 = tpu.memref_slice %arg6[%add3A_78, %dma_start3A_122] : memref<81x128xi32, #tpu.memory_space<vmem>> -> memref<1x128xi32, #tpu.memory_space<vmem>>
        %dma_start3A_124 = tpu.memref_squeeze %dma_start3A_123 : memref<1x128xi32, #tpu.memory_space<vmem>> -> memref<128xi32, #tpu.memory_space<vmem>>
        %dma_start3A_125 = arith.constant 0 : i32
        %dma_start3A_126 = arith.constant 0 : i32
        %dma_start3A_127 = tpu.memref_slice %arg2[%dma_start3A_125, %dma_start3A_126] : memref<10112x64xf32, #tpu.memory_space<hbm>> -> memref<10112x64xf32, #tpu.memory_space<hbm>>
        tpu.enqueue_indirect_dma source(%dma_start3A_127 : memref<10112x64xf32, #tpu.memory_space<hbm>>) target(%dma_start3A_121 : memref<128x64xf32, #tpu.memory_space<vmem>>) offsets(%dma_start3A_124 : memref<128xi32, #tpu.memory_space<vmem>>) semaphore(%arg11 : memref<!tpu.dma_semaphore, #tpu.memory_space<semaphore_mem>>)
      } else {
      }
      %dma_wait3A_84 = arith.constant 1 : i32
      %dma_wait3A_85 = arith.constant 0 : i32
      %dma_wait3A_86 = arith.constant 0 : i32
      %dma_wait3A_87 = tpu.memref_slice %arg8[%dma_wait3A_84, %dma_wait3A_85, %dma_wait3A_86] : memref<3x128x64xf32, #tpu.memory_space<vmem>> -> memref<1x128x64xf32, #tpu.memory_space<vmem>>
      %dma_wait3A_88 = tpu.memref_squeeze %dma_wait3A_87 : memref<1x128x64xf32, #tpu.memory_space<vmem>> -> memref<128x64xf32, #tpu.memory_space<vmem>>
      %dma_wait3A_89 = arith.constant 0 : i32
      %dma_wait3A_90 = tpu.memref_slice %arg6[%add3A_76, %dma_wait3A_89] : memref<81x128xi32, #tpu.memory_space<vmem>> -> memref<1x128xi32, #tpu.memory_space<vmem>>
      %dma_wait3A_91 = tpu.memref_squeeze %dma_wait3A_90 : memref<1x128xi32, #tpu.memory_space<vmem>> -> memref<128xi32, #tpu.memory_space<vmem>>
      %dma_wait3A_92 = arith.constant 0 : i32
      %dma_wait3A_93 = arith.constant 0 : i32
      %dma_wait3A_94 = tpu.memref_slice %arg9[%dma_wait3A_92, %dma_wait3A_93] : memref<10112x64xf32, #tpu.memory_space<vmem_shared>> -> memref<10112x64xf32, #tpu.memory_space<vmem_shared>>
      tpu.wait_indirect_dma semaphore(%arg12 : memref<!tpu.dma_semaphore, #tpu.memory_space<semaphore_mem>>) src(%dma_wait3A_94 : memref<10112x64xf32, #tpu.memory_space<vmem_shared>>) dst(%dma_wait3A_88 : memref<128x64xf32, #tpu.memory_space<vmem>>)
      %run_scoped3A_95 = arith.constant 1 : i32
      "tpu.region"() ({
        %run_scoped3A_117 = tpu.sem_alloc : memref<!tpu.dma_semaphore, #tpu.memory_space<semaphore_mem>>
        %dma_start3A_118 = arith.constant 0 : i32
        %dma_start3A_119 = arith.constant 0 : i32
        %dma_start3A_120 = tpu.memref_slice %arg8[%run_scoped3A_95, %dma_start3A_118, %dma_start3A_119] : memref<3x128x64xf32, #tpu.memory_space<vmem>> -> memref<1x128x64xf32, #tpu.memory_space<vmem>>
        %dma_start3A_121 = tpu.memref_squeeze %dma_start3A_120 : memref<1x128x64xf32, #tpu.memory_space<vmem>> -> memref<128x64xf32, #tpu.memory_space<vmem>>
        %dma_start3A_122 = arith.constant 0 : i32
        %dma_start3A_123 = tpu.memref_slice %arg7[%add3A_76, %dma_start3A_122] : memref<81x128xi32, #tpu.memory_space<vmem>> -> memref<1x128xi32, #tpu.memory_space<vmem>>
        %dma_start3A_124 = tpu.memref_squeeze %dma_start3A_123 : memref<1x128xi32, #tpu.memory_space<vmem>> -> memref<128xi32, #tpu.memory_space<vmem>>
        %dma_start3A_125 = arith.constant 0 : i32
        %dma_start3A_126 = arith.constant 0 : i32
        %dma_start3A_127 = tpu.memref_slice %arg10[%dma_start3A_125, %dma_start3A_126] : memref<10112x64xf32, #tpu.memory_space<vmem_shared>> -> memref<10112x64xf32, #tpu.memory_space<vmem_shared>>
        tpu.enqueue_indirect_dma source(%dma_start3A_121 : memref<128x64xf32, #tpu.memory_space<vmem>>) target(%dma_start3A_127 : memref<10112x64xf32, #tpu.memory_space<vmem_shared>>) offsets(%dma_start3A_124 : memref<128xi32, #tpu.memory_space<vmem>>) semaphore(%run_scoped3A_117 : memref<!tpu.dma_semaphore, #tpu.memory_space<semaphore_mem>>) {add = true}
        %dma_wait3A_128 = arith.constant 0 : i32
        %dma_wait3A_129 = arith.constant 0 : i32
        %dma_wait3A_130 = tpu.memref_slice %arg8[%run_scoped3A_95, %dma_wait3A_128, %dma_wait3A_129] : memref<3x128x64xf32, #tpu.memory_space<vmem>> -> memref<1x128x64xf32, #tpu.memory_space<vmem>>
        %dma_wait3A_131 = tpu.memref_squeeze %dma_wait3A_130 : memref<1x128x64xf32, #tpu.memory_space<vmem>> -> memref<128x64xf32, #tpu.memory_space<vmem>>
        %dma_wait3A_132 = arith.constant 0 : i32
        %dma_wait3A_133 = tpu.memref_slice %arg7[%add3A_76, %dma_wait3A_132] : memref<81x128xi32, #tpu.memory_space<vmem>> -> memref<1x128xi32, #tpu.memory_space<vmem>>
        %dma_wait3A_134 = tpu.memref_squeeze %dma_wait3A_133 : memref<1x128xi32, #tpu.memory_space<vmem>> -> memref<128xi32, #tpu.memory_space<vmem>>
        %dma_wait3A_135 = arith.constant 0 : i32
        %dma_wait3A_136 = arith.constant 0 : i32
        %dma_wait3A_137 = tpu.memref_slice %arg10[%dma_wait3A_135, %dma_wait3A_136] : memref<10112x64xf32, #tpu.memory_space<vmem_shared>> -> memref<10112x64xf32, #tpu.memory_space<vmem_shared>>
        tpu.wait_indirect_dma semaphore(%run_scoped3A_117 : memref<!tpu.dma_semaphore, #tpu.memory_space<semaphore_mem>>) src(%dma_wait3A_131 : memref<128x64xf32, #tpu.memory_space<vmem>>) dst(%dma_wait3A_137 : memref<10112x64xf32, #tpu.memory_space<vmem_shared>>)
        tpu.yield
      }) : () -> ()
      %add3A_96 = arith.constant 2 : i32
      %add3A_97 = arith.addi %mul3A_57, %add3A_96 : i32
      %add3A_98 = arith.constant 2 : i32
      %add3A_99 = arith.addi %add3A_97, %add3A_98 : i32
      %lt3A_100 = arith.constant 81 : i32
      %lt3A_101 = arith.cmpi slt, %add3A_99, %lt3A_100 : i32
      %convert_element_type3A_102 = arith.extui %lt3A_101 : i1 to i32
      %cond3A_103 = arith.constant 0 : i32
      %cond3A_104 = arith.cmpi ne, %convert_element_type3A_102, %cond3A_103 : i32
      scf.if %cond3A_104 {
        %dma_start3A_117 = arith.constant 1 : i32
        %dma_start3A_118 = arith.constant 0 : i32
        %dma_start3A_119 = arith.constant 0 : i32
        %dma_start3A_120 = tpu.memref_slice %arg8[%dma_start3A_117, %dma_start3A_118, %dma_start3A_119] : memref<3x128x64xf32, #tpu.memory_space<vmem>> -> memref<1x128x64xf32, #tpu.memory_space<vmem>>
        %dma_start3A_121 = tpu.memref_squeeze %dma_start3A_120 : memref<1x128x64xf32, #tpu.memory_space<vmem>> -> memref<128x64xf32, #tpu.memory_space<vmem>>
        %dma_start3A_122 = arith.constant 0 : i32
        %dma_start3A_123 = tpu.memref_slice %arg6[%add3A_99, %dma_start3A_122] : memref<81x128xi32, #tpu.memory_space<vmem>> -> memref<1x128xi32, #tpu.memory_space<vmem>>
        %dma_start3A_124 = tpu.memref_squeeze %dma_start3A_123 : memref<1x128xi32, #tpu.memory_space<vmem>> -> memref<128xi32, #tpu.memory_space<vmem>>
        %dma_start3A_125 = arith.constant 0 : i32
        %dma_start3A_126 = arith.constant 0 : i32
        %dma_start3A_127 = tpu.memref_slice %arg9[%dma_start3A_125, %dma_start3A_126] : memref<10112x64xf32, #tpu.memory_space<vmem_shared>> -> memref<10112x64xf32, #tpu.memory_space<vmem_shared>>
        tpu.enqueue_indirect_dma source(%dma_start3A_127 : memref<10112x64xf32, #tpu.memory_space<vmem_shared>>) target(%dma_start3A_121 : memref<128x64xf32, #tpu.memory_space<vmem>>) offsets(%dma_start3A_124 : memref<128xi32, #tpu.memory_space<vmem>>) semaphore(%arg12 : memref<!tpu.dma_semaphore, #tpu.memory_space<semaphore_mem>>)
      } else {
      }
      %dma_wait3A_105 = arith.constant 2 : i32
      %dma_wait3A_106 = arith.constant 0 : i32
      %dma_wait3A_107 = arith.constant 0 : i32
      %dma_wait3A_108 = tpu.memref_slice %arg8[%dma_wait3A_105, %dma_wait3A_106, %dma_wait3A_107] : memref<3x128x64xf32, #tpu.memory_space<vmem>> -> memref<1x128x64xf32, #tpu.memory_space<vmem>>
      %dma_wait3A_109 = tpu.memref_squeeze %dma_wait3A_108 : memref<1x128x64xf32, #tpu.memory_space<vmem>> -> memref<128x64xf32, #tpu.memory_space<vmem>>
      %dma_wait3A_110 = arith.constant 0 : i32
      %dma_wait3A_111 = tpu.memref_slice %arg6[%add3A_97, %dma_wait3A_110] : memref<81x128xi32, #tpu.memory_space<vmem>> -> memref<1x128xi32, #tpu.memory_space<vmem>>
      %dma_wait3A_112 = tpu.memref_squeeze %dma_wait3A_111 : memref<1x128xi32, #tpu.memory_space<vmem>> -> memref<128xi32, #tpu.memory_space<vmem>>
      %dma_wait3A_113 = arith.constant 0 : i32
      %dma_wait3A_114 = arith.constant 0 : i32
      %dma_wait3A_115 = tpu.memref_slice %arg9[%dma_wait3A_113, %dma_wait3A_114] : memref<10112x64xf32, #tpu.memory_space<vmem_shared>> -> memref<10112x64xf32, #tpu.memory_space<vmem_shared>>
      tpu.wait_indirect_dma semaphore(%arg13 : memref<!tpu.dma_semaphore, #tpu.memory_space<semaphore_mem>>) src(%dma_wait3A_115 : memref<10112x64xf32, #tpu.memory_space<vmem_shared>>) dst(%dma_wait3A_109 : memref<128x64xf32, #tpu.memory_space<vmem>>)
      %run_scoped3A_116 = arith.constant 2 : i32
      "tpu.region"() ({
        %run_scoped3A_117 = tpu.sem_alloc : memref<!tpu.dma_semaphore, #tpu.memory_space<semaphore_mem>>
        %dma_start3A_118 = arith.constant 0 : i32
        %dma_start3A_119 = arith.constant 0 : i32
        %dma_start3A_120 = tpu.memref_slice %arg8[%run_scoped3A_116, %dma_start3A_118, %dma_start3A_119] : memref<3x128x64xf32, #tpu.memory_space<vmem>> -> memref<1x128x64xf32, #tpu.memory_space<vmem>>
        %dma_start3A_121 = tpu.memref_squeeze %dma_start3A_120 : memref<1x128x64xf32, #tpu.memory_space<vmem>> -> memref<128x64xf32, #tpu.memory_space<vmem>>
        %dma_start3A_122 = arith.constant 0 : i32
        %dma_start3A_123 = tpu.memref_slice %arg7[%add3A_97, %dma_start3A_122] : memref<81x128xi32, #tpu.memory_space<vmem>> -> memref<1x128xi32, #tpu.memory_space<vmem>>
        %dma_start3A_124 = tpu.memref_squeeze %dma_start3A_123 : memref<1x128xi32, #tpu.memory_space<vmem>> -> memref<128xi32, #tpu.memory_space<vmem>>
        %dma_start3A_125 = arith.constant 0 : i32
        %dma_start3A_126 = arith.constant 0 : i32
        %dma_start3A_127 = tpu.memref_slice %arg10[%dma_start3A_125, %dma_start3A_126] : memref<10112x64xf32, #tpu.memory_space<vmem_shared>> -> memref<10112x64xf32, #tpu.memory_space<vmem_shared>>
        tpu.enqueue_indirect_dma source(%dma_start3A_121 : memref<128x64xf32, #tpu.memory_space<vmem>>) target(%dma_start3A_127 : memref<10112x64xf32, #tpu.memory_space<vmem_shared>>) offsets(%dma_start3A_124 : memref<128xi32, #tpu.memory_space<vmem>>) semaphore(%run_scoped3A_117 : memref<!tpu.dma_semaphore, #tpu.memory_space<semaphore_mem>>) {add = true}
        %dma_wait3A_128 = arith.constant 0 : i32
        %dma_wait3A_129 = arith.constant 0 : i32
        %dma_wait3A_130 = tpu.memref_slice %arg8[%run_scoped3A_116, %dma_wait3A_128, %dma_wait3A_129] : memref<3x128x64xf32, #tpu.memory_space<vmem>> -> memref<1x128x64xf32, #tpu.memory_space<vmem>>
        %dma_wait3A_131 = tpu.memref_squeeze %dma_wait3A_130 : memref<1x128x64xf32, #tpu.memory_space<vmem>> -> memref<128x64xf32, #tpu.memory_space<vmem>>
        %dma_wait3A_132 = arith.constant 0 : i32
        %dma_wait3A_133 = tpu.memref_slice %arg7[%add3A_97, %dma_wait3A_132] : memref<81x128xi32, #tpu.memory_space<vmem>> -> memref<1x128xi32, #tpu.memory_space<vmem>>
        %dma_wait3A_134 = tpu.memref_squeeze %dma_wait3A_133 : memref<1x128xi32, #tpu.memory_space<vmem>> -> memref<128xi32, #tpu.memory_space<vmem>>
        %dma_wait3A_135 = arith.constant 0 : i32
        %dma_wait3A_136 = arith.constant 0 : i32
        %dma_wait3A_137 = tpu.memref_slice %arg10[%dma_wait3A_135, %dma_wait3A_136] : memref<10112x64xf32, #tpu.memory_space<vmem_shared>> -> memref<10112x64xf32, #tpu.memory_space<vmem_shared>>
        tpu.wait_indirect_dma semaphore(%run_scoped3A_117 : memref<!tpu.dma_semaphore, #tpu.memory_space<semaphore_mem>>) src(%dma_wait3A_131 : memref<128x64xf32, #tpu.memory_space<vmem>>) dst(%dma_wait3A_137 : memref<10112x64xf32, #tpu.memory_space<vmem_shared>>)
        tpu.yield
      }) : () -> ()
    }
    %scan3A_51 = arith.constant 27 : i32
    %barrier3A_52 = arith.constant 0 : index
    tpu.barrier barrier_id(%barrier3A_52)
    %mul3A_53 = arith.constant 632 : i32
    %mul3A_54 = arith.muli %arg1, %mul3A_53 : i32
    "tpu.region"() ({
      %run_scoped3A_55 = tpu.sem_alloc : memref<!tpu.dma_semaphore, #tpu.memory_space<semaphore_mem>>
      %dma_start3A_56 = arith.constant 0 : i32
      %dma_start3A_57 = arith.constant 0 : i32
      %dma_start3A_58 = tpu.memref_slice %arg5[%arg0, %dma_start3A_56, %dma_start3A_57] : memref<2x10112x64xf32, #tpu.memory_space<hbm>> -> memref<1x10112x64xf32, #tpu.memory_space<hbm>>
      %dma_start3A_59 = tpu.memref_squeeze %dma_start3A_58 : memref<1x10112x64xf32, #tpu.memory_space<hbm>> -> memref<10112x64xf32, #tpu.memory_space<hbm>>
      %dma_start3A_60 = arith.constant 0 : i32
      %dma_start3A_61 = tpu.memref_slice %dma_start3A_59[%mul3A_54, %dma_start3A_60] : memref<10112x64xf32, #tpu.memory_space<hbm>> -> memref<632x64xf32, #tpu.memory_space<hbm>>
      %dma_start3A_62 = arith.constant 0 : i32
      %dma_start3A_63 = tpu.memref_slice %arg10[%mul3A_54, %dma_start3A_62] : memref<10112x64xf32, #tpu.memory_space<vmem_shared>> -> memref<632x64xf32, #tpu.memory_space<vmem_shared>>
      tpu.enqueue_dma source(%dma_start3A_63 : memref<632x64xf32, #tpu.memory_space<vmem_shared>>) target(%dma_start3A_61 : memref<632x64xf32, #tpu.memory_space<hbm>>) target_semaphore(%run_scoped3A_55 : memref<!tpu.dma_semaphore, #tpu.memory_space<semaphore_mem>>)
      %dma_wait3A = arith.constant 0 : i32
      %dma_wait3A_64 = arith.constant 0 : i32
      %dma_wait3A_65 = tpu.memref_slice %arg5[%arg0, %dma_wait3A, %dma_wait3A_64] : memref<2x10112x64xf32, #tpu.memory_space<hbm>> -> memref<1x10112x64xf32, #tpu.memory_space<hbm>>
      %dma_wait3A_66 = tpu.memref_squeeze %dma_wait3A_65 : memref<1x10112x64xf32, #tpu.memory_space<hbm>> -> memref<10112x64xf32, #tpu.memory_space<hbm>>
      %dma_wait3A_67 = arith.constant 0 : i32
      %dma_wait3A_68 = tpu.memref_slice %dma_wait3A_66[%mul3A_54, %dma_wait3A_67] : memref<10112x64xf32, #tpu.memory_space<hbm>> -> memref<632x64xf32, #tpu.memory_space<hbm>>
      %dma_wait3A_69 = arith.constant 0 : i32
      %dma_wait3A_70 = tpu.memref_slice %arg10[%mul3A_54, %dma_wait3A_69] : memref<10112x64xf32, #tpu.memory_space<vmem_shared>> -> memref<632x64xf32, #tpu.memory_space<vmem_shared>>
      tpu.wait_dma2 semaphore(%run_scoped3A_55 : memref<!tpu.dma_semaphore, #tpu.memory_space<semaphore_mem>>) src(%dma_wait3A_70 : memref<632x64xf32, #tpu.memory_space<vmem_shared>>) dst(%dma_wait3A_68 : memref<632x64xf32, #tpu.memory_space<hbm>>)
      tpu.yield
    }) : () -> ()
    return
  }
}

#map = affine_map<(d0, d1) -> (0, 0)>
#map1 = affine_map<(d0, d1) -> (0, 0, 0)>
module attributes {stable_mosaic.version = 14 : i64} {
  func.func @k(%arg0: i32, %arg1: i32, %arg2: memref<10112x64xf32, #tpu.memory_space<hbm>>, %arg3: memref<32x81x128xi32, #tpu.memory_space<hbm>>, %arg4: memref<32x81x128xi32, #tpu.memory_space<hbm>>, %arg5: memref<2x10112x64xf32, #tpu.memory_space<hbm>>, %arg6: memref<81x128xi32, #tpu.memory_space<vmem>>, %arg7: memref<81x128xi32, #tpu.memory_space<vmem>>, %arg8: memref<3x128x64xf32, #tpu.memory_space<vmem>>, %arg9: memref<10112x64xf32, #tpu.memory_space<vmem_shared>>, %arg10: memref<10112x64xf32, #tpu.memory_space<vmem_shared>>, %arg11: memref<!tpu.dma_semaphore, #tpu.memory_space<semaphore_mem>>, %arg12: memref<!tpu.dma_semaphore, #tpu.memory_space<semaphore_mem>>, %arg13: memref<!tpu.dma_semaphore, #tpu.memory_space<semaphore_mem>>) attributes {dimension_semantics = [#tpu.dimension_semantics<core_parallel>, #tpu.dimension_semantics<subcore_parallel>], iteration_bounds = array<i64: 2, 16>, scalar_prefetch = 0 : i64, scratch_operands = 8 : i64, tpu.core_type = #tpu.core_type<sc_vector_subcore>, window_params = [{transform_indices = #map}, {transform_indices = #map1}, {transform_indices = #map1}, {transform_indices = #map1}]} {
    %mul3A = arith.constant 2 : i32
    %mul3A_0 = arith.muli %arg1, %mul3A : i32
    %add3A = arith.addi %mul3A_0, %arg0 : i32
    %mul3A_1 = arith.constant 632 : i32
    %mul3A_2 = arith.muli %arg1, %mul3A_1 : i32
    "tpu.region"() ({
      %run_scoped3A_55 = tpu.sem_alloc : memref<!tpu.dma_semaphore, #tpu.memory_space<semaphore_mem>>
      %dma_start3A_56 = arith.constant 0 : i32
      %dma_start3A_57 = tpu.memref_slice %arg9[%mul3A_2, %dma_start3A_56] : memref<10112x64xf32, #tpu.memory_space<vmem_shared>> -> memref<632x64xf32, #tpu.memory_space<vmem_shared>>
      %dma_start3A_58 = arith.constant 0 : i32
      %dma_start3A_59 = tpu.memref_slice %arg2[%mul3A_2, %dma_start3A_58] : memref<10112x64xf32, #tpu.memory_space<hbm>> -> memref<632x64xf32, #tpu.memory_space<hbm>>
      tpu.enqueue_dma source(%dma_start3A_59 : memref<632x64xf32, #tpu.memory_space<hbm>>) target(%dma_start3A_57 : memref<632x64xf32, #tpu.memory_space<vmem_shared>>) target_semaphore(%run_scoped3A_55 : memref<!tpu.dma_semaphore, #tpu.memory_space<semaphore_mem>>)
      %dma_wait3A = arith.constant 0 : i32
      %dma_wait3A_60 = tpu.memref_slice %arg9[%mul3A_2, %dma_wait3A] : memref<10112x64xf32, #tpu.memory_space<vmem_shared>> -> memref<632x64xf32, #tpu.memory_space<vmem_shared>>
      %dma_wait3A_61 = arith.constant 0 : i32
      %dma_wait3A_62 = tpu.memref_slice %arg2[%mul3A_2, %dma_wait3A_61] : memref<10112x64xf32, #tpu.memory_space<hbm>> -> memref<632x64xf32, #tpu.memory_space<hbm>>
      tpu.wait_dma2 semaphore(%run_scoped3A_55 : memref<!tpu.dma_semaphore, #tpu.memory_space<semaphore_mem>>) src(%dma_wait3A_62 : memref<632x64xf32, #tpu.memory_space<hbm>>) dst(%dma_wait3A_60 : memref<632x64xf32, #tpu.memory_space<vmem_shared>>)
      tpu.yield
    }) : () -> ()
    %broadcast_in_dim3A = arith.constant 0.000000e+00 : f32
    %broadcast_in_dim3A_3 = vector.broadcast %broadcast_in_dim3A : f32 to vector<16xf32>
    %scan3A = arith.constant 0 : i32
    %scan3A_4 = arith.constant 0 : i32
    %scan3A_5 = arith.constant 384 : i32
    %scan3A_6 = arith.addi %scan3A_4, %scan3A_5 : i32
    %scan3A_7 = arith.constant 1 : i32
    scf.for %scan3A_55 = %scan3A_4 to %scan3A_6 step %scan3A_7  : i32 {
      %jit3A = arith.constant 128 : i32
      %div3A = arith.divsi %scan3A_55, %jit3A : i32
      %sign3A = arith.constant 0 : i32
      %sign3A_56 = arith.cmpi sgt, %scan3A_55, %sign3A : i32
      %sign3A_57 = arith.extui %sign3A_56 : i1 to i32
      %sign3A_58 = arith.constant 0 : i32
      %sign3A_59 = arith.cmpi slt, %scan3A_55, %sign3A_58 : i32
      %sign3A_60 = arith.extui %sign3A_59 : i1 to i32
      %sign3A_61 = arith.subi %sign3A_57, %sign3A_60 : i32
      %sign3A_62 = arith.constant 0 : i32
      %sign3A_63 = arith.cmpi sgt, %jit3A, %sign3A_62 : i32
      %sign3A_64 = arith.extui %sign3A_63 : i1 to i32
      %sign3A_65 = arith.constant 0 : i32
      %sign3A_66 = arith.cmpi slt, %jit3A, %sign3A_65 : i32
      %sign3A_67 = arith.extui %sign3A_66 : i1 to i32
      %sign3A_68 = arith.subi %sign3A_64, %sign3A_67 : i32
      %ne3A = arith.cmpi ne, %sign3A_61, %sign3A_68 : i32
      %rem3A = arith.remsi %scan3A_55, %jit3A : i32
      %ne3A_69 = arith.constant 0 : i32
      %ne3A_70 = arith.cmpi ne, %rem3A, %ne3A_69 : i32
      %and3A = arith.andi %ne3A, %ne3A_70 : i1
      %sub3A = arith.constant 1 : i32
      %sub3A_71 = arith.subi %div3A, %sub3A : i32
      %select_n3A = arith.select %and3A, %sub3A_71, %div3A : i32
      %jit3A_72 = arith.constant 128 : i32
      %eq3A = arith.constant 0 : i32
      %eq3A_73 = arith.cmpi eq, %jit3A_72, %eq3A : i32
      %jit3A_74 = arith.constant 1 : i32
      %select_n3A_75 = arith.select %eq3A_73, %jit3A_74, %jit3A_72 : i32
      %rem3A_76 = arith.remsi %scan3A_55, %select_n3A_75 : i32
      %ne3A_77 = arith.constant 0 : i32
      %ne3A_78 = arith.cmpi ne, %rem3A_76, %ne3A_77 : i32
      %lt3A = arith.constant 0 : i32
      %lt3A_79 = arith.cmpi slt, %rem3A_76, %lt3A : i32
      %lt3A_80 = arith.constant 0 : i32
      %lt3A_81 = arith.cmpi slt, %select_n3A_75, %lt3A_80 : i32
      %ne3A_82 = arith.xori %lt3A_79, %lt3A_81 : i1
      %and3A_83 = arith.andi %ne3A_82, %ne3A_78 : i1
      %add3A_84 = arith.addi %rem3A_76, %select_n3A_75 : i32
      %select_n3A_85 = arith.select %and3A_83, %add3A_84, %rem3A_76 : i32
      %swap3A = arith.index_cast %select_n3A : i32 to index
      %swap3A_86 = arith.index_cast %select_n3A_85 : i32 to index
      %swap3A_87 = arith.constant 0 : index
      %swap3A_88 = tpu.vector_load %arg8[%swap3A, %swap3A_86, %swap3A_87] {strides = array<i32>} : memref<3x128x64xf32, #tpu.memory_space<vmem>>, vector<1x1x16xf32>,
      %swap3A_89 = vector.shape_cast %swap3A_88 : vector<1x1x16xf32> to vector<16xf32>
      %swap3A_90 = vector.shape_cast %broadcast_in_dim3A_3 : vector<16xf32> to vector<1x1x16xf32>
      tpu.vector_store %arg8[%swap3A, %swap3A_86, %swap3A_87], %swap3A_90 {strides = array<i32>} : memref<3x128x64xf32, #tpu.memory_space<vmem>>, vector<1x1x16xf32>,
      %swap3A_91 = arith.index_cast %select_n3A : i32 to index
      %swap3A_92 = arith.index_cast %select_n3A_85 : i32 to index
      %swap3A_93 = arith.constant 16 : index
      %swap3A_94 = tpu.vector_load %arg8[%swap3A_91, %swap3A_92, %swap3A_93] {strides = array<i32>} : memref<3x128x64xf32, #tpu.memory_space<vmem>>, vector<1x1x16xf32>,
      %swap3A_95 = vector.shape_cast %swap3A_94 : vector<1x1x16xf32> to vector<16xf32>
      %swap3A_96 = vector.shape_cast %broadcast_in_dim3A_3 : vector<16xf32> to vector<1x1x16xf32>
      tpu.vector_store %arg8[%swap3A_91, %swap3A_92, %swap3A_93], %swap3A_96 {strides = array<i32>} : memref<3x128x64xf32, #tpu.memory_space<vmem>>, vector<1x1x16xf32>,
      %swap3A_97 = arith.index_cast %select_n3A : i32 to index
      %swap3A_98 = arith.index_cast %select_n3A_85 : i32 to index
      %swap3A_99 = arith.constant 32 : index
      %swap3A_100 = tpu.vector_load %arg8[%swap3A_97, %swap3A_98, %swap3A_99] {strides = array<i32>} : memref<3x128x64xf32, #tpu.memory_space<vmem>>, vector<1x1x16xf32>,
      %swap3A_101 = vector.shape_cast %swap3A_100 : vector<1x1x16xf32> to vector<16xf32>
      %swap3A_102 = vector.shape_cast %broadcast_in_dim3A_3 : vector<16xf32> to vector<1x1x16xf32>
      tpu.vector_store %arg8[%swap3A_97, %swap3A_98, %swap3A_99], %swap3A_102 {strides = array<i32>} : memref<3x128x64xf32, #tpu.memory_space<vmem>>, vector<1x1x16xf32>,
      %swap3A_103 = arith.index_cast %select_n3A : i32 to index
      %swap3A_104 = arith.index_cast %select_n3A_85 : i32 to index
      %swap3A_105 = arith.constant 48 : index
      %swap3A_106 = tpu.vector_load %arg8[%swap3A_103, %swap3A_104, %swap3A_105] {strides = array<i32>} : memref<3x128x64xf32, #tpu.memory_space<vmem>>, vector<1x1x16xf32>,
      %swap3A_107 = vector.shape_cast %swap3A_106 : vector<1x1x16xf32> to vector<16xf32>
      %swap3A_108 = vector.shape_cast %broadcast_in_dim3A_3 : vector<16xf32> to vector<1x1x16xf32>
      tpu.vector_store %arg8[%swap3A_103, %swap3A_104, %swap3A_105], %swap3A_108 {strides = array<i32>} : memref<3x128x64xf32, #tpu.memory_space<vmem>>, vector<1x1x16xf32>,
    }
    %scan3A_8 = arith.constant 384 : i32
    %add3A_9 = arith.constant 0 : i32
    %add3A_10 = arith.addi %mul3A_2, %add3A_9 : i32
    %run_scoped3A = arith.constant 0 : i32
    "tpu.region"() ({
      %run_scoped3A_55 = tpu.sem_alloc : memref<!tpu.dma_semaphore, #tpu.memory_space<semaphore_mem>>
      %dma_start3A_56 = arith.constant 0 : i32
      %dma_start3A_57 = arith.constant 0 : i32
      %dma_start3A_58 = tpu.memref_slice %arg8[%run_scoped3A, %dma_start3A_56, %dma_start3A_57] : memref<3x128x64xf32, #tpu.memory_space<vmem>> -> memref<1x128x64xf32, #tpu.memory_space<vmem>>
      %dma_start3A_59 = tpu.memref_squeeze %dma_start3A_58 : memref<1x128x64xf32, #tpu.memory_space<vmem>> -> memref<128x64xf32, #tpu.memory_space<vmem>>
      %dma_start3A_60 = arith.constant 0 : i32
      %dma_start3A_61 = arith.constant 0 : i32
      %dma_start3A_62 = tpu.memref_slice %dma_start3A_59[%dma_start3A_60, %dma_start3A_61] : memref<128x64xf32, #tpu.memory_space<vmem>> -> memref<128x64xf32, #tpu.memory_space<vmem>>
      %dma_start3A_63 = arith.constant 0 : i32
      %dma_start3A_64 = tpu.memref_slice %arg10[%add3A_10, %dma_start3A_63] : memref<10112x64xf32, #tpu.memory_space<vmem_shared>> -> memref<128x64xf32, #tpu.memory_space<vmem_shared>>
      %dma_start3A_65 = arith.constant 0 : i32
      %dma_start3A_66 = tpu.memref_slice %arg10[%add3A_10, %dma_start3A_65] : memref<10112x64xf32, #tpu.memory_space<vmem_shared>> -> memref<128x64xf32, #tpu.memory_space<vmem_shared>>
      %dma_start3A_67 = arith.constant 0 : i32
      %dma_start3A_68 = arith.constant 0 : i32
      %dma_start3A_69 = tpu.memref_slice %arg8[%run_scoped3A, %dma_start3A_67, %dma_start3A_68] : memref<3x128x64xf32, #tpu.memory_space<vmem>> -> memref<1x128x64xf32, #tpu.memory_space<vmem>>
      %dma_start3A_70 = tpu.memref_squeeze %dma_start3A_69 : memref<1x128x64xf32, #tpu.memory_space<vmem>> -> memref<128x64xf32, #tpu.memory_space<vmem>>
      %dma_start3A_71 = arith.constant 0 : i32
      %dma_start3A_72 = arith.constant 0 : i32
      %dma_start3A_73 = tpu.memref_slice %dma_start3A_70[%dma_start3A_71, %dma_start3A_72] : memref<128x64xf32, #tpu.memory_space<vmem>> -> memref<128x64xf32, #tpu.memory_space<vmem>>
      tpu.enqueue_dma source(%dma_start3A_73 : memref<128x64xf32, #tpu.memory_space<vmem>>) target(%dma_start3A_66 : memref<128x64xf32, #tpu.memory_space<vmem_shared>>) target_semaphore(%run_scoped3A_55 : memref<!tpu.dma_semaphore, #tpu.memory_space<semaphore_mem>>)
      %dma_wait3A = arith.constant 0 : i32
      %dma_wait3A_74 = arith.constant 0 : i32
      %dma_wait3A_75 = tpu.memref_slice %arg8[%run_scoped3A, %dma_wait3A, %dma_wait3A_74] : memref<3x128x64xf32, #tpu.memory_space<vmem>> -> memref<1x128x64xf32, #tpu.memory_space<vmem>>
      %dma_wait3A_76 = tpu.memref_squeeze %dma_wait3A_75 : memref<1x128x64xf32, #tpu.memory_space<vmem>> -> memref<128x64xf32, #tpu.memory_space<vmem>>
      %dma_wait3A_77 = arith.constant 0 : i32
      %dma_wait3A_78 = arith.constant 0 : i32
      %dma_wait3A_79 = tpu.memref_slice %dma_wait3A_76[%dma_wait3A_77, %dma_wait3A_78] : memref<128x64xf32, #tpu.memory_space<vmem>> -> memref<128x64xf32, #tpu.memory_space<vmem>>
      %dma_wait3A_80 = arith.constant 0 : i32
      %dma_wait3A_81 = tpu.memref_slice %arg10[%add3A_10, %dma_wait3A_80] : memref<10112x64xf32, #tpu.memory_space<vmem_shared>> -> memref<128x64xf32, #tpu.memory_space<vmem_shared>>
      %dma_wait3A_82 = arith.constant 0 : i32
      %dma_wait3A_83 = tpu.memref_slice %arg10[%add3A_10, %dma_wait3A_82] : memref<10112x64xf32, #tpu.memory_space<vmem_shared>> -> memref<128x64xf32, #tpu.memory_space<vmem_shared>>
      %dma_wait3A_84 = arith.constant 0 : i32
      %dma_wait3A_85 = arith.constant 0 : i32
      %dma_wait3A_86 = tpu.memref_slice %arg8[%run_scoped3A, %dma_wait3A_84, %dma_wait3A_85] : memref<3x128x64xf32, #tpu.memory_space<vmem>> -> memref<1x128x64xf32, #tpu.memory_space<vmem>>
      %dma_wait3A_87 = tpu.memref_squeeze %dma_wait3A_86 : memref<1x128x64xf32, #tpu.memory_space<vmem>> -> memref<128x64xf32, #tpu.memory_space<vmem>>
      %dma_wait3A_88 = arith.constant 0 : i32
      %dma_wait3A_89 = arith.constant 0 : i32
      %dma_wait3A_90 = tpu.memref_slice %dma_wait3A_87[%dma_wait3A_88, %dma_wait3A_89] : memref<128x64xf32, #tpu.memory_space<vmem>> -> memref<128x64xf32, #tpu.memory_space<vmem>>
      tpu.wait_dma2 semaphore(%run_scoped3A_55 : memref<!tpu.dma_semaphore, #tpu.memory_space<semaphore_mem>>) src(%dma_wait3A_90 : memref<128x64xf32, #tpu.memory_space<vmem>>) dst(%dma_wait3A_83 : memref<128x64xf32, #tpu.memory_space<vmem_shared>>)
      tpu.yield
    }) : () -> ()
    %add3A_11 = arith.constant 128 : i32
    %add3A_12 = arith.addi %mul3A_2, %add3A_11 : i32
    %run_scoped3A_13 = arith.constant 1 : i32
    "tpu.region"() ({
      %run_scoped3A_55 = tpu.sem_alloc : memref<!tpu.dma_semaphore, #tpu.memory_space<semaphore_mem>>
      %dma_start3A_56 = arith.constant 0 : i32
      %dma_start3A_57 = arith.constant 0 : i32
      %dma_start3A_58 = tpu.memref_slice %arg8[%run_scoped3A_13, %dma_start3A_56, %dma_start3A_57] : memref<3x128x64xf32, #tpu.memory_space<vmem>> -> memref<1x128x64xf32, #tpu.memory_space<vmem>>
      %dma_start3A_59 = tpu.memref_squeeze %dma_start3A_58 : memref<1x128x64xf32, #tpu.memory_space<vmem>> -> memref<128x64xf32, #tpu.memory_space<vmem>>
      %dma_start3A_60 = arith.constant 0 : i32
      %dma_start3A_61 = arith.constant 0 : i32
      %dma_start3A_62 = tpu.memref_slice %dma_start3A_59[%dma_start3A_60, %dma_start3A_61] : memref<128x64xf32, #tpu.memory_space<vmem>> -> memref<128x64xf32, #tpu.memory_space<vmem>>
      %dma_start3A_63 = arith.constant 0 : i32
      %dma_start3A_64 = tpu.memref_slice %arg10[%add3A_12, %dma_start3A_63] : memref<10112x64xf32, #tpu.memory_space<vmem_shared>> -> memref<128x64xf32, #tpu.memory_space<vmem_shared>>
      %dma_start3A_65 = arith.constant 0 : i32
      %dma_start3A_66 = tpu.memref_slice %arg10[%add3A_12, %dma_start3A_65] : memref<10112x64xf32, #tpu.memory_space<vmem_shared>> -> memref<128x64xf32, #tpu.memory_space<vmem_shared>>
      %dma_start3A_67 = arith.constant 0 : i32
      %dma_start3A_68 = arith.constant 0 : i32
      %dma_start3A_69 = tpu.memref_slice %arg8[%run_scoped3A_13, %dma_start3A_67, %dma_start3A_68] : memref<3x128x64xf32, #tpu.memory_space<vmem>> -> memref<1x128x64xf32, #tpu.memory_space<vmem>>
      %dma_start3A_70 = tpu.memref_squeeze %dma_start3A_69 : memref<1x128x64xf32, #tpu.memory_space<vmem>> -> memref<128x64xf32, #tpu.memory_space<vmem>>
      %dma_start3A_71 = arith.constant 0 : i32
      %dma_start3A_72 = arith.constant 0 : i32
      %dma_start3A_73 = tpu.memref_slice %dma_start3A_70[%dma_start3A_71, %dma_start3A_72] : memref<128x64xf32, #tpu.memory_space<vmem>> -> memref<128x64xf32, #tpu.memory_space<vmem>>
      tpu.enqueue_dma source(%dma_start3A_73 : memref<128x64xf32, #tpu.memory_space<vmem>>) target(%dma_start3A_66 : memref<128x64xf32, #tpu.memory_space<vmem_shared>>) target_semaphore(%run_scoped3A_55 : memref<!tpu.dma_semaphore, #tpu.memory_space<semaphore_mem>>)
      %dma_wait3A = arith.constant 0 : i32
      %dma_wait3A_74 = arith.constant 0 : i32
      %dma_wait3A_75 = tpu.memref_slice %arg8[%run_scoped3A_13, %dma_wait3A, %dma_wait3A_74] : memref<3x128x64xf32, #tpu.memory_space<vmem>> -> memref<1x128x64xf32, #tpu.memory_space<vmem>>
      %dma_wait3A_76 = tpu.memref_squeeze %dma_wait3A_75 : memref<1x128x64xf32, #tpu.memory_space<vmem>> -> memref<128x64xf32, #tpu.memory_space<vmem>>
      %dma_wait3A_77 = arith.constant 0 : i32
      %dma_wait3A_78 = arith.constant 0 : i32
      %dma_wait3A_79 = tpu.memref_slice %dma_wait3A_76[%dma_wait3A_77, %dma_wait3A_78] : memref<128x64xf32, #tpu.memory_space<vmem>> -> memref<128x64xf32, #tpu.memory_space<vmem>>
      %dma_wait3A_80 = arith.constant 0 : i32
      %dma_wait3A_81 = tpu.memref_slice %arg10[%add3A_12, %dma_wait3A_80] : memref<10112x64xf32, #tpu.memory_space<vmem_shared>> -> memref<128x64xf32, #tpu.memory_space<vmem_shared>>
      %dma_wait3A_82 = arith.constant 0 : i32
      %dma_wait3A_83 = tpu.memref_slice %arg10[%add3A_12, %dma_wait3A_82] : memref<10112x64xf32, #tpu.memory_space<vmem_shared>> -> memref<128x64xf32, #tpu.memory_space<vmem_shared>>
      %dma_wait3A_84 = arith.constant 0 : i32
      %dma_wait3A_85 = arith.constant 0 : i32
      %dma_wait3A_86 = tpu.memref_slice %arg8[%run_scoped3A_13, %dma_wait3A_84, %dma_wait3A_85] : memref<3x128x64xf32, #tpu.memory_space<vmem>> -> memref<1x128x64xf32, #tpu.memory_space<vmem>>
      %dma_wait3A_87 = tpu.memref_squeeze %dma_wait3A_86 : memref<1x128x64xf32, #tpu.memory_space<vmem>> -> memref<128x64xf32, #tpu.memory_space<vmem>>
      %dma_wait3A_88 = arith.constant 0 : i32
      %dma_wait3A_89 = arith.constant 0 : i32
      %dma_wait3A_90 = tpu.memref_slice %dma_wait3A_87[%dma_wait3A_88, %dma_wait3A_89] : memref<128x64xf32, #tpu.memory_space<vmem>> -> memref<128x64xf32, #tpu.memory_space<vmem>>
      tpu.wait_dma2 semaphore(%run_scoped3A_55 : memref<!tpu.dma_semaphore, #tpu.memory_space<semaphore_mem>>) src(%dma_wait3A_90 : memref<128x64xf32, #tpu.memory_space<vmem>>) dst(%dma_wait3A_83 : memref<128x64xf32, #tpu.memory_space<vmem_shared>>)
      tpu.yield
    }) : () -> ()
    %add3A_14 = arith.constant 256 : i32
    %add3A_15 = arith.addi %mul3A_2, %add3A_14 : i32
    %run_scoped3A_16 = arith.constant 2 : i32
    "tpu.region"() ({
      %run_scoped3A_55 = tpu.sem_alloc : memref<!tpu.dma_semaphore, #tpu.memory_space<semaphore_mem>>
      %dma_start3A_56 = arith.constant 0 : i32
      %dma_start3A_57 = arith.constant 0 : i32
      %dma_start3A_58 = tpu.memref_slice %arg8[%run_scoped3A_16, %dma_start3A_56, %dma_start3A_57] : memref<3x128x64xf32, #tpu.memory_space<vmem>> -> memref<1x128x64xf32, #tpu.memory_space<vmem>>
      %dma_start3A_59 = tpu.memref_squeeze %dma_start3A_58 : memref<1x128x64xf32, #tpu.memory_space<vmem>> -> memref<128x64xf32, #tpu.memory_space<vmem>>
      %dma_start3A_60 = arith.constant 0 : i32
      %dma_start3A_61 = arith.constant 0 : i32
      %dma_start3A_62 = tpu.memref_slice %dma_start3A_59[%dma_start3A_60, %dma_start3A_61] : memref<128x64xf32, #tpu.memory_space<vmem>> -> memref<128x64xf32, #tpu.memory_space<vmem>>
      %dma_start3A_63 = arith.constant 0 : i32
      %dma_start3A_64 = tpu.memref_slice %arg10[%add3A_15, %dma_start3A_63] : memref<10112x64xf32, #tpu.memory_space<vmem_shared>> -> memref<128x64xf32, #tpu.memory_space<vmem_shared>>
      %dma_start3A_65 = arith.constant 0 : i32
      %dma_start3A_66 = tpu.memref_slice %arg10[%add3A_15, %dma_start3A_65] : memref<10112x64xf32, #tpu.memory_space<vmem_shared>> -> memref<128x64xf32, #tpu.memory_space<vmem_shared>>
      %dma_start3A_67 = arith.constant 0 : i32
      %dma_start3A_68 = arith.constant 0 : i32
      %dma_start3A_69 = tpu.memref_slice %arg8[%run_scoped3A_16, %dma_start3A_67, %dma_start3A_68] : memref<3x128x64xf32, #tpu.memory_space<vmem>> -> memref<1x128x64xf32, #tpu.memory_space<vmem>>
      %dma_start3A_70 = tpu.memref_squeeze %dma_start3A_69 : memref<1x128x64xf32, #tpu.memory_space<vmem>> -> memref<128x64xf32, #tpu.memory_space<vmem>>
      %dma_start3A_71 = arith.constant 0 : i32
      %dma_start3A_72 = arith.constant 0 : i32
      %dma_start3A_73 = tpu.memref_slice %dma_start3A_70[%dma_start3A_71, %dma_start3A_72] : memref<128x64xf32, #tpu.memory_space<vmem>> -> memref<128x64xf32, #tpu.memory_space<vmem>>
      tpu.enqueue_dma source(%dma_start3A_73 : memref<128x64xf32, #tpu.memory_space<vmem>>) target(%dma_start3A_66 : memref<128x64xf32, #tpu.memory_space<vmem_shared>>) target_semaphore(%run_scoped3A_55 : memref<!tpu.dma_semaphore, #tpu.memory_space<semaphore_mem>>)
      %dma_wait3A = arith.constant 0 : i32
      %dma_wait3A_74 = arith.constant 0 : i32
      %dma_wait3A_75 = tpu.memref_slice %arg8[%run_scoped3A_16, %dma_wait3A, %dma_wait3A_74] : memref<3x128x64xf32, #tpu.memory_space<vmem>> -> memref<1x128x64xf32, #tpu.memory_space<vmem>>
      %dma_wait3A_76 = tpu.memref_squeeze %dma_wait3A_75 : memref<1x128x64xf32, #tpu.memory_space<vmem>> -> memref<128x64xf32, #tpu.memory_space<vmem>>
      %dma_wait3A_77 = arith.constant 0 : i32
      %dma_wait3A_78 = arith.constant 0 : i32
      %dma_wait3A_79 = tpu.memref_slice %dma_wait3A_76[%dma_wait3A_77, %dma_wait3A_78] : memref<128x64xf32, #tpu.memory_space<vmem>> -> memref<128x64xf32, #tpu.memory_space<vmem>>
      %dma_wait3A_80 = arith.constant 0 : i32
      %dma_wait3A_81 = tpu.memref_slice %arg10[%add3A_15, %dma_wait3A_80] : memref<10112x64xf32, #tpu.memory_space<vmem_shared>> -> memref<128x64xf32, #tpu.memory_space<vmem_shared>>
      %dma_wait3A_82 = arith.constant 0 : i32
      %dma_wait3A_83 = tpu.memref_slice %arg10[%add3A_15, %dma_wait3A_82] : memref<10112x64xf32, #tpu.memory_space<vmem_shared>> -> memref<128x64xf32, #tpu.memory_space<vmem_shared>>
      %dma_wait3A_84 = arith.constant 0 : i32
      %dma_wait3A_85 = arith.constant 0 : i32
      %dma_wait3A_86 = tpu.memref_slice %arg8[%run_scoped3A_16, %dma_wait3A_84, %dma_wait3A_85] : memref<3x128x64xf32, #tpu.memory_space<vmem>> -> memref<1x128x64xf32, #tpu.memory_space<vmem>>
      %dma_wait3A_87 = tpu.memref_squeeze %dma_wait3A_86 : memref<1x128x64xf32, #tpu.memory_space<vmem>> -> memref<128x64xf32, #tpu.memory_space<vmem>>
      %dma_wait3A_88 = arith.constant 0 : i32
      %dma_wait3A_89 = arith.constant 0 : i32
      %dma_wait3A_90 = tpu.memref_slice %dma_wait3A_87[%dma_wait3A_88, %dma_wait3A_89] : memref<128x64xf32, #tpu.memory_space<vmem>> -> memref<128x64xf32, #tpu.memory_space<vmem>>
      tpu.wait_dma2 semaphore(%run_scoped3A_55 : memref<!tpu.dma_semaphore, #tpu.memory_space<semaphore_mem>>) src(%dma_wait3A_90 : memref<128x64xf32, #tpu.memory_space<vmem>>) dst(%dma_wait3A_83 : memref<128x64xf32, #tpu.memory_space<vmem_shared>>)
      tpu.yield
    }) : () -> ()
    %add3A_17 = arith.constant 384 : i32
    %add3A_18 = arith.addi %mul3A_2, %add3A_17 : i32
    %run_scoped3A_19 = arith.constant 0 : i32
    "tpu.region"() ({
      %run_scoped3A_55 = tpu.sem_alloc : memref<!tpu.dma_semaphore, #tpu.memory_space<semaphore_mem>>
      %dma_start3A_56 = arith.constant 0 : i32
      %dma_start3A_57 = arith.constant 0 : i32
      %dma_start3A_58 = tpu.memref_slice %arg8[%run_scoped3A_19, %dma_start3A_56, %dma_start3A_57] : memref<3x128x64xf32, #tpu.memory_space<vmem>> -> memref<1x128x64xf32, #tpu.memory_space<vmem>>
      %dma_start3A_59 = tpu.memref_squeeze %dma_start3A_58 : memref<1x128x64xf32, #tpu.memory_space<vmem>> -> memref<128x64xf32, #tpu.memory_space<vmem>>
      %dma_start3A_60 = arith.constant 0 : i32
      %dma_start3A_61 = arith.constant 0 : i32
      %dma_start3A_62 = tpu.memref_slice %dma_start3A_59[%dma_start3A_60, %dma_start3A_61] : memref<128x64xf32, #tpu.memory_space<vmem>> -> memref<128x64xf32, #tpu.memory_space<vmem>>
      %dma_start3A_63 = arith.constant 0 : i32
      %dma_start3A_64 = tpu.memref_slice %arg10[%add3A_18, %dma_start3A_63] : memref<10112x64xf32, #tpu.memory_space<vmem_shared>> -> memref<128x64xf32, #tpu.memory_space<vmem_shared>>
      %dma_start3A_65 = arith.constant 0 : i32
      %dma_start3A_66 = tpu.memref_slice %arg10[%add3A_18, %dma_start3A_65] : memref<10112x64xf32, #tpu.memory_space<vmem_shared>> -> memref<128x64xf32, #tpu.memory_space<vmem_shared>>
      %dma_start3A_67 = arith.constant 0 : i32
      %dma_start3A_68 = arith.constant 0 : i32
      %dma_start3A_69 = tpu.memref_slice %arg8[%run_scoped3A_19, %dma_start3A_67, %dma_start3A_68] : memref<3x128x64xf32, #tpu.memory_space<vmem>> -> memref<1x128x64xf32, #tpu.memory_space<vmem>>
      %dma_start3A_70 = tpu.memref_squeeze %dma_start3A_69 : memref<1x128x64xf32, #tpu.memory_space<vmem>> -> memref<128x64xf32, #tpu.memory_space<vmem>>
      %dma_start3A_71 = arith.constant 0 : i32
      %dma_start3A_72 = arith.constant 0 : i32
      %dma_start3A_73 = tpu.memref_slice %dma_start3A_70[%dma_start3A_71, %dma_start3A_72] : memref<128x64xf32, #tpu.memory_space<vmem>> -> memref<128x64xf32, #tpu.memory_space<vmem>>
      tpu.enqueue_dma source(%dma_start3A_73 : memref<128x64xf32, #tpu.memory_space<vmem>>) target(%dma_start3A_66 : memref<128x64xf32, #tpu.memory_space<vmem_shared>>) target_semaphore(%run_scoped3A_55 : memref<!tpu.dma_semaphore, #tpu.memory_space<semaphore_mem>>)
      %dma_wait3A = arith.constant 0 : i32
      %dma_wait3A_74 = arith.constant 0 : i32
      %dma_wait3A_75 = tpu.memref_slice %arg8[%run_scoped3A_19, %dma_wait3A, %dma_wait3A_74] : memref<3x128x64xf32, #tpu.memory_space<vmem>> -> memref<1x128x64xf32, #tpu.memory_space<vmem>>
      %dma_wait3A_76 = tpu.memref_squeeze %dma_wait3A_75 : memref<1x128x64xf32, #tpu.memory_space<vmem>> -> memref<128x64xf32, #tpu.memory_space<vmem>>
      %dma_wait3A_77 = arith.constant 0 : i32
      %dma_wait3A_78 = arith.constant 0 : i32
      %dma_wait3A_79 = tpu.memref_slice %dma_wait3A_76[%dma_wait3A_77, %dma_wait3A_78] : memref<128x64xf32, #tpu.memory_space<vmem>> -> memref<128x64xf32, #tpu.memory_space<vmem>>
      %dma_wait3A_80 = arith.constant 0 : i32
      %dma_wait3A_81 = tpu.memref_slice %arg10[%add3A_18, %dma_wait3A_80] : memref<10112x64xf32, #tpu.memory_space<vmem_shared>> -> memref<128x64xf32, #tpu.memory_space<vmem_shared>>
      %dma_wait3A_82 = arith.constant 0 : i32
      %dma_wait3A_83 = tpu.memref_slice %arg10[%add3A_18, %dma_wait3A_82] : memref<10112x64xf32, #tpu.memory_space<vmem_shared>> -> memref<128x64xf32, #tpu.memory_space<vmem_shared>>
      %dma_wait3A_84 = arith.constant 0 : i32
      %dma_wait3A_85 = arith.constant 0 : i32
      %dma_wait3A_86 = tpu.memref_slice %arg8[%run_scoped3A_19, %dma_wait3A_84, %dma_wait3A_85] : memref<3x128x64xf32, #tpu.memory_space<vmem>> -> memref<1x128x64xf32, #tpu.memory_space<vmem>>
      %dma_wait3A_87 = tpu.memref_squeeze %dma_wait3A_86 : memref<1x128x64xf32, #tpu.memory_space<vmem>> -> memref<128x64xf32, #tpu.memory_space<vmem>>
      %dma_wait3A_88 = arith.constant 0 : i32
      %dma_wait3A_89 = arith.constant 0 : i32
      %dma_wait3A_90 = tpu.memref_slice %dma_wait3A_87[%dma_wait3A_88, %dma_wait3A_89] : memref<128x64xf32, #tpu.memory_space<vmem>> -> memref<128x64xf32, #tpu.memory_space<vmem>>
      tpu.wait_dma2 semaphore(%run_scoped3A_55 : memref<!tpu.dma_semaphore, #tpu.memory_space<semaphore_mem>>) src(%dma_wait3A_90 : memref<128x64xf32, #tpu.memory_space<vmem>>) dst(%dma_wait3A_83 : memref<128x64xf32, #tpu.memory_space<vmem_shared>>)
      tpu.yield
    }) : () -> ()
    %add3A_20 = arith.constant 512 : i32
    %add3A_21 = arith.addi %mul3A_2, %add3A_20 : i32
    %run_scoped3A_22 = arith.constant 1 : i32
    "tpu.region"() ({
      %run_scoped3A_55 = tpu.sem_alloc : memref<!tpu.dma_semaphore, #tpu.memory_space<semaphore_mem>>
      %dma_start3A_56 = arith.constant 0 : i32
      %dma_start3A_57 = arith.constant 0 : i32
      %dma_start3A_58 = tpu.memref_slice %arg8[%run_scoped3A_22, %dma_start3A_56, %dma_start3A_57] : memref<3x128x64xf32, #tpu.memory_space<vmem>> -> memref<1x128x64xf32, #tpu.memory_space<vmem>>
      %dma_start3A_59 = tpu.memref_squeeze %dma_start3A_58 : memref<1x128x64xf32, #tpu.memory_space<vmem>> -> memref<128x64xf32, #tpu.memory_space<vmem>>
      %dma_start3A_60 = arith.constant 0 : i32
      %dma_start3A_61 = arith.constant 0 : i32
      %dma_start3A_62 = tpu.memref_slice %dma_start3A_59[%dma_start3A_60, %dma_start3A_61] : memref<128x64xf32, #tpu.memory_space<vmem>> -> memref<120x64xf32, #tpu.memory_space<vmem>>
      %dma_start3A_63 = arith.constant 0 : i32
      %dma_start3A_64 = tpu.memref_slice %arg10[%add3A_21, %dma_start3A_63] : memref<10112x64xf32, #tpu.memory_space<vmem_shared>> -> memref<120x64xf32, #tpu.memory_space<vmem_shared>>
      %dma_start3A_65 = arith.constant 0 : i32
      %dma_start3A_66 = tpu.memref_slice %arg10[%add3A_21, %dma_start3A_65] : memref<10112x64xf32, #tpu.memory_space<vmem_shared>> -> memref<120x64xf32, #tpu.memory_space<vmem_shared>>
      %dma_start3A_67 = arith.constant 0 : i32
      %dma_start3A_68 = arith.constant 0 : i32
      %dma_start3A_69 = tpu.memref_slice %arg8[%run_scoped3A_22, %dma_start3A_67, %dma_start3A_68] : memref<3x128x64xf32, #tpu.memory_space<vmem>> -> memref<1x128x64xf32, #tpu.memory_space<vmem>>
      %dma_start3A_70 = tpu.memref_squeeze %dma_start3A_69 : memref<1x128x64xf32, #tpu.memory_space<vmem>> -> memref<128x64xf32, #tpu.memory_space<vmem>>
      %dma_start3A_71 = arith.constant 0 : i32
      %dma_start3A_72 = arith.constant 0 : i32
      %dma_start3A_73 = tpu.memref_slice %dma_start3A_70[%dma_start3A_71, %dma_start3A_72] : memref<128x64xf32, #tpu.memory_space<vmem>> -> memref<120x64xf32, #tpu.memory_space<vmem>>
      tpu.enqueue_dma source(%dma_start3A_73 : memref<120x64xf32, #tpu.memory_space<vmem>>) target(%dma_start3A_66 : memref<120x64xf32, #tpu.memory_space<vmem_shared>>) target_semaphore(%run_scoped3A_55 : memref<!tpu.dma_semaphore, #tpu.memory_space<semaphore_mem>>)
      %dma_wait3A = arith.constant 0 : i32
      %dma_wait3A_74 = arith.constant 0 : i32
      %dma_wait3A_75 = tpu.memref_slice %arg8[%run_scoped3A_22, %dma_wait3A, %dma_wait3A_74] : memref<3x128x64xf32, #tpu.memory_space<vmem>> -> memref<1x128x64xf32, #tpu.memory_space<vmem>>
      %dma_wait3A_76 = tpu.memref_squeeze %dma_wait3A_75 : memref<1x128x64xf32, #tpu.memory_space<vmem>> -> memref<128x64xf32, #tpu.memory_space<vmem>>
      %dma_wait3A_77 = arith.constant 0 : i32
      %dma_wait3A_78 = arith.constant 0 : i32
      %dma_wait3A_79 = tpu.memref_slice %dma_wait3A_76[%dma_wait3A_77, %dma_wait3A_78] : memref<128x64xf32, #tpu.memory_space<vmem>> -> memref<120x64xf32, #tpu.memory_space<vmem>>
      %dma_wait3A_80 = arith.constant 0 : i32
      %dma_wait3A_81 = tpu.memref_slice %arg10[%add3A_21, %dma_wait3A_80] : memref<10112x64xf32, #tpu.memory_space<vmem_shared>> -> memref<120x64xf32, #tpu.memory_space<vmem_shared>>
      %dma_wait3A_82 = arith.constant 0 : i32
      %dma_wait3A_83 = tpu.memref_slice %arg10[%add3A_21, %dma_wait3A_82] : memref<10112x64xf32, #tpu.memory_space<vmem_shared>> -> memref<120x64xf32, #tpu.memory_space<vmem_shared>>
      %dma_wait3A_84 = arith.constant 0 : i32
      %dma_wait3A_85 = arith.constant 0 : i32
      %dma_wait3A_86 = tpu.memref_slice %arg8[%run_scoped3A_22, %dma_wait3A_84, %dma_wait3A_85] : memref<3x128x64xf32, #tpu.memory_space<vmem>> -> memref<1x128x64xf32, #tpu.memory_space<vmem>>
      %dma_wait3A_87 = tpu.memref_squeeze %dma_wait3A_86 : memref<1x128x64xf32, #tpu.memory_space<vmem>> -> memref<128x64xf32, #tpu.memory_space<vmem>>
      %dma_wait3A_88 = arith.constant 0 : i32
      %dma_wait3A_89 = arith.constant 0 : i32
      %dma_wait3A_90 = tpu.memref_slice %dma_wait3A_87[%dma_wait3A_88, %dma_wait3A_89] : memref<128x64xf32, #tpu.memory_space<vmem>> -> memref<120x64xf32, #tpu.memory_space<vmem>>
      tpu.wait_dma2 semaphore(%run_scoped3A_55 : memref<!tpu.dma_semaphore, #tpu.memory_space<semaphore_mem>>) src(%dma_wait3A_90 : memref<120x64xf32, #tpu.memory_space<vmem>>) dst(%dma_wait3A_83 : memref<120x64xf32, #tpu.memory_space<vmem_shared>>)
      tpu.yield
    }) : () -> ()
    "tpu.region"() ({
      %run_scoped3A_55 = tpu.sem_alloc : memref<!tpu.dma_semaphore, #tpu.memory_space<semaphore_mem>>
      %dma_start3A_56 = arith.constant 0 : i32
      %dma_start3A_57 = arith.constant 0 : i32
      %dma_start3A_58 = tpu.memref_slice %arg3[%add3A, %dma_start3A_56, %dma_start3A_57] : memref<32x81x128xi32, #tpu.memory_space<hbm>> -> memref<1x81x128xi32, #tpu.memory_space<hbm>>
      %dma_start3A_59 = tpu.memref_squeeze %dma_start3A_58 : memref<1x81x128xi32, #tpu.memory_space<hbm>> -> memref<81x128xi32, #tpu.memory_space<hbm>>
      %dma_start3A_60 = arith.constant 0 : i32
      %dma_start3A_61 = arith.constant 0 : i32
      %dma_start3A_62 = tpu.memref_slice %arg3[%add3A, %dma_start3A_60, %dma_start3A_61] : memref<32x81x128xi32, #tpu.memory_space<hbm>> -> memref<1x81x128xi32, #tpu.memory_space<hbm>>
      %dma_start3A_63 = tpu.memref_squeeze %dma_start3A_62 : memref<1x81x128xi32, #tpu.memory_space<hbm>> -> memref<81x128xi32, #tpu.memory_space<hbm>>
      tpu.enqueue_dma source(%dma_start3A_63 : memref<81x128xi32, #tpu.memory_space<hbm>>) target(%arg6 : memref<81x128xi32, #tpu.memory_space<vmem>>) target_semaphore(%run_scoped3A_55 : memref<!tpu.dma_semaphore, #tpu.memory_space<semaphore_mem>>)
      %dma_wait3A = arith.constant 0 : i32
      %dma_wait3A_64 = arith.constant 0 : i32
      %dma_wait3A_65 = tpu.memref_slice %arg3[%add3A, %dma_wait3A, %dma_wait3A_64] : memref<32x81x128xi32, #tpu.memory_space<hbm>> -> memref<1x81x128xi32, #tpu.memory_space<hbm>>
      %dma_wait3A_66 = tpu.memref_squeeze %dma_wait3A_65 : memref<1x81x128xi32, #tpu.memory_space<hbm>> -> memref<81x128xi32, #tpu.memory_space<hbm>>
      %dma_wait3A_67 = arith.constant 0 : i32
      %dma_wait3A_68 = arith.constant 0 : i32
      %dma_wait3A_69 = tpu.memref_slice %arg3[%add3A, %dma_wait3A_67, %dma_wait3A_68] : memref<32x81x128xi32, #tpu.memory_space<hbm>> -> memref<1x81x128xi32, #tpu.memory_space<hbm>>
      %dma_wait3A_70 = tpu.memref_squeeze %dma_wait3A_69 : memref<1x81x128xi32, #tpu.memory_space<hbm>> -> memref<81x128xi32, #tpu.memory_space<hbm>>
      tpu.wait_dma2 semaphore(%run_scoped3A_55 : memref<!tpu.dma_semaphore, #tpu.memory_space<semaphore_mem>>) src(%dma_wait3A_70 : memref<81x128xi32, #tpu.memory_space<hbm>>) dst(%arg6 : memref<81x128xi32, #tpu.memory_space<vmem>>)
      tpu.yield
    }) : () -> ()
    "tpu.region"() ({
      %run_scoped3A_55 = tpu.sem_alloc : memref<!tpu.dma_semaphore, #tpu.memory_space<semaphore_mem>>
      %dma_start3A_56 = arith.constant 0 : i32
      %dma_start3A_57 = arith.constant 0 : i32
      %dma_start3A_58 = tpu.memref_slice %arg4[%add3A, %dma_start3A_56, %dma_start3A_57] : memref<32x81x128xi32, #tpu.memory_space<hbm>> -> memref<1x81x128xi32, #tpu.memory_space<hbm>>
      %dma_start3A_59 = tpu.memref_squeeze %dma_start3A_58 : memref<1x81x128xi32, #tpu.memory_space<hbm>> -> memref<81x128xi32, #tpu.memory_space<hbm>>
      %dma_start3A_60 = arith.constant 0 : i32
      %dma_start3A_61 = arith.constant 0 : i32
      %dma_start3A_62 = tpu.memref_slice %arg4[%add3A, %dma_start3A_60, %dma_start3A_61] : memref<32x81x128xi32, #tpu.memory_space<hbm>> -> memref<1x81x128xi32, #tpu.memory_space<hbm>>
      %dma_start3A_63 = tpu.memref_squeeze %dma_start3A_62 : memref<1x81x128xi32, #tpu.memory_space<hbm>> -> memref<81x128xi32, #tpu.memory_space<hbm>>
      tpu.enqueue_dma source(%dma_start3A_63 : memref<81x128xi32, #tpu.memory_space<hbm>>) target(%arg7 : memref<81x128xi32, #tpu.memory_space<vmem>>) target_semaphore(%run_scoped3A_55 : memref<!tpu.dma_semaphore, #tpu.memory_space<semaphore_mem>>)
      %dma_wait3A = arith.constant 0 : i32
      %dma_wait3A_64 = arith.constant 0 : i32
      %dma_wait3A_65 = tpu.memref_slice %arg4[%add3A, %dma_wait3A, %dma_wait3A_64] : memref<32x81x128xi32, #tpu.memory_space<hbm>> -> memref<1x81x128xi32, #tpu.memory_space<hbm>>
      %dma_wait3A_66 = tpu.memref_squeeze %dma_wait3A_65 : memref<1x81x128xi32, #tpu.memory_space<hbm>> -> memref<81x128xi32, #tpu.memory_space<hbm>>
      %dma_wait3A_67 = arith.constant 0 : i32
      %dma_wait3A_68 = arith.constant 0 : i32
      %dma_wait3A_69 = tpu.memref_slice %arg4[%add3A, %dma_wait3A_67, %dma_wait3A_68] : memref<32x81x128xi32, #tpu.memory_space<hbm>> -> memref<1x81x128xi32, #tpu.memory_space<hbm>>
      %dma_wait3A_70 = tpu.memref_squeeze %dma_wait3A_69 : memref<1x81x128xi32, #tpu.memory_space<hbm>> -> memref<81x128xi32, #tpu.memory_space<hbm>>
      tpu.wait_dma2 semaphore(%run_scoped3A_55 : memref<!tpu.dma_semaphore, #tpu.memory_space<semaphore_mem>>) src(%dma_wait3A_70 : memref<81x128xi32, #tpu.memory_space<hbm>>) dst(%arg7 : memref<81x128xi32, #tpu.memory_space<vmem>>)
      tpu.yield
    }) : () -> ()
    %barrier3A = arith.constant 0 : index
    tpu.barrier barrier_id(%barrier3A)
    %dma_start3A = arith.constant 0 : i32
    %dma_start3A_23 = arith.constant 0 : i32
    %dma_start3A_24 = arith.constant 0 : i32
    %dma_start3A_25 = arith.constant 0 : i32
    %dma_start3A_26 = tpu.memref_slice %arg8[%dma_start3A_23, %dma_start3A_24, %dma_start3A_25] : memref<3x128x64xf32, #tpu.memory_space<vmem>> -> memref<1x128x64xf32, #tpu.memory_space<vmem>>
    %dma_start3A_27 = tpu.memref_squeeze %dma_start3A_26 : memref<1x128x64xf32, #tpu.memory_space<vmem>> -> memref<128x64xf32, #tpu.memory_space<vmem>>
    %dma_start3A_28 = arith.constant 0 : i32
    %dma_start3A_29 = tpu.memref_slice %arg6[%dma_start3A, %dma_start3A_28] : memref<81x128xi32, #tpu.memory_space<vmem>> -> memref<1x128xi32, #tpu.memory_space<vmem>>
    %dma_start3A_30 = tpu.memref_squeeze %dma_start3A_29 : memref<1x128xi32, #tpu.memory_space<vmem>> -> memref<128xi32, #tpu.memory_space<vmem>>
    %dma_start3A_31 = arith.constant 0 : i32
    %dma_start3A_32 = arith.constant 0 : i32
    %dma_start3A_33 = tpu.memref_slice %arg2[%dma_start3A_31, %dma_start3A_32] : memref<10112x64xf32, #tpu.memory_space<hbm>> -> memref<10112x64xf32, #tpu.memory_space<hbm>>
    tpu.enqueue_indirect_dma source(%dma_start3A_33 : memref<10112x64xf32, #tpu.memory_space<hbm>>) target(%dma_start3A_27 : memref<128x64xf32, #tpu.memory_space<vmem>>) offsets(%dma_start3A_30 : memref<128xi32, #tpu.memory_space<vmem>>) semaphore(%arg11 : memref<!tpu.dma_semaphore, #tpu.memory_space<semaphore_mem>>)
    %dma_start3A_34 = arith.constant 1 : i32
    %dma_start3A_35 = arith.constant 1 : i32
    %dma_start3A_36 = arith.constant 0 : i32
    %dma_start3A_37 = arith.constant 0 : i32
    %dma_start3A_38 = tpu.memref_slice %arg8[%dma_start3A_35, %dma_start3A_36, %dma_start3A_37] : memref<3x128x64xf32, #tpu.memory_space<vmem>> -> memref<1x128x64xf32, #tpu.memory_space<vmem>>
    %dma_start3A_39 = tpu.memref_squeeze %dma_start3A_38 : memref<1x128x64xf32, #tpu.memory_space<vmem>> -> memref<128x64xf32, #tpu.memory_space<vmem>>
    %dma_start3A_40 = arith.constant 0 : i32
    %dma_start3A_41 = tpu.memref_slice %arg6[%dma_start3A_34, %dma_start3A_40] : memref<81x128xi32, #tpu.memory_space<vmem>> -> memref<1x128xi32, #tpu.memory_space<vmem>>
    %dma_start3A_42 = tpu.memref_squeeze %dma_start3A_41 : memref<1x128xi32, #tpu.memory_space<vmem>> -> memref<128xi32, #tpu.memory_space<vmem>>
    %dma_start3A_43 = arith.constant 0 : i32
    %dma_start3A_44 = arith.constant 0 : i32
    %dma_start3A_45 = tpu.memref_slice %arg9[%dma_start3A_43, %dma_start3A_44] : memref<10112x64xf32, #tpu.memory_space<vmem_shared>> -> memref<10112x64xf32, #tpu.memory_space<vmem_shared>>
    tpu.enqueue_indirect_dma source(%dma_start3A_45 : memref<10112x64xf32, #tpu.memory_space<vmem_shared>>) target(%dma_start3A_39 : memref<128x64xf32, #tpu.memory_space<vmem>>) offsets(%dma_start3A_42 : memref<128xi32, #tpu.memory_space<vmem>>) semaphore(%arg12 : memref<!tpu.dma_semaphore, #tpu.memory_space<semaphore_mem>>)
    %scan3A_46 = arith.constant 0 : i32
    %scan3A_47 = arith.constant 0 : i32
    %scan3A_48 = arith.constant 27 : i32
    %scan3A_49 = arith.addi %scan3A_47, %scan3A_48 : i32
    %scan3A_50 = arith.constant 1 : i32
    scf.for %scan3A_55 = %scan3A_47 to %scan3A_49 step %scan3A_50  : i32 {
      %mul3A_56 = arith.constant 3 : i32
      %mul3A_57 = arith.muli %scan3A_55, %mul3A_56 : i32
      %add3A_58 = arith.constant 0 : i32
      %add3A_59 = arith.addi %mul3A_57, %add3A_58 : i32
      %add3A_60 = arith.constant 2 : i32
      %add3A_61 = arith.addi %add3A_59, %add3A_60 : i32
      %lt3A = arith.constant 81 : i32
      %lt3A_62 = arith.cmpi slt, %add3A_61, %lt3A : i32
      %convert_element_type3A = arith.extui %lt3A_62 : i1 to i32
      %cond3A = arith.constant 0 : i32
      %cond3A_63 = arith.cmpi ne, %convert_element_type3A, %cond3A : i32
      scf.if %cond3A_63 {
        %dma_start3A_117 = arith.constant 2 : i32
        %dma_start3A_118 = arith.constant 0 : i32
        %dma_start3A_119 = arith.constant 0 : i32
        %dma_start3A_120 = tpu.memref_slice %arg8[%dma_start3A_117, %dma_start3A_118, %dma_start3A_119] : memref<3x128x64xf32, #tpu.memory_space<vmem>> -> memref<1x128x64xf32, #tpu.memory_space<vmem>>
        %dma_start3A_121 = tpu.memref_squeeze %dma_start3A_120 : memref<1x128x64xf32, #tpu.memory_space<vmem>> -> memref<128x64xf32, #tpu.memory_space<vmem>>
        %dma_start3A_122 = arith.constant 0 : i32
        %dma_start3A_123 = tpu.memref_slice %arg6[%add3A_61, %dma_start3A_122] : memref<81x128xi32, #tpu.memory_space<vmem>> -> memref<1x128xi32, #tpu.memory_space<vmem>>
        %dma_start3A_124 = tpu.memref_squeeze %dma_start3A_123 : memref<1x128xi32, #tpu.memory_space<vmem>> -> memref<128xi32, #tpu.memory_space<vmem>>
        %dma_start3A_125 = arith.constant 0 : i32
        %dma_start3A_126 = arith.constant 0 : i32
        %dma_start3A_127 = tpu.memref_slice %arg9[%dma_start3A_125, %dma_start3A_126] : memref<10112x64xf32, #tpu.memory_space<vmem_shared>> -> memref<10112x64xf32, #tpu.memory_space<vmem_shared>>
        tpu.enqueue_indirect_dma source(%dma_start3A_127 : memref<10112x64xf32, #tpu.memory_space<vmem_shared>>) target(%dma_start3A_121 : memref<128x64xf32, #tpu.memory_space<vmem>>) offsets(%dma_start3A_124 : memref<128xi32, #tpu.memory_space<vmem>>) semaphore(%arg13 : memref<!tpu.dma_semaphore, #tpu.memory_space<semaphore_mem>>)
      } else {
      }
      %dma_wait3A = arith.constant 0 : i32
      %dma_wait3A_64 = arith.constant 0 : i32
      %dma_wait3A_65 = arith.constant 0 : i32
      %dma_wait3A_66 = tpu.memref_slice %arg8[%dma_wait3A, %dma_wait3A_64, %dma_wait3A_65] : memref<3x128x64xf32, #tpu.memory_space<vmem>> -> memref<1x128x64xf32, #tpu.memory_space<vmem>>
      %dma_wait3A_67 = tpu.memref_squeeze %dma_wait3A_66 : memref<1x128x64xf32, #tpu.memory_space<vmem>> -> memref<128x64xf32, #tpu.memory_space<vmem>>
      %dma_wait3A_68 = arith.constant 0 : i32
      %dma_wait3A_69 = tpu.memref_slice %arg6[%add3A_59, %dma_wait3A_68] : memref<81x128xi32, #tpu.memory_space<vmem>> -> memref<1x128xi32, #tpu.memory_space<vmem>>
      %dma_wait3A_70 = tpu.memref_squeeze %dma_wait3A_69 : memref<1x128xi32, #tpu.memory_space<vmem>> -> memref<128xi32, #tpu.memory_space<vmem>>
      %dma_wait3A_71 = arith.constant 0 : i32
      %dma_wait3A_72 = arith.constant 0 : i32
      %dma_wait3A_73 = tpu.memref_slice %arg2[%dma_wait3A_71, %dma_wait3A_72] : memref<10112x64xf32, #tpu.memory_space<hbm>> -> memref<10112x64xf32, #tpu.memory_space<hbm>>
      tpu.wait_indirect_dma semaphore(%arg11 : memref<!tpu.dma_semaphore, #tpu.memory_space<semaphore_mem>>) src(%dma_wait3A_73 : memref<10112x64xf32, #tpu.memory_space<hbm>>) dst(%dma_wait3A_67 : memref<128x64xf32, #tpu.memory_space<vmem>>)
      %run_scoped3A_74 = arith.constant 0 : i32
      "tpu.region"() ({
        %run_scoped3A_117 = tpu.sem_alloc : memref<!tpu.dma_semaphore, #tpu.memory_space<semaphore_mem>>
        %dma_start3A_118 = arith.constant 0 : i32
        %dma_start3A_119 = arith.constant 0 : i32
        %dma_start3A_120 = tpu.memref_slice %arg8[%run_scoped3A_74, %dma_start3A_118, %dma_start3A_119] : memref<3x128x64xf32, #tpu.memory_space<vmem>> -> memref<1x128x64xf32, #tpu.memory_space<vmem>>
        %dma_start3A_121 = tpu.memref_squeeze %dma_start3A_120 : memref<1x128x64xf32, #tpu.memory_space<vmem>> -> memref<128x64xf32, #tpu.memory_space<vmem>>
        %dma_start3A_122 = arith.constant 0 : i32
        %dma_start3A_123 = tpu.memref_slice %arg7[%add3A_59, %dma_start3A_122] : memref<81x128xi32, #tpu.memory_space<vmem>> -> memref<1x128xi32, #tpu.memory_space<vmem>>
        %dma_start3A_124 = tpu.memref_squeeze %dma_start3A_123 : memref<1x128xi32, #tpu.memory_space<vmem>> -> memref<128xi32, #tpu.memory_space<vmem>>
        %dma_start3A_125 = arith.constant 0 : i32
        %dma_start3A_126 = arith.constant 0 : i32
        %dma_start3A_127 = tpu.memref_slice %arg10[%dma_start3A_125, %dma_start3A_126] : memref<10112x64xf32, #tpu.memory_space<vmem_shared>> -> memref<10112x64xf32, #tpu.memory_space<vmem_shared>>
        tpu.enqueue_indirect_dma source(%dma_start3A_121 : memref<128x64xf32, #tpu.memory_space<vmem>>) target(%dma_start3A_127 : memref<10112x64xf32, #tpu.memory_space<vmem_shared>>) offsets(%dma_start3A_124 : memref<128xi32, #tpu.memory_space<vmem>>) semaphore(%run_scoped3A_117 : memref<!tpu.dma_semaphore, #tpu.memory_space<semaphore_mem>>) {add = true}
        %dma_wait3A_128 = arith.constant 0 : i32
        %dma_wait3A_129 = arith.constant 0 : i32
        %dma_wait3A_130 = tpu.memref_slice %arg8[%run_scoped3A_74, %dma_wait3A_128, %dma_wait3A_129] : memref<3x128x64xf32, #tpu.memory_space<vmem>> -> memref<1x128x64xf32, #tpu.memory_space<vmem>>
        %dma_wait3A_131 = tpu.memref_squeeze %dma_wait3A_130 : memref<1x128x64xf32, #tpu.memory_space<vmem>> -> memref<128x64xf32, #tpu.memory_space<vmem>>
        %dma_wait3A_132 = arith.constant 0 : i32
        %dma_wait3A_133 = tpu.memref_slice %arg7[%add3A_59, %dma_wait3A_132] : memref<81x128xi32, #tpu.memory_space<vmem>> -> memref<1x128xi32, #tpu.memory_space<vmem>>
        %dma_wait3A_134 = tpu.memref_squeeze %dma_wait3A_133 : memref<1x128xi32, #tpu.memory_space<vmem>> -> memref<128xi32, #tpu.memory_space<vmem>>
        %dma_wait3A_135 = arith.constant 0 : i32
        %dma_wait3A_136 = arith.constant 0 : i32
        %dma_wait3A_137 = tpu.memref_slice %arg10[%dma_wait3A_135, %dma_wait3A_136] : memref<10112x64xf32, #tpu.memory_space<vmem_shared>> -> memref<10112x64xf32, #tpu.memory_space<vmem_shared>>
        tpu.wait_indirect_dma semaphore(%run_scoped3A_117 : memref<!tpu.dma_semaphore, #tpu.memory_space<semaphore_mem>>) src(%dma_wait3A_131 : memref<128x64xf32, #tpu.memory_space<vmem>>) dst(%dma_wait3A_137 : memref<10112x64xf32, #tpu.memory_space<vmem_shared>>)
        tpu.yield
      }) : () -> ()
      %add3A_75 = arith.constant 1 : i32
      %add3A_76 = arith.addi %mul3A_57, %add3A_75 : i32
      %add3A_77 = arith.constant 2 : i32
      %add3A_78 = arith.addi %add3A_76, %add3A_77 : i32
      %lt3A_79 = arith.constant 81 : i32
      %lt3A_80 = arith.cmpi slt, %add3A_78, %lt3A_79 : i32
      %convert_element_type3A_81 = arith.extui %lt3A_80 : i1 to i32
      %cond3A_82 = arith.constant 0 : i32
      %cond3A_83 = arith.cmpi ne, %convert_element_type3A_81, %cond3A_82 : i32
      scf.if %cond3A_83 {
        %dma_start3A_117 = arith.constant 0 : i32
        %dma_start3A_118 = arith.constant 0 : i32
        %dma_start3A_119 = arith.constant 0 : i32
        %dma_start3A_120 = tpu.memref_slice %arg8[%dma_start3A_117, %dma_start3A_118, %dma_start3A_119] : memref<3x128x64xf32, #tpu.memory_space<vmem>> -> memref<1x128x64xf32, #tpu.memory_space<vmem>>
        %dma_start3A_121 = tpu.memref_squeeze %dma_start3A_120 : memref<1x128x64xf32, #tpu.memory_space<vmem>> -> memref<128x64xf32, #tpu.memory_space<vmem>>
        %dma_start3A_122 = arith.constant 0 : i32
        %dma_start3A_123 = tpu.memref_slice %arg6[%add3A_78, %dma_start3A_122] : memref<81x128xi32, #tpu.memory_space<vmem>> -> memref<1x128xi32, #tpu.memory_space<vmem>>
        %dma_start3A_124 = tpu.memref_squeeze %dma_start3A_123 : memref<1x128xi32, #tpu.memory_space<vmem>> -> memref<128xi32, #tpu.memory_space<vmem>>
        %dma_start3A_125 = arith.constant 0 : i32
        %dma_start3A_126 = arith.constant 0 : i32
        %dma_start3A_127 = tpu.memref_slice %arg2[%dma_start3A_125, %dma_start3A_126] : memref<10112x64xf32, #tpu.memory_space<hbm>> -> memref<10112x64xf32, #tpu.memory_space<hbm>>
        tpu.enqueue_indirect_dma source(%dma_start3A_127 : memref<10112x64xf32, #tpu.memory_space<hbm>>) target(%dma_start3A_121 : memref<128x64xf32, #tpu.memory_space<vmem>>) offsets(%dma_start3A_124 : memref<128xi32, #tpu.memory_space<vmem>>) semaphore(%arg11 : memref<!tpu.dma_semaphore, #tpu.memory_space<semaphore_mem>>)
      } else {
      }
      %dma_wait3A_84 = arith.constant 1 : i32
      %dma_wait3A_85 = arith.constant 0 : i32
      %dma_wait3A_86 = arith.constant 0 : i32
      %dma_wait3A_87 = tpu.memref_slice %arg8[%dma_wait3A_84, %dma_wait3A_85, %dma_wait3A_86] : memref<3x128x64xf32, #tpu.memory_space<vmem>> -> memref<1x128x64xf32, #tpu.memory_space<vmem>>
      %dma_wait3A_88 = tpu.memref_squeeze %dma_wait3A_87 : memref<1x128x64xf32, #tpu.memory_space<vmem>> -> memref<128x64xf32, #tpu.memory_space<vmem>>
      %dma_wait3A_89 = arith.constant 0 : i32
      %dma_wait3A_90 = tpu.memref_slice %arg6[%add3A_76, %dma_wait3A_89] : memref<81x128xi32, #tpu.memory_space<vmem>> -> memref<1x128xi32, #tpu.memory_space<vmem>>
      %dma_wait3A_91 = tpu.memref_squeeze %dma_wait3A_90 : memref<1x128xi32, #tpu.memory_space<vmem>> -> memref<128xi32, #tpu.memory_space<vmem>>
      %dma_wait3A_92 = arith.constant 0 : i32
      %dma_wait3A_93 = arith.constant 0 : i32
      %dma_wait3A_94 = tpu.memref_slice %arg9[%dma_wait3A_92, %dma_wait3A_93] : memref<10112x64xf32, #tpu.memory_space<vmem_shared>> -> memref<10112x64xf32, #tpu.memory_space<vmem_shared>>
      tpu.wait_indirect_dma semaphore(%arg12 : memref<!tpu.dma_semaphore, #tpu.memory_space<semaphore_mem>>) src(%dma_wait3A_94 : memref<10112x64xf32, #tpu.memory_space<vmem_shared>>) dst(%dma_wait3A_88 : memref<128x64xf32, #tpu.memory_space<vmem>>)
      %run_scoped3A_95 = arith.constant 1 : i32
      "tpu.region"() ({
        %run_scoped3A_117 = tpu.sem_alloc : memref<!tpu.dma_semaphore, #tpu.memory_space<semaphore_mem>>
        %dma_start3A_118 = arith.constant 0 : i32
        %dma_start3A_119 = arith.constant 0 : i32
        %dma_start3A_120 = tpu.memref_slice %arg8[%run_scoped3A_95, %dma_start3A_118, %dma_start3A_119] : memref<3x128x64xf32, #tpu.memory_space<vmem>> -> memref<1x128x64xf32, #tpu.memory_space<vmem>>
        %dma_start3A_121 = tpu.memref_squeeze %dma_start3A_120 : memref<1x128x64xf32, #tpu.memory_space<vmem>> -> memref<128x64xf32, #tpu.memory_space<vmem>>
        %dma_start3A_122 = arith.constant 0 : i32
        %dma_start3A_123 = tpu.memref_slice %arg7[%add3A_76, %dma_start3A_122] : memref<81x128xi32, #tpu.memory_space<vmem>> -> memref<1x128xi32, #tpu.memory_space<vmem>>
        %dma_start3A_124 = tpu.memref_squeeze %dma_start3A_123 : memref<1x128xi32, #tpu.memory_space<vmem>> -> memref<128xi32, #tpu.memory_space<vmem>>
        %dma_start3A_125 = arith.constant 0 : i32
        %dma_start3A_126 = arith.constant 0 : i32
        %dma_start3A_127 = tpu.memref_slice %arg10[%dma_start3A_125, %dma_start3A_126] : memref<10112x64xf32, #tpu.memory_space<vmem_shared>> -> memref<10112x64xf32, #tpu.memory_space<vmem_shared>>
        tpu.enqueue_indirect_dma source(%dma_start3A_121 : memref<128x64xf32, #tpu.memory_space<vmem>>) target(%dma_start3A_127 : memref<10112x64xf32, #tpu.memory_space<vmem_shared>>) offsets(%dma_start3A_124 : memref<128xi32, #tpu.memory_space<vmem>>) semaphore(%run_scoped3A_117 : memref<!tpu.dma_semaphore, #tpu.memory_space<semaphore_mem>>) {add = true}
        %dma_wait3A_128 = arith.constant 0 : i32
        %dma_wait3A_129 = arith.constant 0 : i32
        %dma_wait3A_130 = tpu.memref_slice %arg8[%run_scoped3A_95, %dma_wait3A_128, %dma_wait3A_129] : memref<3x128x64xf32, #tpu.memory_space<vmem>> -> memref<1x128x64xf32, #tpu.memory_space<vmem>>
        %dma_wait3A_131 = tpu.memref_squeeze %dma_wait3A_130 : memref<1x128x64xf32, #tpu.memory_space<vmem>> -> memref<128x64xf32, #tpu.memory_space<vmem>>
        %dma_wait3A_132 = arith.constant 0 : i32
        %dma_wait3A_133 = tpu.memref_slice %arg7[%add3A_76, %dma_wait3A_132] : memref<81x128xi32, #tpu.memory_space<vmem>> -> memref<1x128xi32, #tpu.memory_space<vmem>>
        %dma_wait3A_134 = tpu.memref_squeeze %dma_wait3A_133 : memref<1x128xi32, #tpu.memory_space<vmem>> -> memref<128xi32, #tpu.memory_space<vmem>>
        %dma_wait3A_135 = arith.constant 0 : i32
        %dma_wait3A_136 = arith.constant 0 : i32
        %dma_wait3A_137 = tpu.memref_slice %arg10[%dma_wait3A_135, %dma_wait3A_136] : memref<10112x64xf32, #tpu.memory_space<vmem_shared>> -> memref<10112x64xf32, #tpu.memory_space<vmem_shared>>
        tpu.wait_indirect_dma semaphore(%run_scoped3A_117 : memref<!tpu.dma_semaphore, #tpu.memory_space<semaphore_mem>>) src(%dma_wait3A_131 : memref<128x64xf32, #tpu.memory_space<vmem>>) dst(%dma_wait3A_137 : memref<10112x64xf32, #tpu.memory_space<vmem_shared>>)
        tpu.yield
      }) : () -> ()
      %add3A_96 = arith.constant 2 : i32
      %add3A_97 = arith.addi %mul3A_57, %add3A_96 : i32
      %add3A_98 = arith.constant 2 : i32
      %add3A_99 = arith.addi %add3A_97, %add3A_98 : i32
      %lt3A_100 = arith.constant 81 : i32
      %lt3A_101 = arith.cmpi slt, %add3A_99, %lt3A_100 : i32
      %convert_element_type3A_102 = arith.extui %lt3A_101 : i1 to i32
      %cond3A_103 = arith.constant 0 : i32
      %cond3A_104 = arith.cmpi ne, %convert_element_type3A_102, %cond3A_103 : i32
      scf.if %cond3A_104 {
        %dma_start3A_117 = arith.constant 1 : i32
        %dma_start3A_118 = arith.constant 0 : i32
        %dma_start3A_119 = arith.constant 0 : i32
        %dma_start3A_120 = tpu.memref_slice %arg8[%dma_start3A_117, %dma_start3A_118, %dma_start3A_119] : memref<3x128x64xf32, #tpu.memory_space<vmem>> -> memref<1x128x64xf32, #tpu.memory_space<vmem>>
        %dma_start3A_121 = tpu.memref_squeeze %dma_start3A_120 : memref<1x128x64xf32, #tpu.memory_space<vmem>> -> memref<128x64xf32, #tpu.memory_space<vmem>>
        %dma_start3A_122 = arith.constant 0 : i32
        %dma_start3A_123 = tpu.memref_slice %arg6[%add3A_99, %dma_start3A_122] : memref<81x128xi32, #tpu.memory_space<vmem>> -> memref<1x128xi32, #tpu.memory_space<vmem>>
        %dma_start3A_124 = tpu.memref_squeeze %dma_start3A_123 : memref<1x128xi32, #tpu.memory_space<vmem>> -> memref<128xi32, #tpu.memory_space<vmem>>
        %dma_start3A_125 = arith.constant 0 : i32
        %dma_start3A_126 = arith.constant 0 : i32
        %dma_start3A_127 = tpu.memref_slice %arg9[%dma_start3A_125, %dma_start3A_126] : memref<10112x64xf32, #tpu.memory_space<vmem_shared>> -> memref<10112x64xf32, #tpu.memory_space<vmem_shared>>
        tpu.enqueue_indirect_dma source(%dma_start3A_127 : memref<10112x64xf32, #tpu.memory_space<vmem_shared>>) target(%dma_start3A_121 : memref<128x64xf32, #tpu.memory_space<vmem>>) offsets(%dma_start3A_124 : memref<128xi32, #tpu.memory_space<vmem>>) semaphore(%arg12 : memref<!tpu.dma_semaphore, #tpu.memory_space<semaphore_mem>>)
      } else {
      }
      %dma_wait3A_105 = arith.constant 2 : i32
      %dma_wait3A_106 = arith.constant 0 : i32
      %dma_wait3A_107 = arith.constant 0 : i32
      %dma_wait3A_108 = tpu.memref_slice %arg8[%dma_wait3A_105, %dma_wait3A_106, %dma_wait3A_107] : memref<3x128x64xf32, #tpu.memory_space<vmem>> -> memref<1x128x64xf32, #tpu.memory_space<vmem>>
      %dma_wait3A_109 = tpu.memref_squeeze %dma_wait3A_108 : memref<1x128x64xf32, #tpu.memory_space<vmem>> -> memref<128x64xf32, #tpu.memory_space<vmem>>
      %dma_wait3A_110 = arith.constant 0 : i32
      %dma_wait3A_111 = tpu.memref_slice %arg6[%add3A_97, %dma_wait3A_110] : memref<81x128xi32, #tpu.memory_space<vmem>> -> memref<1x128xi32, #tpu.memory_space<vmem>>
      %dma_wait3A_112 = tpu.memref_squeeze %dma_wait3A_111 : memref<1x128xi32, #tpu.memory_space<vmem>> -> memref<128xi32, #tpu.memory_space<vmem>>
      %dma_wait3A_113 = arith.constant 0 : i32
      %dma_wait3A_114 = arith.constant 0 : i32
      %dma_wait3A_115 = tpu.memref_slice %arg9[%dma_wait3A_113, %dma_wait3A_114] : memref<10112x64xf32, #tpu.memory_space<vmem_shared>> -> memref<10112x64xf32, #tpu.memory_space<vmem_shared>>
      tpu.wait_indirect_dma semaphore(%arg13 : memref<!tpu.dma_semaphore, #tpu.memory_space<semaphore_mem>>) src(%dma_wait3A_115 : memref<10112x64xf32, #tpu.memory_space<vmem_shared>>) dst(%dma_wait3A_109 : memref<128x64xf32, #tpu.memory_space<vmem>>)
      %run_scoped3A_116 = arith.constant 2 : i32
      "tpu.region"() ({
        %run_scoped3A_117 = tpu.sem_alloc : memref<!tpu.dma_semaphore, #tpu.memory_space<semaphore_mem>>
        %dma_start3A_118 = arith.constant 0 : i32
        %dma_start3A_119 = arith.constant 0 : i32
        %dma_start3A_120 = tpu.memref_slice %arg8[%run_scoped3A_116, %dma_start3A_118, %dma_start3A_119] : memref<3x128x64xf32, #tpu.memory_space<vmem>> -> memref<1x128x64xf32, #tpu.memory_space<vmem>>
        %dma_start3A_121 = tpu.memref_squeeze %dma_start3A_120 : memref<1x128x64xf32, #tpu.memory_space<vmem>> -> memref<128x64xf32, #tpu.memory_space<vmem>>
        %dma_start3A_122 = arith.constant 0 : i32
        %dma_start3A_123 = tpu.memref_slice %arg7[%add3A_97, %dma_start3A_122] : memref<81x128xi32, #tpu.memory_space<vmem>> -> memref<1x128xi32, #tpu.memory_space<vmem>>
        %dma_start3A_124 = tpu.memref_squeeze %dma_start3A_123 : memref<1x128xi32, #tpu.memory_space<vmem>> -> memref<128xi32, #tpu.memory_space<vmem>>
        %dma_start3A_125 = arith.constant 0 : i32
        %dma_start3A_126 = arith.constant 0 : i32
        %dma_start3A_127 = tpu.memref_slice %arg10[%dma_start3A_125, %dma_start3A_126] : memref<10112x64xf32, #tpu.memory_space<vmem_shared>> -> memref<10112x64xf32, #tpu.memory_space<vmem_shared>>
        tpu.enqueue_indirect_dma source(%dma_start3A_121 : memref<128x64xf32, #tpu.memory_space<vmem>>) target(%dma_start3A_127 : memref<10112x64xf32, #tpu.memory_space<vmem_shared>>) offsets(%dma_start3A_124 : memref<128xi32, #tpu.memory_space<vmem>>) semaphore(%run_scoped3A_117 : memref<!tpu.dma_semaphore, #tpu.memory_space<semaphore_mem>>) {add = true}
        %dma_wait3A_128 = arith.constant 0 : i32
        %dma_wait3A_129 = arith.constant 0 : i32
        %dma_wait3A_130 = tpu.memref_slice %arg8[%run_scoped3A_116, %dma_wait3A_128, %dma_wait3A_129] : memref<3x128x64xf32, #tpu.memory_space<vmem>> -> memref<1x128x64xf32, #tpu.memory_space<vmem>>
        %dma_wait3A_131 = tpu.memref_squeeze %dma_wait3A_130 : memref<1x128x64xf32, #tpu.memory_space<vmem>> -> memref<128x64xf32, #tpu.memory_space<vmem>>
        %dma_wait3A_132 = arith.constant 0 : i32
        %dma_wait3A_133 = tpu.memref_slice %arg7[%add3A_97, %dma_wait3A_132] : memref<81x128xi32, #tpu.memory_space<vmem>> -> memref<1x128xi32, #tpu.memory_space<vmem>>
        %dma_wait3A_134 = tpu.memref_squeeze %dma_wait3A_133 : memref<1x128xi32, #tpu.memory_space<vmem>> -> memref<128xi32, #tpu.memory_space<vmem>>
        %dma_wait3A_135 = arith.constant 0 : i32
        %dma_wait3A_136 = arith.constant 0 : i32
        %dma_wait3A_137 = tpu.memref_slice %arg10[%dma_wait3A_135, %dma_wait3A_136] : memref<10112x64xf32, #tpu.memory_space<vmem_shared>> -> memref<10112x64xf32, #tpu.memory_space<vmem_shared>>
        tpu.wait_indirect_dma semaphore(%run_scoped3A_117 : memref<!tpu.dma_semaphore, #tpu.memory_space<semaphore_mem>>) src(%dma_wait3A_131 : memref<128x64xf32, #tpu.memory_space<vmem>>) dst(%dma_wait3A_137 : memref<10112x64xf32, #tpu.memory_space<vmem_shared>>)
        tpu.yield
      }) : () -> ()
    }
    %scan3A_51 = arith.constant 27 : i32
    %barrier3A_52 = arith.constant 0 : index
    tpu.barrier barrier_id(%barrier3A_52)
    %mul3A_53 = arith.constant 632 : i32
    %mul3A_54 = arith.muli %arg1, %mul3A_53 : i32
    "tpu.region"() ({
      %run_scoped3A_55 = tpu.sem_alloc : memref<!tpu.dma_semaphore, #tpu.memory_space<semaphore_mem>>
      %dma_start3A_56 = arith.constant 0 : i32
      %dma_start3A_57 = arith.constant 0 : i32
      %dma_start3A_58 = tpu.memref_slice %arg5[%arg0, %dma_start3A_56, %dma_start3A_57] : memref<2x10112x64xf32, #tpu.memory_space<hbm>> -> memref<1x10112x64xf32, #tpu.memory_space<hbm>>
      %dma_start3A_59 = tpu.memref_squeeze %dma_start3A_58 : memref<1x10112x64xf32, #tpu.memory_space<hbm>> -> memref<10112x64xf32, #tpu.memory_space<hbm>>
      %dma_start3A_60 = arith.constant 0 : i32
      %dma_start3A_61 = tpu.memref_slice %dma_start3A_59[%mul3A_54, %dma_start3A_60] : memref<10112x64xf32, #tpu.memory_space<hbm>> -> memref<632x64xf32, #tpu.memory_space<hbm>>
      %dma_start3A_62 = arith.constant 0 : i32
      %dma_start3A_63 = tpu.memref_slice %arg10[%mul3A_54, %dma_start3A_62] : memref<10112x64xf32, #tpu.memory_space<vmem_shared>> -> memref<632x64xf32, #tpu.memory_space<vmem_shared>>
      tpu.enqueue_dma source(%dma_start3A_63 : memref<632x64xf32, #tpu.memory_space<vmem_shared>>) target(%dma_start3A_61 : memref<632x64xf32, #tpu.memory_space<hbm>>) target_semaphore(%run_scoped3A_55 : memref<!tpu.dma_semaphore, #tpu.memory_space<semaphore_mem>>)
      %dma_wait3A = arith.constant 0 : i32
      %dma_wait3A_64 = arith.constant 0 : i32
      %dma_wait3A_65 = tpu.memref_slice %arg5[%arg0, %dma_wait3A, %dma_wait3A_64] : memref<2x10112x64xf32, #tpu.memory_space<hbm>> -> memref<1x10112x64xf32, #tpu.memory_space<hbm>>
      %dma_wait3A_66 = tpu.memref_squeeze %dma_wait3A_65 : memref<1x10112x64xf32, #tpu.memory_space<hbm>> -> memref<10112x64xf32, #tpu.memory_space<hbm>>
      %dma_wait3A_67 = arith.constant 0 : i32
      %dma_wait3A_68 = tpu.memref_slice %dma_wait3A_66[%mul3A_54, %dma_wait3A_67] : memref<10112x64xf32, #tpu.memory_space<hbm>> -> memref<632x64xf32, #tpu.memory_space<hbm>>
      %dma_wait3A_69 = arith.constant 0 : i32
      %dma_wait3A_70 = tpu.memref_slice %arg10[%mul3A_54, %dma_wait3A_69] : memref<10112x64xf32, #tpu.memory_space<vmem_shared>> -> memref<632x64xf32, #tpu.memory_space<vmem_shared>>
      tpu.wait_dma2 semaphore(%run_scoped3A_55 : memref<!tpu.dma_semaphore, #tpu.memory_space<semaphore_mem>>) src(%dma_wait3A_70 : memref<632x64xf32, #tpu.memory_space<vmem_shared>>) dst(%dma_wait3A_68 : memref<632x64xf32, #tpu.memory_space<hbm>>)
      tpu.yield
    }) : () -> ()
    return
  }
}

module attributes {stable_mosaic.version = 14 : i64} {
  func.func @_mm_body(%arg0: memref<10112x128xf32, #tpu.memory_space<vmem>>, %arg1: memref<128x64xf32, #tpu.memory_space<vmem>>, %arg2: memref<10112x64xf32, #tpu.memory_space<vmem>>) attributes {dimension_semantics = [], scalar_prefetch = 0 : i64, scratch_operands = 0 : i64, tpu.core_type = #tpu.core_type<tc>} {
    %get3A = arith.constant 0 : index
    %get3A_0 = arith.constant 0 : index
    %get3A_1 = vector.load %arg0[%get3A, %get3A_0] : memref<10112x128xf32, #tpu.memory_space<vmem>>, vector<10112x128xf32>
    %get3A_2 = arith.constant 0 : index
    %get3A_3 = arith.constant 0 : index
    %get3A_4 = vector.load %arg1[%get3A_2, %get3A_3] : memref<128x64xf32, #tpu.memory_space<vmem>>, vector<128x64xf32>
    %dot_general3A = arith.constant dense<0.000000e+00> : vector<10112x64xf32>
    %dot_general3A_5 = tpu.matmul %get3A_1, %get3A_4, %dot_general3A {dimension_numbers = #tpu.dot_dimension_numbers<[1], [0], [0], [1], [0, 0, 1, 1], [], []>, transpose_lhs_hint = false} : vector<10112x128xf32>, vector<128x64xf32>, vector<10112x64xf32> -> vector<10112x64xf32>
    %swap3A = arith.constant 0 : index
    %swap3A_6 = arith.constant 0 : index
    %swap3A_7 = vector.load %arg2[%swap3A, %swap3A_6] : memref<10112x64xf32, #tpu.memory_space<vmem>>, vector<10112x64xf32>
    tpu.vector_store %arg2[%swap3A, %swap3A_6], %dot_general3A_5 {strides = array<i32>} : memref<10112x64xf32, #tpu.memory_space<vmem>>, vector<10112x64xf32>,
    return
  }
}

module attributes {stable_mosaic.version = 14 : i64} {
  func.func @_combine_body(%arg0: memref<2x10112x64xf32, #tpu.memory_space<vmem>>, %arg1: memref<1x64xf32, #tpu.memory_space<vmem>>, %arg2: memref<64x64xf32, #tpu.memory_space<vmem>>, %arg3: memref<10112x64xf32, #tpu.memory_space<vmem>>) attributes {dimension_semantics = [], scalar_prefetch = 0 : i64, scratch_operands = 0 : i64, tpu.core_type = #tpu.core_type<tc>} {
    %get3A = arith.constant 0 : index
    %get3A_0 = arith.constant 0 : index
    %get3A_1 = arith.constant 0 : index
    %get3A_2 = vector.load %arg0[%get3A, %get3A_0, %get3A_1] : memref<2x10112x64xf32, #tpu.memory_space<vmem>>, vector<1x10112x64xf32>
    %get3A_3 = vector.shape_cast %get3A_2 : vector<1x10112x64xf32> to vector<10112x64xf32>
    %get3A_4 = arith.constant 1 : index
    %get3A_5 = arith.constant 0 : index
    %get3A_6 = arith.constant 0 : index
    %get3A_7 = vector.load %arg0[%get3A_4, %get3A_5, %get3A_6] : memref<2x10112x64xf32, #tpu.memory_space<vmem>>, vector<1x10112x64xf32>
    %get3A_8 = vector.shape_cast %get3A_7 : vector<1x10112x64xf32> to vector<10112x64xf32>
    %add3A = arith.addf %get3A_3, %get3A_8 : vector<10112x64xf32>
    %get3A_9 = arith.constant 0 : index
    %get3A_10 = arith.constant 0 : index
    %get3A_11 = vector.load %arg1[%get3A_9, %get3A_10] : memref<1x64xf32, #tpu.memory_space<vmem>>, vector<1x64xf32>
    %add3A_12 = vector.broadcast %get3A_11 : vector<1x64xf32> to vector<10112x64xf32>
    %add3A_13 = arith.addf %add3A, %add3A_12 : vector<10112x64xf32>
    %max3A = arith.constant 0.000000e+00 : f32
    %max3A_14 = vector.broadcast %max3A : f32 to vector<10112x64xf32>
    %max3A_15 = arith.maximumf %add3A_13, %max3A_14 : vector<10112x64xf32>
    %get3A_16 = arith.constant 0 : index
    %get3A_17 = arith.constant 0 : index
    %get3A_18 = vector.load %arg2[%get3A_16, %get3A_17] : memref<64x64xf32, #tpu.memory_space<vmem>>, vector<64x64xf32>
    %dot_general3A = arith.constant dense<0.000000e+00> : vector<10112x64xf32>
    %dot_general3A_19 = tpu.matmul %max3A_15, %get3A_18, %dot_general3A {dimension_numbers = #tpu.dot_dimension_numbers<[1], [0], [0], [1], [0, 0, 1, 1], [], []>, transpose_lhs_hint = false} : vector<10112x64xf32>, vector<64x64xf32>, vector<10112x64xf32> -> vector<10112x64xf32>
    %swap3A = arith.constant 0 : index
    %swap3A_20 = arith.constant 0 : index
    %swap3A_21 = vector.load %arg3[%swap3A, %swap3A_20] : memref<10112x64xf32, #tpu.memory_space<vmem>>, vector<10112x64xf32>
    tpu.vector_store %arg3[%swap3A, %swap3A_20], %dot_general3A_19 {strides = array<i32>} : memref<10112x64xf32, #tpu.memory_space<vmem>>, vector<10112x64xf32>,
    return
  }
}

module attributes {stable_mosaic.version = 14 : i64} {
  func.func @_head_body(%arg0: memref<2x10112x64xf32, #tpu.memory_space<vmem>>, %arg1: memref<1x64xf32, #tpu.memory_space<vmem>>, %arg2: memref<64x32xf32, #tpu.memory_space<vmem>>, %arg3: memref<1x32xf32, #tpu.memory_space<vmem>>, %arg4: memref<1x32xf32, #tpu.memory_space<vmem>>, %arg5: memref<1x1xf32, #tpu.memory_space<vmem>>, %arg6: memref<1x1xf32, #tpu.memory_space<vmem>>) attributes {dimension_semantics = [], scalar_prefetch = 0 : i64, scratch_operands = 0 : i64, tpu.core_type = #tpu.core_type<tc>} {
    %get3A = arith.constant 0 : index
    %get3A_0 = arith.constant 0 : index
    %get3A_1 = arith.constant 0 : index
    %get3A_2 = vector.load %arg0[%get3A, %get3A_0, %get3A_1] : memref<2x10112x64xf32, #tpu.memory_space<vmem>>, vector<1x10000x64xf32>
    %get3A_3 = vector.shape_cast %get3A_2 : vector<1x10000x64xf32> to vector<10000x64xf32>
    %get3A_4 = arith.constant 1 : index
    %get3A_5 = arith.constant 0 : index
    %get3A_6 = arith.constant 0 : index
    %get3A_7 = vector.load %arg0[%get3A_4, %get3A_5, %get3A_6] : memref<2x10112x64xf32, #tpu.memory_space<vmem>>, vector<1x10000x64xf32>
    %get3A_8 = vector.shape_cast %get3A_7 : vector<1x10000x64xf32> to vector<10000x64xf32>
    %add3A = arith.addf %get3A_3, %get3A_8 : vector<10000x64xf32>
    %get3A_9 = arith.constant 0 : index
    %get3A_10 = arith.constant 0 : index
    %get3A_11 = vector.load %arg1[%get3A_9, %get3A_10] : memref<1x64xf32, #tpu.memory_space<vmem>>, vector<1x64xf32>
    %add3A_12 = vector.broadcast %get3A_11 : vector<1x64xf32> to vector<10000x64xf32>
    %add3A_13 = arith.addf %add3A, %add3A_12 : vector<10000x64xf32>
    %max3A = arith.constant 0.000000e+00 : f32
    %max3A_14 = vector.broadcast %max3A : f32 to vector<10000x64xf32>
    %max3A_15 = arith.maximumf %add3A_13, %max3A_14 : vector<10000x64xf32>
    %reduce_sum3A = arith.constant dense<0.000000e+00> : vector<64xf32>
    %reduce_sum3A_16 = vector.multi_reduction <add>, %max3A_15, %reduce_sum3A [0] : vector<10000x64xf32> to vector<64xf32>
    %broadcast_in_dim3A = vector.shape_cast %reduce_sum3A_16 : vector<64xf32> to vector<1x64xf32>
    %mul3A = arith.constant 9.99999974E-5 : f32
    %mul3A_17 = vector.broadcast %mul3A : f32 to vector<1x64xf32>
    %mul3A_18 = arith.mulf %broadcast_in_dim3A, %mul3A_17 : vector<1x64xf32>
    %get3A_19 = arith.constant 0 : index
    %get3A_20 = arith.constant 0 : index
    %get3A_21 = vector.load %arg2[%get3A_19, %get3A_20] : memref<64x32xf32, #tpu.memory_space<vmem>>, vector<64x32xf32>
    %dot_general3A = arith.constant dense<0.000000e+00> : vector<1x32xf32>
    %dot_general3A_22 = tpu.matmul %mul3A_18, %get3A_21, %dot_general3A {dimension_numbers = #tpu.dot_dimension_numbers<[1], [0], [0], [1], [0, 0, 1, 1], [], []>, transpose_lhs_hint = false} : vector<1x64xf32>, vector<64x32xf32>, vector<1x32xf32> -> vector<1x32xf32>
    %get3A_23 = arith.constant 0 : index
    %get3A_24 = arith.constant 0 : index
    %get3A_25 = vector.load %arg3[%get3A_23, %get3A_24] : memref<1x32xf32, #tpu.memory_space<vmem>>, vector<1x32xf32>
    %add3A_26 = arith.addf %dot_general3A_22, %get3A_25 : vector<1x32xf32>
    %max3A_27 = arith.constant 0.000000e+00 : f32
    %max3A_28 = vector.broadcast %max3A_27 : f32 to vector<1x32xf32>
    %max3A_29 = arith.maximumf %add3A_26, %max3A_28 : vector<1x32xf32>
    %get3A_30 = arith.constant 0 : index
    %get3A_31 = arith.constant 0 : index
    %get3A_32 = vector.load %arg4[%get3A_30, %get3A_31] : memref<1x32xf32, #tpu.memory_space<vmem>>, vector<1x32xf32>
    %mul3A_33 = arith.mulf %max3A_29, %get3A_32 : vector<1x32xf32>
    %reduce_sum3A_34 = arith.constant dense<0.000000e+00> : vector<1xf32>
    %reduce_sum3A_35 = vector.multi_reduction <add>, %mul3A_33, %reduce_sum3A_34 [1] : vector<1x32xf32> to vector<1xf32>
    %broadcast_in_dim3A_36 = vector.shape_cast %reduce_sum3A_35 : vector<1xf32> to vector<1x1xf32>
    %get3A_37 = arith.constant 0 : index
    %get3A_38 = arith.constant 0 : index
    %get3A_39 = vector.load %arg5[%get3A_37, %get3A_38] : memref<1x1xf32, #tpu.memory_space<vmem>>, vector<1x1xf32>
    %add3A_40 = arith.addf %broadcast_in_dim3A_36, %get3A_39 : vector<1x1xf32>
    %logistic3A = arith.negf %add3A_40 : vector<1x1xf32>
    %logistic3A_41 = math.exp %logistic3A : vector<1x1xf32>
    %logistic3A_42 = arith.constant 1.000000e+00 : f32
    %logistic3A_43 = vector.broadcast %logistic3A_42 : f32 to vector<1x1xf32>
    %logistic3A_44 = arith.addf %logistic3A_43, %logistic3A_41 : vector<1x1xf32>
    %logistic3A_45 = arith.divf %logistic3A_43, %logistic3A_44 : vector<1x1xf32>
    %swap3A = arith.constant 0 : index
    %swap3A_46 = arith.constant 0 : index
    %swap3A_47 = vector.load %arg6[%swap3A, %swap3A_46] : memref<1x1xf32, #tpu.memory_space<vmem>>, vector<1x1xf32>
    tpu.vector_store %arg6[%swap3A, %swap3A_46], %logistic3A_45 {strides = array<i32>} : memref<1x1xf32, #tpu.memory_space<vmem>>, vector<1x1xf32>,
    return
  }
}

</mosaic_0001>

<sc_bundles>
// kernel: kernel.12.cloned.1.call-start
scs
__scs_entry_jumppad:
0x0: {  	(pc) =	sbr.rel $0x88, $3  }
0x1: {  	(tag) =	ssettag $0x0;
	lr =	simm.s32 $0x1  }
0x2: {  	[smem:$0x3F95] =	sst lr;
	_ =	strace $0xD0000000  }
0x3: {  	_ = 	snop  }
0x4: {  	_ = 	snop  }
0x5: {  	_ = 	snop  }
0x6: {  	_ = 	snop  }
0x7: {  	_ = 	snop  }
__scs_overlays_trampoline_lowered:
0x8: {  	[smem:$0x3FA4] =	sst s0  }
0x9: {  	[smem:$0x3FA5] =	sst s1  }
0xa: {  	[smem:$0x3FA6] =	sst s2  }
0xb: {  	[smem:$0x3FA7] =	sst s3  }
0xc: {  	[smem:$0x3FA8] =	sst s4  }
0xd: {  	[smem:$0x3FA9] =	sst s5  }
0xe: {  	[smem:$0x3FAA] =	sst s6  }
0xf: {  	[smem:$0x3FAB] =	sst s7  }
0x10: {  	[smem:$0x3FAC] =	sst s8  }
0x11: {  	[smem:$0x3FAD] =	sst s9;
	s0 =	simm.s32 @!p0 $0x0  }
0x12: {  	s1 =	sld [smem:$0x3F93];
	s0 =	simm.s32 @p0 $0x1  }
0x13: {  	[smem:$0x3FAE] =	sst s0;
	s0 =	simm.s32 @!p1 $0x0  }
0x14: {  	s2 =	sld [smem:$0x3F92];
	s0 =	simm.s32 @p1 $0x1  }
0x15: {  	[smem:$0x3FAF] =	sst s0;
	s0 =	simm.s32 @!p2 $0x0  }
0x16: {  	s3 =	sld [smem:$0x3FDB];
	s0 =	simm.s32 @p2 $0x1  }
0x17: {  	s4 =	simm.s32 $0x1BF5;
	[smem:$0x3FB1] =	sst s0  }
0x18: {  	s0 =	sld [smem:$0x3F94];
	_ =	swait.ge [sflag:s4], $0x0  }
0x19: {  	s7 =	sld [smem:$0x3F95]  }
0x1a: {  	s8 =	sadd.s32 $0xFFFFE003, lr  }
0x1b: {  	s9 =	sadd.s32 $0xFFFFFEF7, lr;
	s5 =	simm.s32 $0xFFFFFFFF;
	p2 =	slt.u32 s8, $0xFFFFF086  }
0x1c: {  	p1 =	slt.u32 s9, $0xF7A;
	s5 =	simm.s32 @!p2 $0x0  }
0x1d: {  	s5 =	simm.s32 @p1 $0x1;
	p0 =	seq.s32 s7, s2  }
0x1e: {  	s7 =	smul.u32 @!p0 $0xF7A, s2;
	p2 =	seq.s32 @!p0 s5, $0x0  }
0x1f: {  	s9 =	smul.u32 $0xF7A, s1;
	s8 =	simm.s32 @!p0 $0x1BF5;
	p2 =	por !p2, p0  }
0x20: {  	[sflag:s8] =	ssyncset.s32 @!p0 $0xFFFFF086;
	s6 =	sadd.s32 @!p0 s3, s7;
	s7 =	simm.s32 @!p0 $0x108  }
0x21: {  	s3 =	sadd.s32 s3, s9;
	s6 =	sadd.s32 @!p0 $0x88, s6;
	s7 =	simm.s32 @p2 $0x1082  }
0x22: {  	[simem:s7], [sflag:s8] =	dma.local @!p0 [hbm:s6], $0xF7A  }
0x23: {  	s9 =	sor.u32 $0xD0000000, s2;
	s6 =	simm.s32 $0x108;
	_ =	swait.ge @!p0 [sflag:s8], $0x0  }
0x24: {  	s3 =	sadd.s32 $0x88, s3;
	s6 =	simm.s32 @!p1 $0x1082;
	[sflag:s4] =	ssyncset.s32 $0xFFFFF086  }
0x25: {  	[simem:s6], [sflag:s4] =	dma.local [hbm:s3], $0xF7A  }
0x26: {  	[smem:$0x3F95] =	sst s1;
	(tag) =	ssettag s2;
	_ =	strace s9  }
0x27: {  	s1 =	sld [smem:$0x3FA5]  }
0x28: {  	s2 =	sld [smem:$0x3FA6]  }
0x29: {  	s4 =	sld [smem:$0x3FA8]  }
0x2a: {  	p0 =	seq.s32 s5, $0x0;
	s5 =	sld [smem:$0x3FA9]  }
0x2b: {  	s6 =	sld [smem:$0x3FAA]  }
0x2c: {  	s7 =	sld [smem:$0x3FAB]  }
0x2d: {  	s3 =	simm.s32 $0x108;
	s8 =	sld [smem:$0x3FAC]  }
0x2e: {  	s3 =	simm.s32 @!p0 $0x1082;
	s9 =	sld [smem:$0x3FAD]  }
0x2f: {  	lr =	sadd.s32 s0, s3;
	s0 =	sld [smem:$0x3FA4]  }
0x30: {  	s3 =	sld [smem:$0x3FA7]  }
0x31: {  	[smem:$0x3FB0] =	sst s10  }
0x32: {  	s10 =	sld [smem:$0x3FAE];
	_ =	sdelay $0x3  }
0x33: {  	p0 =	seq.s32 s10, $0x1;
	s10 =	sld [smem:$0x3FB0];
	_ =	sdelay $0x3  }
0x34: {  	[smem:$0x3FB0] =	sst s10  }
0x35: {  	s10 =	sld [smem:$0x3FAF];
	_ =	sdelay $0x3  }
0x36: {  	p1 =	seq.s32 s10, $0x1;
	s10 =	sld [smem:$0x3FB0];
	_ =	sdelay $0x3  }
0x37: {  	[smem:$0x3FB0] =	sst s10  }
0x38: {  	s10 =	sld [smem:$0x3FB1]  }
0x39: {  	_ = 	snop;
	(pc) =	sbr.ind lr, $3  }
0x3a: {  	_ = 	snop  }
0x3b: {  	_ = 	snop  }
0x3c: {  	p2 =	seq.s32 s10, $0x1;
	s10 =	sld [smem:$0x3FB0]  }
0x3d: {  	_ =	shalt  }
0x3e: {  	_ =	shalt  }
0x3f: {  	_ =	shalt  }
0x40: {  	_ =	shalt  }
0x41: {  	_ =	shalt  }
0x42: {  	_ =	shalt  }
0x43: {  	_ =	shalt  }
0x44: {  	_ =	shalt  }
0x45: {  	_ =	shalt  }
0x46: {  	_ =	shalt  }
0x47: {  	_ =	shalt  }
0x48: {  	_ =	shalt  }
0x49: {  	_ =	shalt  }
0x4a: {  	_ =	shalt  }
0x4b: {  	_ =	shalt  }
0x4c: {  	_ =	shalt  }
0x4d: {  	_ =	shalt  }
0x4e: {  	_ =	shalt  }
0x4f: {  	_ =	shalt  }
0x50: {  	_ =	shalt  }
0x51: {  	_ =	shalt  }
0x52: {  	_ =	shalt  }
0x53: {  	_ =	shalt  }
0x54: {  	_ =	shalt  }
0x55: {  	_ =	shalt  }
0x56: {  	_ =	shalt  }
0x57: {  	_ =	shalt  }
0x58: {  	_ =	shalt  }
0x59: {  	_ =	shalt  }
0x5a: {  	_ =	shalt  }
0x5b: {  	_ =	shalt  }
0x5c: {  	_ =	shalt  }
0x5d: {  	_ =	shalt  }
0x5e: {  	_ =	shalt  }
0x5f: {  	_ =	shalt  }
0x60: {  	_ =	shalt  }
0x61: {  	_ =	shalt  }
0x62: {  	_ =	shalt  }
0x63: {  	_ =	shalt  }
0x64: {  	_ =	shalt  }
0x65: {  	_ =	shalt  }
0x66: {  	_ =	shalt  }
0x67: {  	_ =	shalt  }
0x68: {  	_ =	shalt  }
0x69: {  	_ =	shalt  }
0x6a: {  	_ =	shalt  }
0x6b: {  	_ =	shalt  }
0x6c: {  	_ =	shalt  }
0x6d: {  	_ =	shalt  }
0x6e: {  	_ =	shalt  }
0x6f: {  	_ =	shalt  }
0x70: {  	_ =	shalt  }
0x71: {  	_ =	shalt  }
0x72: {  	_ =	shalt  }
0x73: {  	_ =	shalt  }
0x74: {  	_ =	shalt  }
0x75: {  	_ =	shalt  }
0x76: {  	_ =	shalt  }
0x77: {  	_ =	shalt  }
0x78: {  	_ =	shalt  }
0x79: {  	_ =	shalt  }
0x7a: {  	_ =	shalt  }
0x7b: {  	_ =	shalt  }
0x7c: {  	_ =	shalt  }
0x7d: {  	_ =	shalt  }
0x7e: {  	_ =	shalt  }
0x7f: {  	_ =	shalt  }
0x80: {  	_ =	shalt  }
0x81: {  	_ =	shalt  }
0x82: {  	_ =	shalt  }
0x83: {  	_ =	shalt  }
0x84: {  	_ =	shalt  }
0x85: {  	_ =	shalt  }
0x86: {  	_ =	shalt  }
0x87: {  	_ =	shalt  }
.Lfunc_end0:
.L_simem_size_0:
called_computation.1_lowered:
.L_overlay_start_0:
0x88: {  	s2 =	sld [smem:$0x3FD9]  }
0x89: {  	s3 =	sld [smem:$0x3FFE];
	_ =	sdelay $0x1  }
0x8a: {  	s1 =	srdreg.scid  }
0x8b: {  	s0 =	sand.u32 $0x1, s1  }
0x8c: {  	s16 =	sshll.u32 s0, $0xA;
	s2 =	sadd.s32 s3, s2  }
0x8d: {  	s2 =	sadd.s32 s2, s16  }
0x8e: {  	[smem:$0x3FBC] =	sst s2  }
0x8f: {  	_ = 	snop  }
0x90: {  	(tm) =	ssettm $0x1  }
0x91: {  	s17 =	sld [smem:$0x3FFB];
	_ =	sdelay $0x3  }
0x92: {  	_ =	strace s17  }
0x93: {  	s2 =	sld [smem:$0x3FFC];
	_ =	sdelay $0x3  }
0x94: {  	_ =	strace s2  }
0x95: {  	s2 =	sld [smem:$0x3FFD];
	_ =	sdelay $0x3  }
0x96: {  	_ =	strace s2  }
0x97: {  	_ =	strace $0x8FFFFFFF  }
0x98: {  	s18 =	sld [smem:$0x3FDB];
	_ =	sdelay $0x1  }
0x99: {  	s19 =	simm.s32 $_scs_section_size  }
0x9a: {  	s4 =	simm.s32 $_size__tile_overlayer_lowered;
	s5 =	simm.s32 $_tile_overlayer_lowered  }
0x9b: {  	s22 =	simm.s32 $0x1BFF;
	s21 =	sshll.u32 s5, $0x1;
	s2 =	sadd.s32 s19, s18  }
0x9c: {  	s6 =	simm.s32 $0x0;
	s20 =	sshll.u32 s4, $0x1;
	s4 =	sadd.s32 s21, s2  }
0x9d: {  	[timem:s6], [sflag:s22] =	dma.local [hbm:s4], s20  }
0x9e: {  	_ =	swait.ge [sflag:s22], s20  }
0x9f: {  	s3 =	ssub.s32 $0x0, s20;
	[sflag:s22] =	ssyncset.done $0x0  }
0xa0: {  	[sflag:s22] =	ssyncadd.s32 s3;
	_ =	sdelay $0x1  }
0xa1: {  	s23 =	simm.s32 $0x1B8B  }
0xa2: {  	_ =	swait.ge [sflag:s23], $0x1  }
0xa3: {  	[sflag:s23] =	ssyncset.done $0x0  }
0xa4: {  	s25 =	simm.s32 $0x1B8E;
	s24 =	sld [smem:$0x3FFE];
	[sflag:s23] =	ssyncadd.s32 $0xFFFFFFFF  }
0xa5: {  	s26 =	simm.s32 $execute0_lowered;
	[smem:$0x3FD2] =	sst s25  }
0xa6: {  	s4 =	sshll.u32 s26, $0x1;
	_ =	strace $0x80000049;
	[dreg:$0x1] =	wrdreg $0xFFFFFFFF  }
0xa7: {  	s28 =	simm.s32 $_size_execute0_lowered;
	s2 =	sadd.s32 s2, s4;
	[dreg:$0x0] =	wrdreg $0x0  }
0xa8: {  	s4 =	sshll.u32 s28, $0x1;
	[dreg:$0x2] =	wrdreg s2  }
0xa9: {  	[dreg:$0x3] =	wrdreg s4  }
0xaa: {  	[dreg:$0x4] =	wrdreg $0xC0  }
0xab: {  	_ =	task [dreg:s6], $0x5FFFF  }
0xac: {  	[dreg:$0x1] =	wrdreg $0xFFFFFFFF  }
0xad: {  	[dreg:$0x0] =	wrdreg $0x60  }
0xae: {  	[dreg:$0x2] =	wrdreg s24  }
0xaf: {  	[dreg:$0x3] =	wrdreg $0xB1000  }
0xb0: {  	[dreg:$0x4] =	wrdreg $0x14F000  }
0xb1: {  	[dreg:$0x5] =	wrdreg $0x9  }
0xb2: {  	_ =	task.clear_ibuf [dreg:s6], $0x6FFFF;
	_ =	strace $0x90000049  }
0xb3: {  	s29 =	simm.s32 $0x9;
	_ =	strace $0x8000004B  }
0xb4: {  	_ =	swait.ge [sflag:s29], $0x1  }
0xb5: {  	[sflag:s29] =	ssyncadd.s32 $0xFFFFFFFF  }
0xb6: {  	_ =	strace $0x9000004B  }
0xb7: {  	_ =	sfence  }
0xb8: {  	s30 =	sld [smem:$0x0];
	_ =	sdelay $0x2  }
0xb9: {  	s31 =	sshll.u32 s1, $0xD;
	s1 =	sshrl.u32 s1, $0x2  }
0xba: {  	s3 =	sand.u32 $0x4000, s31;
	s1 =	sadd.s32 s1, s30  }
0xbb: {  	s0 =	sor.u32 s3, s0;
	s1 =	sshll.u32 s1, $0x11  }
0xbc: {  	s0 =	sor.u32 s1, s0  }
0xbd: {  	s0 =	sadd.s32 $0x8F2B, s0  }
0xbe: {  	[sflag:s0] =	ssyncadd.remote.s32 $0x1  }
0xbf: {  	_ =	sfence.sel $0xFFFF  }
0xc0: {  	[dreg:$0x0] =	wrdreg $0xFFFFFFFF;
	(pc) =	sbr.abs _section_cstart, $3  }
0xc1: {  	[dreg:$0x1] =	wrdreg $0xFFFFFFFF  }
0xc2: {  	_ =	task.clear_ibuf [dreg:s6], $0x2FFFF;
	_ =	strace $0x9FFFFFFF  }
0xc3: {  	(tm) =	ssettm $0x7FFFFFFF  }
tec
execute0_lowered:
.L_overlay_start_1:
0x0: {  	(tag) =	ssettag $0x1  }
0x1: {  	s0 =	rddreg [dreg:$0x0]  }
0x2: {  	s2 =	rddreg [dreg:$0x1]  }
0x3: {  	s1 =	srdreg.scid;
	s10 =	stileid.u32  }
0x4: {  	s3 =	rddreg [dreg:$0x2];
	s4 =	simm.s32 $0x0;
	s17 =	simm.s32 $0x4  }
0x5: {  	s18 =	simm.s32 $0x5100;
	s19 =	simm.s32 $0x7100;
	s20 =	simm.s32 $0x9100  }
0x6: {  	s22 =	simm.s32 $0x80;
	s23 =	simm.s32 $0x1;
	s25 =	simm.s32 $0x2  }
0x7: {  	s26 =	simm.s32 $0x3;
	s30 =	simm.s32 $0x5000;
	s31 =	simm.s32 $0x5080  }
0x8: {  	s1 =	sand.u32 $0x1, s1;
	s5 =	sshll.u32 s10, $0x1;
	s8 =	smul.u32 $0x9E00, s10  }
0x9: {  	[smem:$0x7FF] =	sst s4;
	s9 =	smul.u32 $0x27800, s10;
	s29 =	sshll.u32 s10, $0x6  }
0xa: {  	s5 =	sor.u32 s1, s5;
	_ =	strace $0x8000004A;
	s7 =	smul.u32 $0x13C00, s1  }
0xb: {  	s1 =	ssub.s32 $0x2, s1;
	s6 =	smul.u32 $0x510, s5;
	s5 =	sadd.s32 $0x16200, s0  }
0xc: {  	s28 =	sshrl.u32 s1, $0x1;
	s16 =	sadd.s32 s8, s2;
	s24 =	sshrl.u32 s8, $0x3  }
0xd: {  	s9 =	sshrl.u32 s9, $0x2;
	s8 =	sadd.s32 s8, s3;
	s1 =	ssub.s32 s1, s28  }
0xe: {  	s12 =	sadd.s32 s9, s3;
	s16 =	sshrl.u32 s16, $0x3;
	s14 =	sadd.s32 s6, s0  }
0xf: {  	s0 =	sadd.s32 s7, s0;
	s6 =	sadd.s32 s5, s24;
	s7 =	sor.u32 $0x1C04, s29  }
0x10: {  	s9 =	sadd.s32 $0x2000, s12;
	s10 =	sadd.s32 $0x4000, s12;
	s11 =	sadd.s32 $0x6000, s12  }
0x11: {  	s12 =	sadd.s32 $0x8000, s12;
	s15 =	smax.u32 s1, $0x1;
	s0 =	sadd.s32 $0x29E00, s0  }
0x12: {  	v0 =	vimm.f32 $0.0e+00;
	s13 =	sadd.s32 $0xC000, s14;
	s14 =	sadd.s32 $0x1E00, s14;
	s24 =	sadd.s32 s24, s0  }
.LBB2_1:
0x13: {  	[spmem:s16], [sflag:s7] =	dma.local [hbm:s6], $0x13C0  }
0x14: {  	_ =	swait.ge [sflag:s17], $0x13C0  }
0x15: {  	[sflag:s17] =	ssyncset.done $0x0  }
0x16: {  	s0 =	simm.s32 $0x100;
	s1 =	simm.s32 $0x0;
	[sflag:s17] =	ssyncadd.s32 $0xFFFFEC40  }
.LBB2_2:
0x17: {  	p0 =	sne.s32 s0, $0x17F00;
	[tilespmem:s1+$0x5130] =	vst v0;
	s21 =	smov.u32 s0;
	s0 =	sadd.s32 $0x100, s0  }
.Ltmp0:
0x18: {  	[tilespmem:s1+$0x5120] =	vst v0;
	(pc) =	sbr.rel @p0 .LBB2_2-.Ltmp0, $3  }
0x19: {  	[tilespmem:s1+$0x5100] =	vst v0  }
0x1a: {  	[tilespmem:s1+$0x5110] =	vst v0;
	_ =	sdelay $0x1  }
0x1b: {  	s1 =	sshra.s32 s21, $0x2  }
0x1c: {  	[tilespmem:s1+$0x5130] =	vst v0  }
0x1d: {  	[tilespmem:s1+$0x5120] =	vst v0  }
0x1e: {  	[tilespmem:s1+$0x5100] =	vst v0  }
0x1f: {  	[tilespmem:s1+$0x5110] =	vst v0  }
0x20: {  	[spmem:s8] =	stream.linear.scatter [tilespmem:s18], [sflag:$0x4], $0x2000, $0x38;
	[tilespmem:$0x1ED00] =	vst v63  }
0x21: {  	_ =	swait.ge [sflag:s17], $0x2000  }
0x22: {  	[sflag:s17] =	ssyncset.done $0x0  }
0x23: {  	[sflag:s17] =	ssyncadd.s32 $0xFFFFE000  }
0x24: {  	[spmem:s9] =	stream.linear.scatter [tilespmem:s19], [sflag:$0x4], $0x2000, $0x38;
	[tilespmem:$0x1ED00] =	vst v63  }
0x25: {  	_ =	swait.ge [sflag:s17], $0x2000  }
0x26: {  	[sflag:s17] =	ssyncset.done $0x0  }
0x27: {  	[sflag:s17] =	ssyncadd.s32 $0xFFFFE000  }
0x28: {  	[spmem:s10] =	stream.linear.scatter [tilespmem:s20], [sflag:$0x4], $0x2000, $0x38;
	[tilespmem:$0x1ED00] =	vst v63  }
0x29: {  	_ =	swait.ge [sflag:s17], $0x2000  }
0x2a: {  	[sflag:s17] =	ssyncset.done $0x0  }
0x2b: {  	[sflag:s17] =	ssyncadd.s32 $0xFFFFE000  }
0x2c: {  	[spmem:s11] =	stream.linear.scatter [tilespmem:s18], [sflag:$0x4], $0x2000, $0x38;
	[tilespmem:$0x1ED00] =	vst v63  }
0x2d: {  	_ =	swait.ge [sflag:s17], $0x2000  }
0x2e: {  	[sflag:s17] =	ssyncset.done $0x0  }
0x2f: {  	[sflag:s17] =	ssyncadd.s32 $0xFFFFE000  }
0x30: {  	[spmem:s12] =	stream.linear.scatter [tilespmem:s19], [sflag:$0x4], $0x1E00, $0x38;
	[tilespmem:$0x1ED00] =	vst v63  }
0x31: {  	_ =	swait.ge [sflag:s17], $0x1E00  }
0x32: {  	[sflag:s17] =	ssyncset.done $0x0  }
0x33: {  	s0 =	simm.s32 $0x0;
	[sflag:s17] =	ssyncadd.s32 $0xFFFFE200  }
0x34: {  	[tilespmem:s0], [sflag:$0x4] =	stream.linear.gather [hbm4b:s13+s0], $0x2880, $0x38;
	[tilespmem:$0x1ED00] =	vst v63  }
0x35: {  	_ =	swait.ge [sflag:s17], $0x2880  }
0x36: {  	[sflag:s17] =	ssyncset.done $0x0  }
0x37: {  	s21 =	simm.s32 $0x2880;
	[sflag:s17] =	ssyncadd.s32 $0xFFFFD780  }
0x38: {  	[tilespmem:s21], [sflag:$0x4] =	stream.linear.gather [hbm4b:s14+s0], $0x2880, $0x38;
	[tilespmem:$0x1ED00] =	vst v63  }
0x39: {  	_ =	swait.ge [sflag:s17], $0x2880  }
0x3a: {  	[sflag:s17] =	ssyncset.done $0x0  }
0x3b: {  	[sflag:s17] =	ssyncadd.s32 $0xFFFFD780  }
0x3c: {  	[bflag:$0x0] =	sbarrier.arrive $0xFFFF  }
0x3d: {  	[tilespmem:s18], [sflag:$0x1] =	stream.indirect.gather [hbm4b:s5+s22], $0x40, s0, s22, $0xb8;
	[tilespmem:$0x1ED00] =	vst v63  }
0x3e: {  	_ = 	snop  }
0x3f: {  	[tilespmem:s19], [sflag:$0x2] =	stream.indirect.gather [spmem:s2], $0x40, s22, s22, $0xb8;
	[tilespmem:$0x1ED00] =	vst v63  }
0x40: {  	s28 =	simm.s32 $0x100  }
0x41: {  	[tilespmem:s20], [sflag:$0x3] =	stream.indirect.gather [spmem:s2], $0x40, s28, s22, $0xb8;
	[tilespmem:$0x1ED00] =	vst v63  }
0x42: {  	_ =	swait.ge [sflag:s23], $0x2000  }
0x43: {  	[sflag:s23] =	ssyncset.done $0x0  }
0x44: {  	s29 =	simm.s32 $0x2880;
	[sflag:s23] =	ssyncadd.s32 $0xFFFFE000  }
0x45: {  	[spmem:s3] =	stream.indirect.scatter.add.f32 [tilespmem:s18], [sflag:$0x4], $0x40, s29, s22, $0xb8;
	[tilespmem:$0x1ED00] =	vst v63  }
0x46: {  	_ =	swait.ge [sflag:s17], $0x2000  }
0x47: {  	[sflag:s17] =	ssyncset.done $0x0  }
0x48: {  	s1 =	simm.s32 $0x180;
	[sflag:s17] =	ssyncadd.s32 $0xFFFFE000  }
0x49: {  	[tilespmem:s18], [sflag:$0x1] =	stream.indirect.gather [hbm4b:s5+s22], $0x40, s1, s22, $0xb8;
	[tilespmem:$0x1ED00] =	vst v63  }
0x4a: {  	_ =	swait.ge [sflag:s25], $0x2000  }
0x4b: {  	[sflag:s25] =	ssyncset.done $0x0  }
0x4c: {  	s21 =	simm.s32 $0x2900;
	[sflag:s25] =	ssyncadd.s32 $0xFFFFE000  }
0x4d: {  	[spmem:s3] =	stream.indirect.scatter.add.f32 [tilespmem:s19], [sflag:$0x4], $0x40, s21, s22, $0xb8;
	[tilespmem:$0x1ED00] =	vst v63  }
0x4e: {  	_ =	swait.ge [sflag:s17], $0x2000  }
0x4f: {  	[sflag:s17] =	ssyncset.done $0x0  }
0x50: {  	s28 =	simm.s32 $0x200;
	[sflag:s17] =	ssyncadd.s32 $0xFFFFE000  }
0x51: {  	[tilespmem:s19], [sflag:$0x2] =	stream.indirect.gather [spmem:s2], $0x40, s28, s22, $0xb8;
	[tilespmem:$0x1ED00] =	vst v63  }
0x52: {  	_ =	swait.ge [sflag:s26], $0x2000  }
0x53: {  	[sflag:s26] =	ssyncset.done $0x0  }
0x54: {  	s29 =	simm.s32 $0x2980;
	[sflag:s26] =	ssyncadd.s32 $0xFFFFE000  }
0x55: {  	[spmem:s3] =	stream.indirect.scatter.add.f32 [tilespmem:s20], [sflag:$0x4], $0x40, s29, s22, $0xb8;
	[tilespmem:$0x1ED00] =	vst v63  }
0x56: {  	_ =	swait.ge [sflag:s17], $0x2000  }
0x57: {  	s0 =	simm.s32 $0xC00;
	s1 =	simm.s32 $0x180;
	[sflag:s17] =	ssyncset.done $0x0  }
.LBB2_4:
0x58: {  	s21 =	sadd.s32 $0x100, s1  }
0x59: {  	[sflag:s17] =	ssyncadd.s32 $0xFFFFE000;
	s28 =	smov.u32 s0;
	s29 =	sadd.s32 $0x600, s0  }
0x5a: {  	[tilespmem:s20], [sflag:$0x3] =	stream.indirect.gather [spmem:s2], $0x40, s21, s22, $0xb8;
	[tilespmem:$0x1ED00] =	vst v63  }
0x5b: {  	p0 =	sne.s32 s0, $0x9600;
	_ =	swait.ge [sflag:s23], $0x2000  }
0x5c: {  	[sflag:s23] =	ssyncset.done $0x0  }
0x5d: {  	s0 =	sadd.s32 $0x2880, s1;
	[sflag:s23] =	ssyncadd.s32 $0xFFFFE000  }
0x5e: {  	[spmem:s3] =	stream.indirect.scatter.add.f32 [tilespmem:s18], [sflag:$0x4], $0x40, s0, s22, $0xb8;
	[tilespmem:$0x1ED00] =	vst v63  }
0x5f: {  	_ =	swait.ge [sflag:s17], $0x2000  }
0x60: {  	[sflag:s17] =	ssyncset.done $0x0  }
0x61: {  	s0 =	sadd.s32 $0x180, s1;
	[sflag:s17] =	ssyncadd.s32 $0xFFFFE000  }
0x62: {  	[tilespmem:s18], [sflag:$0x1] =	stream.indirect.gather [hbm4b:s5+s22], $0x40, s0, s22, $0xb8;
	[tilespmem:$0x1ED00] =	vst v63  }
0x63: {  	_ =	swait.ge [sflag:s25], $0x2000  }
0x64: {  	[sflag:s25] =	ssyncset.done $0x0  }
0x65: {  	s0 =	sadd.s32 $0x2900, s1;
	[sflag:s25] =	ssyncadd.s32 $0xFFFFE000  }
0x66: {  	[spmem:s3] =	stream.indirect.scatter.add.f32 [tilespmem:s19], [sflag:$0x4], $0x40, s0, s22, $0xb8;
	[tilespmem:$0x1ED00] =	vst v63  }
0x67: {  	_ =	swait.ge [sflag:s17], $0x2000  }
0x68: {  	[sflag:s17] =	ssyncset.done $0x0  }
0x69: {  	s0 =	sadd.s32 $0x200, s1;
	[sflag:s17] =	ssyncadd.s32 $0xFFFFE000  }
0x6a: {  	[tilespmem:s19], [sflag:$0x2] =	stream.indirect.gather [spmem:s2], $0x40, s0, s22, $0xb8;
	[tilespmem:$0x1ED00] =	vst v63  }
0x6b: {  	_ =	swait.ge [sflag:s26], $0x2000  }
.Ltmp1:
0x6c: {  	[sflag:s26] =	ssyncset.done $0x0;
	(pc) =	sbr.rel @p0 .LBB2_4-.Ltmp1, $4  }
0x6d: {  	s0 =	sadd.s32 $0x2980, s1;
	[sflag:s26] =	ssyncadd.s32 $0xFFFFE000  }
0x6e: {  	[spmem:s3] =	stream.indirect.scatter.add.f32 [tilespmem:s20], [sflag:$0x4], $0x40, s0, s22, $0xb8;
	[tilespmem:$0x1ED00] =	vst v63  }
0x6f: {  	_ =	swait.ge [sflag:s17], $0x2000  }
0x70: {  	s1 =	sshra.s32 s28, $0x2;
	s0 =	smov.u32 s29;
	[sflag:s17] =	ssyncset.done $0x0  }
0x71: {  	s0 =	sadd.s32 $0x100, s1;
	[sflag:s17] =	ssyncadd.s32 $0xFFFFE000  }
0x72: {  	[tilespmem:s20], [sflag:$0x3] =	stream.indirect.gather [spmem:s2], $0x40, s0, s22, $0xb8;
	[tilespmem:$0x1ED00] =	vst v63  }
0x73: {  	_ =	swait.ge [sflag:s23], $0x2000  }
0x74: {  	[sflag:s23] =	ssyncset.done $0x0  }
0x75: {  	s29 =	sadd.s32 $0x2880, s1;
	[sflag:s23] =	ssyncadd.s32 $0xFFFFE000  }
0x76: {  	[spmem:s3] =	stream.indirect.scatter.add.f32 [tilespmem:s18], [sflag:$0x4], $0x40, s29, s22, $0xb8;
	[tilespmem:$0x1ED00] =	vst v63  }
0x77: {  	_ =	swait.ge [sflag:s17], $0x2000  }
0x78: {  	[sflag:s17] =	ssyncset.done $0x0  }
0x79: {  	s21 =	sadd.s32 $0x180, s1;
	[sflag:s17] =	ssyncadd.s32 $0xFFFFE000  }
0x7a: {  	[tilespmem:s18], [sflag:$0x1] =	stream.indirect.gather [hbm4b:s5+s22], $0x40, s21, s22, $0xb8;
	[tilespmem:$0x1ED00] =	vst v63  }
0x7b: {  	_ =	swait.ge [sflag:s25], $0x2000  }
0x7c: {  	[sflag:s25] =	ssyncset.done $0x0  }
0x7d: {  	s28 =	sadd.s32 $0x2900, s1;
	[sflag:s25] =	ssyncadd.s32 $0xFFFFE000  }
0x7e: {  	[spmem:s3] =	stream.indirect.scatter.add.f32 [tilespmem:s19], [sflag:$0x4], $0x40, s28, s22, $0xb8;
	[tilespmem:$0x1ED00] =	vst v63  }
0x7f: {  	_ =	swait.ge [sflag:s17], $0x2000  }
0x80: {  	[sflag:s17] =	ssyncset.done $0x0  }
0x81: {  	s29 =	sadd.s32 $0x200, s1;
	[sflag:s17] =	ssyncadd.s32 $0xFFFFE000  }
0x82: {  	[tilespmem:s19], [sflag:$0x2] =	stream.indirect.gather [spmem:s2], $0x40, s29, s22, $0xb8;
	[tilespmem:$0x1ED00] =	vst v63  }
0x83: {  	_ =	swait.ge [sflag:s26], $0x2000  }
0x84: {  	[sflag:s26] =	ssyncset.done $0x0  }
0x85: {  	s1 =	sadd.s32 $0x2980, s1;
	[sflag:s26] =	ssyncadd.s32 $0xFFFFE000  }
0x86: {  	[spmem:s3] =	stream.indirect.scatter.add.f32 [tilespmem:s20], [sflag:$0x4], $0x40, s1, s22, $0xb8;
	[tilespmem:$0x1ED00] =	vst v63  }
0x87: {  	_ =	swait.ge [sflag:s17], $0x2000  }
0x88: {  	[sflag:s17] =	ssyncset.done $0x0  }
0x89: {  	s21 =	simm.s32 $0x2800;
	[sflag:s17] =	ssyncadd.s32 $0xFFFFE000  }
0x8a: {  	[tilespmem:s20], [sflag:$0x3] =	stream.indirect.gather [spmem:s2], $0x40, s21, s22, $0xb8;
	[tilespmem:$0x1ED00] =	vst v63  }
0x8b: {  	_ =	swait.ge [sflag:s23], $0x2000  }
0x8c: {  	[sflag:s23] =	ssyncset.done $0x0  }
0x8d: {  	s28 =	simm.s32 $0x4F80;
	[sflag:s23] =	ssyncadd.s32 $0xFFFFE000  }
0x8e: {  	[spmem:s3] =	stream.indirect.scatter.add.f32 [tilespmem:s18], [sflag:$0x4], $0x40, s28, s22, $0xb8;
	[tilespmem:$0x1ED00] =	vst v63  }
0x8f: {  	_ =	swait.ge [sflag:s17], $0x2000  }
0x90: {  	[sflag:s17] =	ssyncset.done $0x0  }
0x91: {  	[sflag:s17] =	ssyncadd.s32 $0xFFFFE000  }
0x92: {  	_ =	swait.ge [sflag:s25], $0x2000  }
0x93: {  	[sflag:s25] =	ssyncset.done $0x0  }
0x94: {  	[sflag:s25] =	ssyncadd.s32 $0xFFFFE000  }
0x95: {  	[spmem:s3] =	stream.indirect.scatter.add.f32 [tilespmem:s19], [sflag:$0x4], $0x40, s30, s22, $0xb8;
	[tilespmem:$0x1ED00] =	vst v63  }
0x96: {  	_ =	swait.ge [sflag:s17], $0x2000  }
0x97: {  	[sflag:s17] =	ssyncset.done $0x0  }
0x98: {  	[sflag:s17] =	ssyncadd.s32 $0xFFFFE000  }
0x99: {  	_ =	swait.ge [sflag:s26], $0x2000  }
0x9a: {  	[sflag:s26] =	ssyncset.done $0x0  }
0x9b: {  	[sflag:s26] =	ssyncadd.s32 $0xFFFFE000  }
0x9c: {  	[spmem:s3] =	stream.indirect.scatter.add.f32 [tilespmem:s20], [sflag:$0x4], $0x40, s31, s22, $0xb8;
	[tilespmem:$0x1ED00] =	vst v63  }
0x9d: {  	_ =	swait.ge [sflag:s17], $0x2000  }
0x9e: {  	s4 =	sadd.s32 $0x1, s4;
	[sflag:s17] =	ssyncset.done $0x0  }
0x9f: {  	p0 =	sne.s32 s4, s15;
	[sflag:s17] =	ssyncadd.s32 $0xFFFFE000  }
.Ltmp2:
0xa0: {  	s29 =	sshrl.u32 s8, $0x3;
	[bflag:$0x0] =	sbarrier.arrive $0xFFFF;
	(pc) =	sbr.rel @p0 .LBB2_1-.Ltmp2, $4  }
0xa1: {  	[hbm:s24], [sflag:s7] =	dma.local [spmem:s29], $0x13C0  }
0xa2: {  	_ =	swait.ge [sflag:s17], $0x13C0  }
0xa3: {  	[sflag:s17] =	ssyncset.done $0x0  }
0xa4: {  	[sflag:s17] =	ssyncadd.s32 $0xFFFFEC40  }
0xa5: {  	_ =	sfence.sel $0x180000  }
0xa6: {  	[bflag:$0x0] =	sbarrier.arrive $0xFFFF  }
0xa7: {  	_ =	strace $0x9000004A  }
0xa8: {  	s0 =	stileid.u32;
	[bflag:$0x2] =	sbarrier.arrive $0xFFFF  }
0xa9: {  	p0 =	sne.s32 s0, $0x0;
	s0 =	rddreg [dreg:$0x3]  }
0xaa: {  	s0 =	sadd.s32 @!p0 $0x100000, s0  }
0xab: {  	[sflag:s0] =	ssyncadd.tile.s32 @!p0 $0x1;
	_ =	shalt  }
.Lfunc_end2:
_tile_overlayer_lowered:
.L_overlay_start_2:
0xac: {  	(tag) =	ssettag $0x2  }
0xad: {  	s0 =	rddreg [dreg:$0x0];
	s2 =	stileid.u32  }
0xae: {  	s1 =	rddreg [dreg:$0x1];
	p0 =	sne.s32 s2, $0x0  }
0xaf: {  	s3 =	rddreg [dreg:$0x2];
	[bflag:$0x3] =	sbarrier.arrive $0xFFFF;
	s2 =	simm.s32 @!p0 $0x1C04  }
0xb0: {  	[timem:s3], [sflag:s2] =	dma.local @!p0 [hbm:s0], s1  }
0xb1: {  	s0 =	simm.s32 @!p0 $0x4  }
0xb2: {  	_ =	swait.ge @!p0 [sflag:s0], s1  }
0xb3: {  	s1 =	ssub.s32 @!p0 $0x0, s1;
	[sflag:s0] =	ssyncset.done @!p0 $0x0  }
0xb4: {  	[sflag:s0] =	ssyncadd.s32 @!p0 s1  }
0xb5: {  	[bflag:$0x3] =	sbarrier.arrive $0xFFFF  }
0xb6: {  	_ =	shalt  }

// kernel: kernel.15.cloned.1.call-start
scs
__scs_entry_jumppad:
0x0: {  	(pc) =	sbr.rel $0x88, $3  }
0x1: {  	(tag) =	ssettag $0x0;
	lr =	simm.s32 $0x1  }
0x2: {  	[smem:$0x3F95] =	sst lr;
	_ =	strace $0xD0000000  }
0x3: {  	_ = 	snop  }
0x4: {  	_ = 	snop  }
0x5: {  	_ = 	snop  }
0x6: {  	_ = 	snop  }
0x7: {  	_ = 	snop  }
__scs_overlays_trampoline_lowered:
0x8: {  	[smem:$0x3FA4] =	sst s0  }
0x9: {  	[smem:$0x3FA5] =	sst s1  }
0xa: {  	[smem:$0x3FA6] =	sst s2  }
0xb: {  	[smem:$0x3FA7] =	sst s3  }
0xc: {  	[smem:$0x3FA8] =	sst s4  }
0xd: {  	[smem:$0x3FA9] =	sst s5  }
0xe: {  	[smem:$0x3FAA] =	sst s6  }
0xf: {  	[smem:$0x3FAB] =	sst s7  }
0x10: {  	[smem:$0x3FAC] =	sst s8  }
0x11: {  	[smem:$0x3FAD] =	sst s9;
	s0 =	simm.s32 @!p0 $0x0  }
0x12: {  	s1 =	sld [smem:$0x3F93];
	s0 =	simm.s32 @p0 $0x1  }
0x13: {  	[smem:$0x3FAE] =	sst s0;
	s0 =	simm.s32 @!p1 $0x0  }
0x14: {  	s2 =	sld [smem:$0x3F92];
	s0 =	simm.s32 @p1 $0x1  }
0x15: {  	[smem:$0x3FAF] =	sst s0;
	s0 =	simm.s32 @!p2 $0x0  }
0x16: {  	s3 =	sld [smem:$0x3FDB];
	s0 =	simm.s32 @p2 $0x1  }
0x17: {  	s4 =	simm.s32 $0x1BF5;
	[smem:$0x3FB1] =	sst s0  }
0x18: {  	s0 =	sld [smem:$0x3F94];
	_ =	swait.ge [sflag:s4], $0x0  }
0x19: {  	s7 =	sld [smem:$0x3F95]  }
0x1a: {  	s8 =	sadd.s32 $0xFFFFE003, lr  }
0x1b: {  	s9 =	sadd.s32 $0xFFFFFEF7, lr;
	s5 =	simm.s32 $0xFFFFFFFF;
	p2 =	slt.u32 s8, $0xFFFFF086  }
0x1c: {  	p1 =	slt.u32 s9, $0xF7A;
	s5 =	simm.s32 @!p2 $0x0  }
0x1d: {  	s5 =	simm.s32 @p1 $0x1;
	p0 =	seq.s32 s7, s2  }
0x1e: {  	s7 =	smul.u32 @!p0 $0xF7A, s2;
	p2 =	seq.s32 @!p0 s5, $0x0  }
0x1f: {  	s9 =	smul.u32 $0xF7A, s1;
	s8 =	simm.s32 @!p0 $0x1BF5;
	p2 =	por !p2, p0  }
0x20: {  	[sflag:s8] =	ssyncset.s32 @!p0 $0xFFFFF086;
	s6 =	sadd.s32 @!p0 s3, s7;
	s7 =	simm.s32 @!p0 $0x108  }
0x21: {  	s3 =	sadd.s32 s3, s9;
	s6 =	sadd.s32 @!p0 $0x88, s6;
	s7 =	simm.s32 @p2 $0x1082  }
0x22: {  	[simem:s7], [sflag:s8] =	dma.local @!p0 [hbm:s6], $0xF7A  }
0x23: {  	s9 =	sor.u32 $0xD0000000, s2;
	s6 =	simm.s32 $0x108;
	_ =	swait.ge @!p0 [sflag:s8], $0x0  }
0x24: {  	s3 =	sadd.s32 $0x88, s3;
	s6 =	simm.s32 @!p1 $0x1082;
	[sflag:s4] =	ssyncset.s32 $0xFFFFF086  }
0x25: {  	[simem:s6], [sflag:s4] =	dma.local [hbm:s3], $0xF7A  }
0x26: {  	[smem:$0x3F95] =	sst s1;
	(tag) =	ssettag s2;
	_ =	strace s9  }
0x27: {  	s1 =	sld [smem:$0x3FA5]  }
0x28: {  	s2 =	sld [smem:$0x3FA6]  }
0x29: {  	s4 =	sld [smem:$0x3FA8]  }
0x2a: {  	p0 =	seq.s32 s5, $0x0;
	s5 =	sld [smem:$0x3FA9]  }
0x2b: {  	s6 =	sld [smem:$0x3FAA]  }
0x2c: {  	s7 =	sld [smem:$0x3FAB]  }
0x2d: {  	s3 =	simm.s32 $0x108;
	s8 =	sld [smem:$0x3FAC]  }
0x2e: {  	s3 =	simm.s32 @!p0 $0x1082;
	s9 =	sld [smem:$0x3FAD]  }
0x2f: {  	lr =	sadd.s32 s0, s3;
	s0 =	sld [smem:$0x3FA4]  }
0x30: {  	s3 =	sld [smem:$0x3FA7]  }
0x31: {  	[smem:$0x3FB0] =	sst s10  }
0x32: {  	s10 =	sld [smem:$0x3FAE];
	_ =	sdelay $0x3  }
0x33: {  	p0 =	seq.s32 s10, $0x1;
	s10 =	sld [smem:$0x3FB0];
	_ =	sdelay $0x3  }
0x34: {  	[smem:$0x3FB0] =	sst s10  }
0x35: {  	s10 =	sld [smem:$0x3FAF];
	_ =	sdelay $0x3  }
0x36: {  	p1 =	seq.s32 s10, $0x1;
	s10 =	sld [smem:$0x3FB0];
	_ =	sdelay $0x3  }
0x37: {  	[smem:$0x3FB0] =	sst s10  }
0x38: {  	s10 =	sld [smem:$0x3FB1]  }
0x39: {  	_ = 	snop;
	(pc) =	sbr.ind lr, $3  }
0x3a: {  	_ = 	snop  }
0x3b: {  	_ = 	snop  }
0x3c: {  	p2 =	seq.s32 s10, $0x1;
	s10 =	sld [smem:$0x3FB0]  }
0x3d: {  	_ =	shalt  }
0x3e: {  	_ =	shalt  }
0x3f: {  	_ =	shalt  }
0x40: {  	_ =	shalt  }
0x41: {  	_ =	shalt  }
0x42: {  	_ =	shalt  }
0x43: {  	_ =	shalt  }
0x44: {  	_ =	shalt  }
0x45: {  	_ =	shalt  }
0x46: {  	_ =	shalt  }
0x47: {  	_ =	shalt  }
0x48: {  	_ =	shalt  }
0x49: {  	_ =	shalt  }
0x4a: {  	_ =	shalt  }
0x4b: {  	_ =	shalt  }
0x4c: {  	_ =	shalt  }
0x4d: {  	_ =	shalt  }
0x4e: {  	_ =	shalt  }
0x4f: {  	_ =	shalt  }
0x50: {  	_ =	shalt  }
0x51: {  	_ =	shalt  }
0x52: {  	_ =	shalt  }
0x53: {  	_ =	shalt  }
0x54: {  	_ =	shalt  }
0x55: {  	_ =	shalt  }
0x56: {  	_ =	shalt  }
0x57: {  	_ =	shalt  }
0x58: {  	_ =	shalt  }
0x59: {  	_ =	shalt  }
0x5a: {  	_ =	shalt  }
0x5b: {  	_ =	shalt  }
0x5c: {  	_ =	shalt  }
0x5d: {  	_ =	shalt  }
0x5e: {  	_ =	shalt  }
0x5f: {  	_ =	shalt  }
0x60: {  	_ =	shalt  }
0x61: {  	_ =	shalt  }
0x62: {  	_ =	shalt  }
0x63: {  	_ =	shalt  }
0x64: {  	_ =	shalt  }
0x65: {  	_ =	shalt  }
0x66: {  	_ =	shalt  }
0x67: {  	_ =	shalt  }
0x68: {  	_ =	shalt  }
0x69: {  	_ =	shalt  }
0x6a: {  	_ =	shalt  }
0x6b: {  	_ =	shalt  }
0x6c: {  	_ =	shalt  }
0x6d: {  	_ =	shalt  }
0x6e: {  	_ =	shalt  }
0x6f: {  	_ =	shalt  }
0x70: {  	_ =	shalt  }
0x71: {  	_ =	shalt  }
0x72: {  	_ =	shalt  }
0x73: {  	_ =	shalt  }
0x74: {  	_ =	shalt  }
0x75: {  	_ =	shalt  }
0x76: {  	_ =	shalt  }
0x77: {  	_ =	shalt  }
0x78: {  	_ =	shalt  }
0x79: {  	_ =	shalt  }
0x7a: {  	_ =	shalt  }
0x7b: {  	_ =	shalt  }
0x7c: {  	_ =	shalt  }
0x7d: {  	_ =	shalt  }
0x7e: {  	_ =	shalt  }
0x7f: {  	_ =	shalt  }
0x80: {  	_ =	shalt  }
0x81: {  	_ =	shalt  }
0x82: {  	_ =	shalt  }
0x83: {  	_ =	shalt  }
0x84: {  	_ =	shalt  }
0x85: {  	_ =	shalt  }
0x86: {  	_ =	shalt  }
0x87: {  	_ =	shalt  }
.Lfunc_end0:
.L_simem_size_0:
called_computation.2_lowered:
.L_overlay_start_0:
0x88: {  	s2 =	sld [smem:$0x3FD9]  }
0x89: {  	s3 =	sld [smem:$0x3FFE];
	_ =	sdelay $0x1  }
0x8a: {  	s1 =	srdreg.scid  }
0x8b: {  	s0 =	sand.u32 $0x1, s1  }
0x8c: {  	s16 =	sshll.u32 s0, $0xA;
	s2 =	sadd.s32 s3, s2  }
0x8d: {  	s2 =	sadd.s32 s2, s16  }
0x8e: {  	[smem:$0x3FBC] =	sst s2  }
0x8f: {  	_ = 	snop  }
0x90: {  	(tm) =	ssettm $0x1  }
0x91: {  	s17 =	sld [smem:$0x3FFB];
	_ =	sdelay $0x3  }
0x92: {  	_ =	strace s17  }
0x93: {  	s2 =	sld [smem:$0x3FFC];
	_ =	sdelay $0x3  }
0x94: {  	_ =	strace s2  }
0x95: {  	s2 =	sld [smem:$0x3FFD];
	_ =	sdelay $0x3  }
0x96: {  	_ =	strace s2  }
0x97: {  	_ =	strace $0x8FFFFFFF  }
0x98: {  	s18 =	sld [smem:$0x3FDB];
	_ =	sdelay $0x1  }
0x99: {  	s19 =	simm.s32 $_scs_section_size  }
0x9a: {  	s4 =	simm.s32 $_size__tile_overlayer_lowered;
	s5 =	simm.s32 $_tile_overlayer_lowered  }
0x9b: {  	s22 =	simm.s32 $0x1BFF;
	s21 =	sshll.u32 s5, $0x1;
	s2 =	sadd.s32 s19, s18  }
0x9c: {  	s6 =	simm.s32 $0x0;
	s20 =	sshll.u32 s4, $0x1;
	s4 =	sadd.s32 s21, s2  }
0x9d: {  	[timem:s6], [sflag:s22] =	dma.local [hbm:s4], s20  }
0x9e: {  	_ =	swait.ge [sflag:s22], s20  }
0x9f: {  	s3 =	ssub.s32 $0x0, s20;
	[sflag:s22] =	ssyncset.done $0x0  }
0xa0: {  	[sflag:s22] =	ssyncadd.s32 s3;
	_ =	sdelay $0x1  }
0xa1: {  	s23 =	simm.s32 $0x1B8B  }
0xa2: {  	_ =	swait.ge [sflag:s23], $0x1  }
0xa3: {  	[sflag:s23] =	ssyncset.done $0x0  }
0xa4: {  	s25 =	simm.s32 $0x1B8E;
	s24 =	sld [smem:$0x3FFE];
	[sflag:s23] =	ssyncadd.s32 $0xFFFFFFFF  }
0xa5: {  	s26 =	simm.s32 $execute0_lowered;
	[smem:$0x3FD2] =	sst s25  }
0xa6: {  	s4 =	sshll.u32 s26, $0x1;
	_ =	strace $0x8000004C;
	[dreg:$0x1] =	wrdreg $0xFFFFFFFF  }
0xa7: {  	s28 =	simm.s32 $_size_execute0_lowered;
	s2 =	sadd.s32 s2, s4;
	[dreg:$0x0] =	wrdreg $0x0  }
0xa8: {  	s4 =	sshll.u32 s28, $0x1;
	[dreg:$0x2] =	wrdreg s2  }
0xa9: {  	[dreg:$0x3] =	wrdreg s4  }
0xaa: {  	[dreg:$0x4] =	wrdreg $0xC0  }
0xab: {  	_ =	task [dreg:s6], $0x5FFFF  }
0xac: {  	[dreg:$0x1] =	wrdreg $0xFFFFFFFF  }
0xad: {  	[dreg:$0x0] =	wrdreg $0x60  }
0xae: {  	[dreg:$0x2] =	wrdreg s24  }
0xaf: {  	[dreg:$0x3] =	wrdreg $0xB1000  }
0xb0: {  	[dreg:$0x4] =	wrdreg $0x14F000  }
0xb1: {  	[dreg:$0x5] =	wrdreg $0x9  }
0xb2: {  	_ =	task.clear_ibuf [dreg:s6], $0x6FFFF;
	_ =	strace $0x9000004C  }
0xb3: {  	s29 =	simm.s32 $0x9;
	_ =	strace $0x8000004E  }
0xb4: {  	_ =	swait.ge [sflag:s29], $0x1  }
0xb5: {  	[sflag:s29] =	ssyncadd.s32 $0xFFFFFFFF  }
0xb6: {  	_ =	strace $0x9000004E  }
0xb7: {  	_ =	sfence  }
0xb8: {  	s30 =	sld [smem:$0x0];
	_ =	sdelay $0x2  }
0xb9: {  	s31 =	sshll.u32 s1, $0xD;
	s1 =	sshrl.u32 s1, $0x2  }
0xba: {  	s3 =	sand.u32 $0x4000, s31;
	s1 =	sadd.s32 s1, s30  }
0xbb: {  	s0 =	sor.u32 s3, s0;
	s1 =	sshll.u32 s1, $0x11  }
0xbc: {  	s0 =	sor.u32 s1, s0  }
0xbd: {  	s0 =	sadd.s32 $0x8F2B, s0  }
0xbe: {  	[sflag:s0] =	ssyncadd.remote.s32 $0x1  }
0xbf: {  	_ =	sfence.sel $0xFFFF  }
0xc0: {  	[dreg:$0x0] =	wrdreg $0xFFFFFFFF;
	(pc) =	sbr.abs _section_cstart, $3  }
0xc1: {  	[dreg:$0x1] =	wrdreg $0xFFFFFFFF  }
0xc2: {  	_ =	task.clear_ibuf [dreg:s6], $0x2FFFF;
	_ =	strace $0x9FFFFFFF  }
0xc3: {  	(tm) =	ssettm $0x7FFFFFFF  }
tec
execute0_lowered:
.L_overlay_start_1:
0x0: {  	(tag) =	ssettag $0x1  }
0x1: {  	s0 =	rddreg [dreg:$0x0]  }
0x2: {  	s2 =	rddreg [dreg:$0x1]  }
0x3: {  	s1 =	srdreg.scid;
	s10 =	stileid.u32  }
0x4: {  	s3 =	rddreg [dreg:$0x2];
	s4 =	simm.s32 $0x0;
	s17 =	simm.s32 $0x4  }
0x5: {  	s18 =	simm.s32 $0x5100;
	s19 =	simm.s32 $0x7100;
	s20 =	simm.s32 $0x9100  }
0x6: {  	s22 =	simm.s32 $0x80;
	s23 =	simm.s32 $0x1;
	s25 =	simm.s32 $0x2  }
0x7: {  	s26 =	simm.s32 $0x3;
	s30 =	simm.s32 $0x5000;
	s31 =	simm.s32 $0x5080  }
0x8: {  	s1 =	sand.u32 $0x1, s1;
	s5 =	sshll.u32 s10, $0x1;
	s8 =	smul.u32 $0x9E00, s10  }
0x9: {  	[smem:$0x7FF] =	sst s4;
	s9 =	smul.u32 $0x27800, s10;
	s29 =	sshll.u32 s10, $0x6  }
0xa: {  	s5 =	sor.u32 s1, s5;
	_ =	strace $0x8000004D;
	s7 =	smul.u32 $0x13C00, s1  }
0xb: {  	s1 =	ssub.s32 $0x2, s1;
	s6 =	smul.u32 $0x510, s5;
	s5 =	sadd.s32 $0x16200, s0  }
0xc: {  	s28 =	sshrl.u32 s1, $0x1;
	s16 =	sadd.s32 s8, s2;
	s24 =	sshrl.u32 s8, $0x3  }
0xd: {  	s9 =	sshrl.u32 s9, $0x2;
	s8 =	sadd.s32 s8, s3;
	s1 =	ssub.s32 s1, s28  }
0xe: {  	s12 =	sadd.s32 s9, s3;
	s16 =	sshrl.u32 s16, $0x3;
	s14 =	sadd.s32 s6, s0  }
0xf: {  	s0 =	sadd.s32 s7, s0;
	s6 =	sadd.s32 s5, s24;
	s7 =	sor.u32 $0x1C04, s29  }
0x10: {  	s9 =	sadd.s32 $0x2000, s12;
	s10 =	sadd.s32 $0x4000, s12;
	s11 =	sadd.s32 $0x6000, s12  }
0x11: {  	s12 =	sadd.s32 $0x8000, s12;
	s15 =	smax.u32 s1, $0x1;
	s0 =	sadd.s32 $0x29E00, s0  }
0x12: {  	v0 =	vimm.f32 $0.0e+00;
	s13 =	sadd.s32 $0xC000, s14;
	s14 =	sadd.s32 $0x1E00, s14;
	s24 =	sadd.s32 s24, s0  }
.LBB2_1:
0x13: {  	[spmem:s16], [sflag:s7] =	dma.local [hbm:s6], $0x13C0  }
0x14: {  	_ =	swait.ge [sflag:s17], $0x13C0  }
0x15: {  	[sflag:s17] =	ssyncset.done $0x0  }
0x16: {  	s0 =	simm.s32 $0x100;
	s1 =	simm.s32 $0x0;
	[sflag:s17] =	ssyncadd.s32 $0xFFFFEC40  }
.LBB2_2:
0x17: {  	p0 =	sne.s32 s0, $0x17F00;
	[tilespmem:s1+$0x5130] =	vst v0;
	s21 =	smov.u32 s0;
	s0 =	sadd.s32 $0x100, s0  }
.Ltmp0:
0x18: {  	[tilespmem:s1+$0x5120] =	vst v0;
	(pc) =	sbr.rel @p0 .LBB2_2-.Ltmp0, $3  }
0x19: {  	[tilespmem:s1+$0x5100] =	vst v0  }
0x1a: {  	[tilespmem:s1+$0x5110] =	vst v0;
	_ =	sdelay $0x1  }
0x1b: {  	s1 =	sshra.s32 s21, $0x2  }
0x1c: {  	[tilespmem:s1+$0x5130] =	vst v0  }
0x1d: {  	[tilespmem:s1+$0x5120] =	vst v0  }
0x1e: {  	[tilespmem:s1+$0x5100] =	vst v0  }
0x1f: {  	[tilespmem:s1+$0x5110] =	vst v0  }
0x20: {  	[spmem:s8] =	stream.linear.scatter [tilespmem:s18], [sflag:$0x4], $0x2000, $0x38;
	[tilespmem:$0x1ED00] =	vst v63  }
0x21: {  	_ =	swait.ge [sflag:s17], $0x2000  }
0x22: {  	[sflag:s17] =	ssyncset.done $0x0  }
0x23: {  	[sflag:s17] =	ssyncadd.s32 $0xFFFFE000  }
0x24: {  	[spmem:s9] =	stream.linear.scatter [tilespmem:s19], [sflag:$0x4], $0x2000, $0x38;
	[tilespmem:$0x1ED00] =	vst v63  }
0x25: {  	_ =	swait.ge [sflag:s17], $0x2000  }
0x26: {  	[sflag:s17] =	ssyncset.done $0x0  }
0x27: {  	[sflag:s17] =	ssyncadd.s32 $0xFFFFE000  }
0x28: {  	[spmem:s10] =	stream.linear.scatter [tilespmem:s20], [sflag:$0x4], $0x2000, $0x38;
	[tilespmem:$0x1ED00] =	vst v63  }
0x29: {  	_ =	swait.ge [sflag:s17], $0x2000  }
0x2a: {  	[sflag:s17] =	ssyncset.done $0x0  }
0x2b: {  	[sflag:s17] =	ssyncadd.s32 $0xFFFFE000  }
0x2c: {  	[spmem:s11] =	stream.linear.scatter [tilespmem:s18], [sflag:$0x4], $0x2000, $0x38;
	[tilespmem:$0x1ED00] =	vst v63  }
0x2d: {  	_ =	swait.ge [sflag:s17], $0x2000  }
0x2e: {  	[sflag:s17] =	ssyncset.done $0x0  }
0x2f: {  	[sflag:s17] =	ssyncadd.s32 $0xFFFFE000  }
0x30: {  	[spmem:s12] =	stream.linear.scatter [tilespmem:s19], [sflag:$0x4], $0x1E00, $0x38;
	[tilespmem:$0x1ED00] =	vst v63  }
0x31: {  	_ =	swait.ge [sflag:s17], $0x1E00  }
0x32: {  	[sflag:s17] =	ssyncset.done $0x0  }
0x33: {  	s0 =	simm.s32 $0x0;
	[sflag:s17] =	ssyncadd.s32 $0xFFFFE200  }
0x34: {  	[tilespmem:s0], [sflag:$0x4] =	stream.linear.gather [hbm4b:s13+s0], $0x2880, $0x38;
	[tilespmem:$0x1ED00] =	vst v63  }
0x35: {  	_ =	swait.ge [sflag:s17], $0x2880  }
0x36: {  	[sflag:s17] =	ssyncset.done $0x0  }
0x37: {  	s21 =	simm.s32 $0x2880;
	[sflag:s17] =	ssyncadd.s32 $0xFFFFD780  }
0x38: {  	[tilespmem:s21], [sflag:$0x4] =	stream.linear.gather [hbm4b:s14+s0], $0x2880, $0x38;
	[tilespmem:$0x1ED00] =	vst v63  }
0x39: {  	_ =	swait.ge [sflag:s17], $0x2880  }
0x3a: {  	[sflag:s17] =	ssyncset.done $0x0  }
0x3b: {  	[sflag:s17] =	ssyncadd.s32 $0xFFFFD780  }
0x3c: {  	[bflag:$0x0] =	sbarrier.arrive $0xFFFF  }
0x3d: {  	[tilespmem:s18], [sflag:$0x1] =	stream.indirect.gather [hbm4b:s5+s22], $0x40, s0, s22, $0xb8;
	[tilespmem:$0x1ED00] =	vst v63  }
0x3e: {  	_ = 	snop  }
0x3f: {  	[tilespmem:s19], [sflag:$0x2] =	stream.indirect.gather [spmem:s2], $0x40, s22, s22, $0xb8;
	[tilespmem:$0x1ED00] =	vst v63  }
0x40: {  	s28 =	simm.s32 $0x100  }
0x41: {  	[tilespmem:s20], [sflag:$0x3] =	stream.indirect.gather [spmem:s2], $0x40, s28, s22, $0xb8;
	[tilespmem:$0x1ED00] =	vst v63  }
0x42: {  	_ =	swait.ge [sflag:s23], $0x2000  }
0x43: {  	[sflag:s23] =	ssyncset.done $0x0  }
0x44: {  	s29 =	simm.s32 $0x2880;
	[sflag:s23] =	ssyncadd.s32 $0xFFFFE000  }
0x45: {  	[spmem:s3] =	stream.indirect.scatter.add.f32 [tilespmem:s18], [sflag:$0x4], $0x40, s29, s22, $0xb8;
	[tilespmem:$0x1ED00] =	vst v63  }
0x46: {  	_ =	swait.ge [sflag:s17], $0x2000  }
0x47: {  	[sflag:s17] =	ssyncset.done $0x0  }
0x48: {  	s1 =	simm.s32 $0x180;
	[sflag:s17] =	ssyncadd.s32 $0xFFFFE000  }
0x49: {  	[tilespmem:s18], [sflag:$0x1] =	stream.indirect.gather [hbm4b:s5+s22], $0x40, s1, s22, $0xb8;
	[tilespmem:$0x1ED00] =	vst v63  }
0x4a: {  	_ =	swait.ge [sflag:s25], $0x2000  }
0x4b: {  	[sflag:s25] =	ssyncset.done $0x0  }
0x4c: {  	s21 =	simm.s32 $0x2900;
	[sflag:s25] =	ssyncadd.s32 $0xFFFFE000  }
0x4d: {  	[spmem:s3] =	stream.indirect.scatter.add.f32 [tilespmem:s19], [sflag:$0x4], $0x40, s21, s22, $0xb8;
	[tilespmem:$0x1ED00] =	vst v63  }
0x4e: {  	_ =	swait.ge [sflag:s17], $0x2000  }
0x4f: {  	[sflag:s17] =	ssyncset.done $0x0  }
0x50: {  	s28 =	simm.s32 $0x200;
	[sflag:s17] =	ssyncadd.s32 $0xFFFFE000  }
0x51: {  	[tilespmem:s19], [sflag:$0x2] =	stream.indirect.gather [spmem:s2], $0x40, s28, s22, $0xb8;
	[tilespmem:$0x1ED00] =	vst v63  }
0x52: {  	_ =	swait.ge [sflag:s26], $0x2000  }
0x53: {  	[sflag:s26] =	ssyncset.done $0x0  }
0x54: {  	s29 =	simm.s32 $0x2980;
	[sflag:s26] =	ssyncadd.s32 $0xFFFFE000  }
0x55: {  	[spmem:s3] =	stream.indirect.scatter.add.f32 [tilespmem:s20], [sflag:$0x4], $0x40, s29, s22, $0xb8;
	[tilespmem:$0x1ED00] =	vst v63  }
0x56: {  	_ =	swait.ge [sflag:s17], $0x2000  }
0x57: {  	s0 =	simm.s32 $0xC00;
	s1 =	simm.s32 $0x180;
	[sflag:s17] =	ssyncset.done $0x0  }
.LBB2_4:
0x58: {  	s21 =	sadd.s32 $0x100, s1  }
0x59: {  	[sflag:s17] =	ssyncadd.s32 $0xFFFFE000;
	s28 =	smov.u32 s0;
	s29 =	sadd.s32 $0x600, s0  }
0x5a: {  	[tilespmem:s20], [sflag:$0x3] =	stream.indirect.gather [spmem:s2], $0x40, s21, s22, $0xb8;
	[tilespmem:$0x1ED00] =	vst v63  }
0x5b: {  	p0 =	sne.s32 s0, $0x9600;
	_ =	swait.ge [sflag:s23], $0x2000  }
0x5c: {  	[sflag:s23] =	ssyncset.done $0x0  }
0x5d: {  	s0 =	sadd.s32 $0x2880, s1;
	[sflag:s23] =	ssyncadd.s32 $0xFFFFE000  }
0x5e: {  	[spmem:s3] =	stream.indirect.scatter.add.f32 [tilespmem:s18], [sflag:$0x4], $0x40, s0, s22, $0xb8;
	[tilespmem:$0x1ED00] =	vst v63  }
0x5f: {  	_ =	swait.ge [sflag:s17], $0x2000  }
0x60: {  	[sflag:s17] =	ssyncset.done $0x0  }
0x61: {  	s0 =	sadd.s32 $0x180, s1;
	[sflag:s17] =	ssyncadd.s32 $0xFFFFE000  }
0x62: {  	[tilespmem:s18], [sflag:$0x1] =	stream.indirect.gather [hbm4b:s5+s22], $0x40, s0, s22, $0xb8;
	[tilespmem:$0x1ED00] =	vst v63  }
0x63: {  	_ =	swait.ge [sflag:s25], $0x2000  }
0x64: {  	[sflag:s25] =	ssyncset.done $0x0  }
0x65: {  	s0 =	sadd.s32 $0x2900, s1;
	[sflag:s25] =	ssyncadd.s32 $0xFFFFE000  }
0x66: {  	[spmem:s3] =	stream.indirect.scatter.add.f32 [tilespmem:s19], [sflag:$0x4], $0x40, s0, s22, $0xb8;
	[tilespmem:$0x1ED00] =	vst v63  }
0x67: {  	_ =	swait.ge [sflag:s17], $0x2000  }
0x68: {  	[sflag:s17] =	ssyncset.done $0x0  }
0x69: {  	s0 =	sadd.s32 $0x200, s1;
	[sflag:s17] =	ssyncadd.s32 $0xFFFFE000  }
0x6a: {  	[tilespmem:s19], [sflag:$0x2] =	stream.indirect.gather [spmem:s2], $0x40, s0, s22, $0xb8;
	[tilespmem:$0x1ED00] =	vst v63  }
0x6b: {  	_ =	swait.ge [sflag:s26], $0x2000  }
.Ltmp1:
0x6c: {  	[sflag:s26] =	ssyncset.done $0x0;
	(pc) =	sbr.rel @p0 .LBB2_4-.Ltmp1, $4  }
0x6d: {  	s0 =	sadd.s32 $0x2980, s1;
	[sflag:s26] =	ssyncadd.s32 $0xFFFFE000  }
0x6e: {  	[spmem:s3] =	stream.indirect.scatter.add.f32 [tilespmem:s20], [sflag:$0x4], $0x40, s0, s22, $0xb8;
	[tilespmem:$0x1ED00] =	vst v63  }
0x6f: {  	_ =	swait.ge [sflag:s17], $0x2000  }
0x70: {  	s1 =	sshra.s32 s28, $0x2;
	s0 =	smov.u32 s29;
	[sflag:s17] =	ssyncset.done $0x0  }
0x71: {  	s0 =	sadd.s32 $0x100, s1;
	[sflag:s17] =	ssyncadd.s32 $0xFFFFE000  }
0x72: {  	[tilespmem:s20], [sflag:$0x3] =	stream.indirect.gather [spmem:s2], $0x40, s0, s22, $0xb8;
	[tilespmem:$0x1ED00] =	vst v63  }
0x73: {  	_ =	swait.ge [sflag:s23], $0x2000  }
0x74: {  	[sflag:s23] =	ssyncset.done $0x0  }
0x75: {  	s29 =	sadd.s32 $0x2880, s1;
	[sflag:s23] =	ssyncadd.s32 $0xFFFFE000  }
0x76: {  	[spmem:s3] =	stream.indirect.scatter.add.f32 [tilespmem:s18], [sflag:$0x4], $0x40, s29, s22, $0xb8;
	[tilespmem:$0x1ED00] =	vst v63  }
0x77: {  	_ =	swait.ge [sflag:s17], $0x2000  }
0x78: {  	[sflag:s17] =	ssyncset.done $0x0  }
0x79: {  	s21 =	sadd.s32 $0x180, s1;
	[sflag:s17] =	ssyncadd.s32 $0xFFFFE000  }
0x7a: {  	[tilespmem:s18], [sflag:$0x1] =	stream.indirect.gather [hbm4b:s5+s22], $0x40, s21, s22, $0xb8;
	[tilespmem:$0x1ED00] =	vst v63  }
0x7b: {  	_ =	swait.ge [sflag:s25], $0x2000  }
0x7c: {  	[sflag:s25] =	ssyncset.done $0x0  }
0x7d: {  	s28 =	sadd.s32 $0x2900, s1;
	[sflag:s25] =	ssyncadd.s32 $0xFFFFE000  }
0x7e: {  	[spmem:s3] =	stream.indirect.scatter.add.f32 [tilespmem:s19], [sflag:$0x4], $0x40, s28, s22, $0xb8;
	[tilespmem:$0x1ED00] =	vst v63  }
0x7f: {  	_ =	swait.ge [sflag:s17], $0x2000  }
0x80: {  	[sflag:s17] =	ssyncset.done $0x0  }
0x81: {  	s29 =	sadd.s32 $0x200, s1;
	[sflag:s17] =	ssyncadd.s32 $0xFFFFE000  }
0x82: {  	[tilespmem:s19], [sflag:$0x2] =	stream.indirect.gather [spmem:s2], $0x40, s29, s22, $0xb8;
	[tilespmem:$0x1ED00] =	vst v63  }
0x83: {  	_ =	swait.ge [sflag:s26], $0x2000  }
0x84: {  	[sflag:s26] =	ssyncset.done $0x0  }
0x85: {  	s1 =	sadd.s32 $0x2980, s1;
	[sflag:s26] =	ssyncadd.s32 $0xFFFFE000  }
0x86: {  	[spmem:s3] =	stream.indirect.scatter.add.f32 [tilespmem:s20], [sflag:$0x4], $0x40, s1, s22, $0xb8;
	[tilespmem:$0x1ED00] =	vst v63  }
0x87: {  	_ =	swait.ge [sflag:s17], $0x2000  }
0x88: {  	[sflag:s17] =	ssyncset.done $0x0  }
0x89: {  	s21 =	simm.s32 $0x2800;
	[sflag:s17] =	ssyncadd.s32 $0xFFFFE000  }
0x8a: {  	[tilespmem:s20], [sflag:$0x3] =	stream.indirect.gather [spmem:s2], $0x40, s21, s22, $0xb8;
	[tilespmem:$0x1ED00] =	vst v63  }
0x8b: {  	_ =	swait.ge [sflag:s23], $0x2000  }
0x8c: {  	[sflag:s23] =	ssyncset.done $0x0  }
0x8d: {  	s28 =	simm.s32 $0x4F80;
	[sflag:s23] =	ssyncadd.s32 $0xFFFFE000  }
0x8e: {  	[spmem:s3] =	stream.indirect.scatter.add.f32 [tilespmem:s18], [sflag:$0x4], $0x40, s28, s22, $0xb8;
	[tilespmem:$0x1ED00] =	vst v63  }
0x8f: {  	_ =	swait.ge [sflag:s17], $0x2000  }
0x90: {  	[sflag:s17] =	ssyncset.done $0x0  }
0x91: {  	[sflag:s17] =	ssyncadd.s32 $0xFFFFE000  }
0x92: {  	_ =	swait.ge [sflag:s25], $0x2000  }
0x93: {  	[sflag:s25] =	ssyncset.done $0x0  }
0x94: {  	[sflag:s25] =	ssyncadd.s32 $0xFFFFE000  }
0x95: {  	[spmem:s3] =	stream.indirect.scatter.add.f32 [tilespmem:s19], [sflag:$0x4], $0x40, s30, s22, $0xb8;
	[tilespmem:$0x1ED00] =	vst v63  }
0x96: {  	_ =	swait.ge [sflag:s17], $0x2000  }
0x97: {  	[sflag:s17] =	ssyncset.done $0x0  }
0x98: {  	[sflag:s17] =	ssyncadd.s32 $0xFFFFE000  }
0x99: {  	_ =	swait.ge [sflag:s26], $0x2000  }
0x9a: {  	[sflag:s26] =	ssyncset.done $0x0  }
0x9b: {  	[sflag:s26] =	ssyncadd.s32 $0xFFFFE000  }
0x9c: {  	[spmem:s3] =	stream.indirect.scatter.add.f32 [tilespmem:s20], [sflag:$0x4], $0x40, s31, s22, $0xb8;
	[tilespmem:$0x1ED00] =	vst v63  }
0x9d: {  	_ =	swait.ge [sflag:s17], $0x2000  }
0x9e: {  	s4 =	sadd.s32 $0x1, s4;
	[sflag:s17] =	ssyncset.done $0x0  }
0x9f: {  	p0 =	sne.s32 s4, s15;
	[sflag:s17] =	ssyncadd.s32 $0xFFFFE000  }
.Ltmp2:
0xa0: {  	s29 =	sshrl.u32 s8, $0x3;
	[bflag:$0x0] =	sbarrier.arrive $0xFFFF;
	(pc) =	sbr.rel @p0 .LBB2_1-.Ltmp2, $4  }
0xa1: {  	[hbm:s24], [sflag:s7] =	dma.local [spmem:s29], $0x13C0  }
0xa2: {  	_ =	swait.ge [sflag:s17], $0x13C0  }
0xa3: {  	[sflag:s17] =	ssyncset.done $0x0  }
0xa4: {  	[sflag:s17] =	ssyncadd.s32 $0xFFFFEC40  }
0xa5: {  	_ =	sfence.sel $0x180000  }
0xa6: {  	[bflag:$0x0] =	sbarrier.arrive $0xFFFF  }
0xa7: {  	_ =	strace $0x9000004D  }
0xa8: {  	s0 =	stileid.u32;
	[bflag:$0x2] =	sbarrier.arrive $0xFFFF  }
0xa9: {  	p0 =	sne.s32 s0, $0x0;
	s0 =	rddreg [dreg:$0x3]  }
0xaa: {  	s0 =	sadd.s32 @!p0 $0x100000, s0  }
0xab: {  	[sflag:s0] =	ssyncadd.tile.s32 @!p0 $0x1;
	_ =	shalt  }
.Lfunc_end2:
_tile_overlayer_lowered:
.L_overlay_start_2:
0xac: {  	(tag) =	ssettag $0x2  }
0xad: {  	s0 =	rddreg [dreg:$0x0];
	s2 =	stileid.u32  }
0xae: {  	s1 =	rddreg [dreg:$0x1];
	p0 =	sne.s32 s2, $0x0  }
0xaf: {  	s3 =	rddreg [dreg:$0x2];
	[bflag:$0x3] =	sbarrier.arrive $0xFFFF;
	s2 =	simm.s32 @!p0 $0x1C04  }
0xb0: {  	[timem:s3], [sflag:s2] =	dma.local @!p0 [hbm:s0], s1  }
0xb1: {  	s0 =	simm.s32 @!p0 $0x4  }
0xb2: {  	_ =	swait.ge @!p0 [sflag:s0], s1  }
0xb3: {  	s1 =	ssub.s32 @!p0 $0x0, s1;
	[sflag:s0] =	ssyncset.done @!p0 $0x0  }
0xb4: {  	[sflag:s0] =	ssyncadd.s32 @!p0 s1  }
0xb5: {  	[bflag:$0x3] =	sbarrier.arrive $0xFFFF  }
0xb6: {  	_ =	shalt  }

// kernel: kernel.9.cloned.1.call-start
scs
__scs_entry_jumppad:
0x0: {  	(pc) =	sbr.rel $0x88, $3  }
0x1: {  	(tag) =	ssettag $0x0;
	lr =	simm.s32 $0x1  }
0x2: {  	[smem:$0x3F95] =	sst lr;
	_ =	strace $0xD0000000  }
0x3: {  	_ = 	snop  }
0x4: {  	_ = 	snop  }
0x5: {  	_ = 	snop  }
0x6: {  	_ = 	snop  }
0x7: {  	_ = 	snop  }
__scs_overlays_trampoline_lowered:
0x8: {  	[smem:$0x3FA4] =	sst s0  }
0x9: {  	[smem:$0x3FA5] =	sst s1  }
0xa: {  	[smem:$0x3FA6] =	sst s2  }
0xb: {  	[smem:$0x3FA7] =	sst s3  }
0xc: {  	[smem:$0x3FA8] =	sst s4  }
0xd: {  	[smem:$0x3FA9] =	sst s5  }
0xe: {  	[smem:$0x3FAA] =	sst s6  }
0xf: {  	[smem:$0x3FAB] =	sst s7  }
0x10: {  	[smem:$0x3FAC] =	sst s8  }
0x11: {  	[smem:$0x3FAD] =	sst s9;
	s0 =	simm.s32 @!p0 $0x0  }
0x12: {  	s1 =	sld [smem:$0x3F93];
	s0 =	simm.s32 @p0 $0x1  }
0x13: {  	[smem:$0x3FAE] =	sst s0;
	s0 =	simm.s32 @!p1 $0x0  }
0x14: {  	s2 =	sld [smem:$0x3F92];
	s0 =	simm.s32 @p1 $0x1  }
0x15: {  	[smem:$0x3FAF] =	sst s0;
	s0 =	simm.s32 @!p2 $0x0  }
0x16: {  	s3 =	sld [smem:$0x3FDB];
	s0 =	simm.s32 @p2 $0x1  }
0x17: {  	s4 =	simm.s32 $0x1BF5;
	[smem:$0x3FB1] =	sst s0  }
0x18: {  	s0 =	sld [smem:$0x3F94];
	_ =	swait.ge [sflag:s4], $0x0  }
0x19: {  	s7 =	sld [smem:$0x3F95]  }
0x1a: {  	s8 =	sadd.s32 $0xFFFFE003, lr  }
0x1b: {  	s9 =	sadd.s32 $0xFFFFFEF7, lr;
	s5 =	simm.s32 $0xFFFFFFFF;
	p2 =	slt.u32 s8, $0xFFFFF086  }
0x1c: {  	p1 =	slt.u32 s9, $0xF7A;
	s5 =	simm.s32 @!p2 $0x0  }
0x1d: {  	s5 =	simm.s32 @p1 $0x1;
	p0 =	seq.s32 s7, s2  }
0x1e: {  	s7 =	smul.u32 @!p0 $0xF7A, s2;
	p2 =	seq.s32 @!p0 s5, $0x0  }
0x1f: {  	s9 =	smul.u32 $0xF7A, s1;
	s8 =	simm.s32 @!p0 $0x1BF5;
	p2 =	por !p2, p0  }
0x20: {  	[sflag:s8] =	ssyncset.s32 @!p0 $0xFFFFF086;
	s6 =	sadd.s32 @!p0 s3, s7;
	s7 =	simm.s32 @!p0 $0x108  }
0x21: {  	s3 =	sadd.s32 s3, s9;
	s6 =	sadd.s32 @!p0 $0x88, s6;
	s7 =	simm.s32 @p2 $0x1082  }
0x22: {  	[simem:s7], [sflag:s8] =	dma.local @!p0 [hbm:s6], $0xF7A  }
0x23: {  	s9 =	sor.u32 $0xD0000000, s2;
	s6 =	simm.s32 $0x108;
	_ =	swait.ge @!p0 [sflag:s8], $0x0  }
0x24: {  	s3 =	sadd.s32 $0x88, s3;
	s6 =	simm.s32 @!p1 $0x1082;
	[sflag:s4] =	ssyncset.s32 $0xFFFFF086  }
0x25: {  	[simem:s6], [sflag:s4] =	dma.local [hbm:s3], $0xF7A  }
0x26: {  	[smem:$0x3F95] =	sst s1;
	(tag) =	ssettag s2;
	_ =	strace s9  }
0x27: {  	s1 =	sld [smem:$0x3FA5]  }
0x28: {  	s2 =	sld [smem:$0x3FA6]  }
0x29: {  	s4 =	sld [smem:$0x3FA8]  }
0x2a: {  	p0 =	seq.s32 s5, $0x0;
	s5 =	sld [smem:$0x3FA9]  }
0x2b: {  	s6 =	sld [smem:$0x3FAA]  }
0x2c: {  	s7 =	sld [smem:$0x3FAB]  }
0x2d: {  	s3 =	simm.s32 $0x108;
	s8 =	sld [smem:$0x3FAC]  }
0x2e: {  	s3 =	simm.s32 @!p0 $0x1082;
	s9 =	sld [smem:$0x3FAD]  }
0x2f: {  	lr =	sadd.s32 s0, s3;
	s0 =	sld [smem:$0x3FA4]  }
0x30: {  	s3 =	sld [smem:$0x3FA7]  }
0x31: {  	[smem:$0x3FB0] =	sst s10  }
0x32: {  	s10 =	sld [smem:$0x3FAE];
	_ =	sdelay $0x3  }
0x33: {  	p0 =	seq.s32 s10, $0x1;
	s10 =	sld [smem:$0x3FB0];
	_ =	sdelay $0x3  }
0x34: {  	[smem:$0x3FB0] =	sst s10  }
0x35: {  	s10 =	sld [smem:$0x3FAF];
	_ =	sdelay $0x3  }
0x36: {  	p1 =	seq.s32 s10, $0x1;
	s10 =	sld [smem:$0x3FB0];
	_ =	sdelay $0x3  }
0x37: {  	[smem:$0x3FB0] =	sst s10  }
0x38: {  	s10 =	sld [smem:$0x3FB1]  }
0x39: {  	_ = 	snop;
	(pc) =	sbr.ind lr, $3  }
0x3a: {  	_ = 	snop  }
0x3b: {  	_ = 	snop  }
0x3c: {  	p2 =	seq.s32 s10, $0x1;
	s10 =	sld [smem:$0x3FB0]  }
0x3d: {  	_ =	shalt  }
0x3e: {  	_ =	shalt  }
0x3f: {  	_ =	shalt  }
0x40: {  	_ =	shalt  }
0x41: {  	_ =	shalt  }
0x42: {  	_ =	shalt  }
0x43: {  	_ =	shalt  }
0x44: {  	_ =	shalt  }
0x45: {  	_ =	shalt  }
0x46: {  	_ =	shalt  }
0x47: {  	_ =	shalt  }
0x48: {  	_ =	shalt  }
0x49: {  	_ =	shalt  }
0x4a: {  	_ =	shalt  }
0x4b: {  	_ =	shalt  }
0x4c: {  	_ =	shalt  }
0x4d: {  	_ =	shalt  }
0x4e: {  	_ =	shalt  }
0x4f: {  	_ =	shalt  }
0x50: {  	_ =	shalt  }
0x51: {  	_ =	shalt  }
0x52: {  	_ =	shalt  }
0x53: {  	_ =	shalt  }
0x54: {  	_ =	shalt  }
0x55: {  	_ =	shalt  }
0x56: {  	_ =	shalt  }
0x57: {  	_ =	shalt  }
0x58: {  	_ =	shalt  }
0x59: {  	_ =	shalt  }
0x5a: {  	_ =	shalt  }
0x5b: {  	_ =	shalt  }
0x5c: {  	_ =	shalt  }
0x5d: {  	_ =	shalt  }
0x5e: {  	_ =	shalt  }
0x5f: {  	_ =	shalt  }
0x60: {  	_ =	shalt  }
0x61: {  	_ =	shalt  }
0x62: {  	_ =	shalt  }
0x63: {  	_ =	shalt  }
0x64: {  	_ =	shalt  }
0x65: {  	_ =	shalt  }
0x66: {  	_ =	shalt  }
0x67: {  	_ =	shalt  }
0x68: {  	_ =	shalt  }
0x69: {  	_ =	shalt  }
0x6a: {  	_ =	shalt  }
0x6b: {  	_ =	shalt  }
0x6c: {  	_ =	shalt  }
0x6d: {  	_ =	shalt  }
0x6e: {  	_ =	shalt  }
0x6f: {  	_ =	shalt  }
0x70: {  	_ =	shalt  }
0x71: {  	_ =	shalt  }
0x72: {  	_ =	shalt  }
0x73: {  	_ =	shalt  }
0x74: {  	_ =	shalt  }
0x75: {  	_ =	shalt  }
0x76: {  	_ =	shalt  }
0x77: {  	_ =	shalt  }
0x78: {  	_ =	shalt  }
0x79: {  	_ =	shalt  }
0x7a: {  	_ =	shalt  }
0x7b: {  	_ =	shalt  }
0x7c: {  	_ =	shalt  }
0x7d: {  	_ =	shalt  }
0x7e: {  	_ =	shalt  }
0x7f: {  	_ =	shalt  }
0x80: {  	_ =	shalt  }
0x81: {  	_ =	shalt  }
0x82: {  	_ =	shalt  }
0x83: {  	_ =	shalt  }
0x84: {  	_ =	shalt  }
0x85: {  	_ =	shalt  }
0x86: {  	_ =	shalt  }
0x87: {  	_ =	shalt  }
.Lfunc_end0:
.L_simem_size_0:
called_computation_lowered:
.L_overlay_start_0:
0x88: {  	s2 =	sld [smem:$0x3FD9]  }
0x89: {  	s3 =	sld [smem:$0x3FFE];
	_ =	sdelay $0x1  }
0x8a: {  	s1 =	srdreg.scid  }
0x8b: {  	s0 =	sand.u32 $0x1, s1  }
0x8c: {  	s16 =	sshll.u32 s0, $0xA;
	s2 =	sadd.s32 s3, s2  }
0x8d: {  	s2 =	sadd.s32 s2, s16  }
0x8e: {  	[smem:$0x3FBC] =	sst s2  }
0x8f: {  	_ = 	snop  }
0x90: {  	(tm) =	ssettm $0x1  }
0x91: {  	s17 =	sld [smem:$0x3FFB];
	_ =	sdelay $0x3  }
0x92: {  	_ =	strace s17  }
0x93: {  	s2 =	sld [smem:$0x3FFC];
	_ =	sdelay $0x3  }
0x94: {  	_ =	strace s2  }
0x95: {  	s2 =	sld [smem:$0x3FFD];
	_ =	sdelay $0x3  }
0x96: {  	_ =	strace s2  }
0x97: {  	_ =	strace $0x8FFFFFFF  }
0x98: {  	s18 =	sld [smem:$0x3FDB];
	_ =	sdelay $0x1  }
0x99: {  	s19 =	simm.s32 $_scs_section_size  }
0x9a: {  	s4 =	simm.s32 $_size__tile_overlayer_lowered;
	s5 =	simm.s32 $_tile_overlayer_lowered  }
0x9b: {  	s22 =	simm.s32 $0x1BFF;
	s21 =	sshll.u32 s5, $0x1;
	s2 =	sadd.s32 s19, s18  }
0x9c: {  	s6 =	simm.s32 $0x0;
	s20 =	sshll.u32 s4, $0x1;
	s4 =	sadd.s32 s21, s2  }
0x9d: {  	[timem:s6], [sflag:s22] =	dma.local [hbm:s4], s20  }
0x9e: {  	_ =	swait.ge [sflag:s22], s20  }
0x9f: {  	s3 =	ssub.s32 $0x0, s20;
	[sflag:s22] =	ssyncset.done $0x0  }
0xa0: {  	[sflag:s22] =	ssyncadd.s32 s3;
	_ =	sdelay $0x1  }
0xa1: {  	s23 =	simm.s32 $0x1B8B  }
0xa2: {  	_ =	swait.ge [sflag:s23], $0x1  }
0xa3: {  	[sflag:s23] =	ssyncset.done $0x0  }
0xa4: {  	s25 =	simm.s32 $0x1B8E;
	s24 =	sld [smem:$0x3FFE];
	[sflag:s23] =	ssyncadd.s32 $0xFFFFFFFF  }
0xa5: {  	s26 =	simm.s32 $execute0_lowered;
	[smem:$0x3FD2] =	sst s25  }
0xa6: {  	s4 =	sshll.u32 s26, $0x1;
	_ =	strace $0x80000046;
	[dreg:$0x1] =	wrdreg $0xFFFFFFFF  }
0xa7: {  	s28 =	simm.s32 $_size_execute0_lowered;
	s2 =	sadd.s32 s2, s4;
	[dreg:$0x0] =	wrdreg $0x0  }
0xa8: {  	s4 =	sshll.u32 s28, $0x1;
	[dreg:$0x2] =	wrdreg s2  }
0xa9: {  	[dreg:$0x3] =	wrdreg s4  }
0xaa: {  	[dreg:$0x4] =	wrdreg $0xC0  }
0xab: {  	_ =	task [dreg:s6], $0x5FFFF  }
0xac: {  	[dreg:$0x1] =	wrdreg $0xFFFFFFFF  }
0xad: {  	[dreg:$0x0] =	wrdreg $0x60  }
0xae: {  	[dreg:$0x2] =	wrdreg s24  }
0xaf: {  	[dreg:$0x3] =	wrdreg $0xB1000  }
0xb0: {  	[dreg:$0x4] =	wrdreg $0x14F000  }
0xb1: {  	[dreg:$0x5] =	wrdreg $0x9  }
0xb2: {  	_ =	task.clear_ibuf [dreg:s6], $0x6FFFF;
	_ =	strace $0x90000046  }
0xb3: {  	s29 =	simm.s32 $0x9;
	_ =	strace $0x80000048  }
0xb4: {  	_ =	swait.ge [sflag:s29], $0x1  }
0xb5: {  	[sflag:s29] =	ssyncadd.s32 $0xFFFFFFFF  }
0xb6: {  	_ =	strace $0x90000048  }
0xb7: {  	_ =	sfence  }
0xb8: {  	s30 =	sld [smem:$0x0];
	_ =	sdelay $0x2  }
0xb9: {  	s31 =	sshll.u32 s1, $0xD;
	s1 =	sshrl.u32 s1, $0x2  }
0xba: {  	s3 =	sand.u32 $0x4000, s31;
	s1 =	sadd.s32 s1, s30  }
0xbb: {  	s0 =	sor.u32 s3, s0;
	s1 =	sshll.u32 s1, $0x11  }
0xbc: {  	s0 =	sor.u32 s1, s0  }
0xbd: {  	s0 =	sadd.s32 $0x8F2B, s0  }
0xbe: {  	[sflag:s0] =	ssyncadd.remote.s32 $0x1  }
0xbf: {  	_ =	sfence.sel $0xFFFF  }
0xc0: {  	[dreg:$0x0] =	wrdreg $0xFFFFFFFF;
	(pc) =	sbr.abs _section_cstart, $3  }
0xc1: {  	[dreg:$0x1] =	wrdreg $0xFFFFFFFF  }
0xc2: {  	_ =	task.clear_ibuf [dreg:s6], $0x2FFFF;
	_ =	strace $0x9FFFFFFF  }
0xc3: {  	(tm) =	ssettm $0x7FFFFFFF  }
tec
execute0_lowered:
.L_overlay_start_1:
0x0: {  	(tag) =	ssettag $0x1  }
0x1: {  	s0 =	rddreg [dreg:$0x0]  }
0x2: {  	s2 =	rddreg [dreg:$0x1]  }
0x3: {  	s1 =	srdreg.scid;
	s10 =	stileid.u32  }
0x4: {  	s3 =	rddreg [dreg:$0x2];
	s4 =	simm.s32 $0x0;
	s17 =	simm.s32 $0x4  }
0x5: {  	s18 =	simm.s32 $0x5100;
	s19 =	simm.s32 $0x7100;
	s20 =	simm.s32 $0x9100  }
0x6: {  	s22 =	simm.s32 $0x80;
	s23 =	simm.s32 $0x1;
	s25 =	simm.s32 $0x2  }
0x7: {  	s26 =	simm.s32 $0x3;
	s30 =	simm.s32 $0x5000;
	s31 =	simm.s32 $0x5080  }
0x8: {  	s1 =	sand.u32 $0x1, s1;
	s5 =	sshll.u32 s10, $0x1;
	s8 =	smul.u32 $0x9E00, s10  }
0x9: {  	[smem:$0x7FF] =	sst s4;
	s9 =	smul.u32 $0x27800, s10;
	s29 =	sshll.u32 s10, $0x6  }
0xa: {  	s5 =	sor.u32 s1, s5;
	_ =	strace $0x80000047;
	s7 =	smul.u32 $0x13C00, s1  }
0xb: {  	s1 =	ssub.s32 $0x2, s1;
	s6 =	smul.u32 $0x510, s5;
	s5 =	sadd.s32 $0x16200, s0  }
0xc: {  	s28 =	sshrl.u32 s1, $0x1;
	s16 =	sadd.s32 s8, s2;
	s24 =	sshrl.u32 s8, $0x3  }
0xd: {  	s9 =	sshrl.u32 s9, $0x2;
	s8 =	sadd.s32 s8, s3;
	s1 =	ssub.s32 s1, s28  }
0xe: {  	s12 =	sadd.s32 s9, s3;
	s16 =	sshrl.u32 s16, $0x3;
	s14 =	sadd.s32 s6, s0  }
0xf: {  	s0 =	sadd.s32 s7, s0;
	s6 =	sadd.s32 s5, s24;
	s7 =	sor.u32 $0x1C04, s29  }
0x10: {  	s9 =	sadd.s32 $0x2000, s12;
	s10 =	sadd.s32 $0x4000, s12;
	s11 =	sadd.s32 $0x6000, s12  }
0x11: {  	s12 =	sadd.s32 $0x8000, s12;
	s15 =	smax.u32 s1, $0x1;
	s0 =	sadd.s32 $0x29E00, s0  }
0x12: {  	v0 =	vimm.f32 $0.0e+00;
	s13 =	sadd.s32 $0xC000, s14;
	s14 =	sadd.s32 $0x1E00, s14;
	s24 =	sadd.s32 s24, s0  }
.LBB2_1:
0x13: {  	[spmem:s16], [sflag:s7] =	dma.local [hbm:s6], $0x13C0  }
0x14: {  	_ =	swait.ge [sflag:s17], $0x13C0  }
0x15: {  	[sflag:s17] =	ssyncset.done $0x0  }
0x16: {  	s0 =	simm.s32 $0x100;
	s1 =	simm.s32 $0x0;
	[sflag:s17] =	ssyncadd.s32 $0xFFFFEC40  }
.LBB2_2:
0x17: {  	p0 =	sne.s32 s0, $0x17F00;
	[tilespmem:s1+$0x5130] =	vst v0;
	s21 =	smov.u32 s0;
	s0 =	sadd.s32 $0x100, s0  }
.Ltmp0:
0x18: {  	[tilespmem:s1+$0x5120] =	vst v0;
	(pc) =	sbr.rel @p0 .LBB2_2-.Ltmp0, $3  }
0x19: {  	[tilespmem:s1+$0x5100] =	vst v0  }
0x1a: {  	[tilespmem:s1+$0x5110] =	vst v0;
	_ =	sdelay $0x1  }
0x1b: {  	s1 =	sshra.s32 s21, $0x2  }
0x1c: {  	[tilespmem:s1+$0x5130] =	vst v0  }
0x1d: {  	[tilespmem:s1+$0x5120] =	vst v0  }
0x1e: {  	[tilespmem:s1+$0x5100] =	vst v0  }
0x1f: {  	[tilespmem:s1+$0x5110] =	vst v0  }
0x20: {  	[spmem:s8] =	stream.linear.scatter [tilespmem:s18], [sflag:$0x4], $0x2000, $0x38;
	[tilespmem:$0x1ED00] =	vst v63  }
0x21: {  	_ =	swait.ge [sflag:s17], $0x2000  }
0x22: {  	[sflag:s17] =	ssyncset.done $0x0  }
0x23: {  	[sflag:s17] =	ssyncadd.s32 $0xFFFFE000  }
0x24: {  	[spmem:s9] =	stream.linear.scatter [tilespmem:s19], [sflag:$0x4], $0x2000, $0x38;
	[tilespmem:$0x1ED00] =	vst v63  }
0x25: {  	_ =	swait.ge [sflag:s17], $0x2000  }
0x26: {  	[sflag:s17] =	ssyncset.done $0x0  }
0x27: {  	[sflag:s17] =	ssyncadd.s32 $0xFFFFE000  }
0x28: {  	[spmem:s10] =	stream.linear.scatter [tilespmem:s20], [sflag:$0x4], $0x2000, $0x38;
	[tilespmem:$0x1ED00] =	vst v63  }
0x29: {  	_ =	swait.ge [sflag:s17], $0x2000  }
0x2a: {  	[sflag:s17] =	ssyncset.done $0x0  }
0x2b: {  	[sflag:s17] =	ssyncadd.s32 $0xFFFFE000  }
0x2c: {  	[spmem:s11] =	stream.linear.scatter [tilespmem:s18], [sflag:$0x4], $0x2000, $0x38;
	[tilespmem:$0x1ED00] =	vst v63  }
0x2d: {  	_ =	swait.ge [sflag:s17], $0x2000  }
0x2e: {  	[sflag:s17] =	ssyncset.done $0x0  }
0x2f: {  	[sflag:s17] =	ssyncadd.s32 $0xFFFFE000  }
0x30: {  	[spmem:s12] =	stream.linear.scatter [tilespmem:s19], [sflag:$0x4], $0x1E00, $0x38;
	[tilespmem:$0x1ED00] =	vst v63  }
0x31: {  	_ =	swait.ge [sflag:s17], $0x1E00  }
0x32: {  	[sflag:s17] =	ssyncset.done $0x0  }
0x33: {  	s0 =	simm.s32 $0x0;
	[sflag:s17] =	ssyncadd.s32 $0xFFFFE200  }
0x34: {  	[tilespmem:s0], [sflag:$0x4] =	stream.linear.gather [hbm4b:s13+s0], $0x2880, $0x38;
	[tilespmem:$0x1ED00] =	vst v63  }
0x35: {  	_ =	swait.ge [sflag:s17], $0x2880  }
0x36: {  	[sflag:s17] =	ssyncset.done $0x0  }
0x37: {  	s21 =	simm.s32 $0x2880;
	[sflag:s17] =	ssyncadd.s32 $0xFFFFD780  }
0x38: {  	[tilespmem:s21], [sflag:$0x4] =	stream.linear.gather [hbm4b:s14+s0], $0x2880, $0x38;
	[tilespmem:$0x1ED00] =	vst v63  }
0x39: {  	_ =	swait.ge [sflag:s17], $0x2880  }
0x3a: {  	[sflag:s17] =	ssyncset.done $0x0  }
0x3b: {  	[sflag:s17] =	ssyncadd.s32 $0xFFFFD780  }
0x3c: {  	[bflag:$0x0] =	sbarrier.arrive $0xFFFF  }
0x3d: {  	[tilespmem:s18], [sflag:$0x1] =	stream.indirect.gather [hbm4b:s5+s22], $0x40, s0, s22, $0xb8;
	[tilespmem:$0x1ED00] =	vst v63  }
0x3e: {  	_ = 	snop  }
0x3f: {  	[tilespmem:s19], [sflag:$0x2] =	stream.indirect.gather [spmem:s2], $0x40, s22, s22, $0xb8;
	[tilespmem:$0x1ED00] =	vst v63  }
0x40: {  	s28 =	simm.s32 $0x100  }
0x41: {  	[tilespmem:s20], [sflag:$0x3] =	stream.indirect.gather [spmem:s2], $0x40, s28, s22, $0xb8;
	[tilespmem:$0x1ED00] =	vst v63  }
0x42: {  	_ =	swait.ge [sflag:s23], $0x2000  }
0x43: {  	[sflag:s23] =	ssyncset.done $0x0  }
0x44: {  	s29 =	simm.s32 $0x2880;
	[sflag:s23] =	ssyncadd.s32 $0xFFFFE000  }
0x45: {  	[spmem:s3] =	stream.indirect.scatter.add.f32 [tilespmem:s18], [sflag:$0x4], $0x40, s29, s22, $0xb8;
	[tilespmem:$0x1ED00] =	vst v63  }
0x46: {  	_ =	swait.ge [sflag:s17], $0x2000  }
0x47: {  	[sflag:s17] =	ssyncset.done $0x0  }
0x48: {  	s1 =	simm.s32 $0x180;
	[sflag:s17] =	ssyncadd.s32 $0xFFFFE000  }
0x49: {  	[tilespmem:s18], [sflag:$0x1] =	stream.indirect.gather [hbm4b:s5+s22], $0x40, s1, s22, $0xb8;
	[tilespmem:$0x1ED00] =	vst v63  }
0x4a: {  	_ =	swait.ge [sflag:s25], $0x2000  }
0x4b: {  	[sflag:s25] =	ssyncset.done $0x0  }
0x4c: {  	s21 =	simm.s32 $0x2900;
	[sflag:s25] =	ssyncadd.s32 $0xFFFFE000  }
0x4d: {  	[spmem:s3] =	stream.indirect.scatter.add.f32 [tilespmem:s19], [sflag:$0x4], $0x40, s21, s22, $0xb8;
	[tilespmem:$0x1ED00] =	vst v63  }
0x4e: {  	_ =	swait.ge [sflag:s17], $0x2000  }
0x4f: {  	[sflag:s17] =	ssyncset.done $0x0  }
0x50: {  	s28 =	simm.s32 $0x200;
	[sflag:s17] =	ssyncadd.s32 $0xFFFFE000  }
0x51: {  	[tilespmem:s19], [sflag:$0x2] =	stream.indirect.gather [spmem:s2], $0x40, s28, s22, $0xb8;
	[tilespmem:$0x1ED00] =	vst v63  }
0x52: {  	_ =	swait.ge [sflag:s26], $0x2000  }
0x53: {  	[sflag:s26] =	ssyncset.done $0x0  }
0x54: {  	s29 =	simm.s32 $0x2980;
	[sflag:s26] =	ssyncadd.s32 $0xFFFFE000  }
0x55: {  	[spmem:s3] =	stream.indirect.scatter.add.f32 [tilespmem:s20], [sflag:$0x4], $0x40, s29, s22, $0xb8;
	[tilespmem:$0x1ED00] =	vst v63  }
0x56: {  	_ =	swait.ge [sflag:s17], $0x2000  }
0x57: {  	s0 =	simm.s32 $0xC00;
	s1 =	simm.s32 $0x180;
	[sflag:s17] =	ssyncset.done $0x0  }
.LBB2_4:
0x58: {  	s21 =	sadd.s32 $0x100, s1  }
0x59: {  	[sflag:s17] =	ssyncadd.s32 $0xFFFFE000;
	s28 =	smov.u32 s0;
	s29 =	sadd.s32 $0x600, s0  }
0x5a: {  	[tilespmem:s20], [sflag:$0x3] =	stream.indirect.gather [spmem:s2], $0x40, s21, s22, $0xb8;
	[tilespmem:$0x1ED00] =	vst v63  }
0x5b: {  	p0 =	sne.s32 s0, $0x9600;
	_ =	swait.ge [sflag:s23], $0x2000  }
0x5c: {  	[sflag:s23] =	ssyncset.done $0x0  }
0x5d: {  	s0 =	sadd.s32 $0x2880, s1;
	[sflag:s23] =	ssyncadd.s32 $0xFFFFE000  }
0x5e: {  	[spmem:s3] =	stream.indirect.scatter.add.f32 [tilespmem:s18], [sflag:$0x4], $0x40, s0, s22, $0xb8;
	[tilespmem:$0x1ED00] =	vst v63  }
0x5f: {  	_ =	swait.ge [sflag:s17], $0x2000  }
0x60: {  	[sflag:s17] =	ssyncset.done $0x0  }
0x61: {  	s0 =	sadd.s32 $0x180, s1;
	[sflag:s17] =	ssyncadd.s32 $0xFFFFE000  }
0x62: {  	[tilespmem:s18], [sflag:$0x1] =	stream.indirect.gather [hbm4b:s5+s22], $0x40, s0, s22, $0xb8;
	[tilespmem:$0x1ED00] =	vst v63  }
0x63: {  	_ =	swait.ge [sflag:s25], $0x2000  }
0x64: {  	[sflag:s25] =	ssyncset.done $0x0  }
0x65: {  	s0 =	sadd.s32 $0x2900, s1;
	[sflag:s25] =	ssyncadd.s32 $0xFFFFE000  }
0x66: {  	[spmem:s3] =	stream.indirect.scatter.add.f32 [tilespmem:s19], [sflag:$0x4], $0x40, s0, s22, $0xb8;
	[tilespmem:$0x1ED00] =	vst v63  }
0x67: {  	_ =	swait.ge [sflag:s17], $0x2000  }
0x68: {  	[sflag:s17] =	ssyncset.done $0x0  }
0x69: {  	s0 =	sadd.s32 $0x200, s1;
	[sflag:s17] =	ssyncadd.s32 $0xFFFFE000  }
0x6a: {  	[tilespmem:s19], [sflag:$0x2] =	stream.indirect.gather [spmem:s2], $0x40, s0, s22, $0xb8;
	[tilespmem:$0x1ED00] =	vst v63  }
0x6b: {  	_ =	swait.ge [sflag:s26], $0x2000  }
.Ltmp1:
0x6c: {  	[sflag:s26] =	ssyncset.done $0x0;
	(pc) =	sbr.rel @p0 .LBB2_4-.Ltmp1, $4  }
0x6d: {  	s0 =	sadd.s32 $0x2980, s1;
	[sflag:s26] =	ssyncadd.s32 $0xFFFFE000  }
0x6e: {  	[spmem:s3] =	stream.indirect.scatter.add.f32 [tilespmem:s20], [sflag:$0x4], $0x40, s0, s22, $0xb8;
	[tilespmem:$0x1ED00] =	vst v63  }
0x6f: {  	_ =	swait.ge [sflag:s17], $0x2000  }
0x70: {  	s1 =	sshra.s32 s28, $0x2;
	s0 =	smov.u32 s29;
	[sflag:s17] =	ssyncset.done $0x0  }
0x71: {  	s0 =	sadd.s32 $0x100, s1;
	[sflag:s17] =	ssyncadd.s32 $0xFFFFE000  }
0x72: {  	[tilespmem:s20], [sflag:$0x3] =	stream.indirect.gather [spmem:s2], $0x40, s0, s22, $0xb8;
	[tilespmem:$0x1ED00] =	vst v63  }
0x73: {  	_ =	swait.ge [sflag:s23], $0x2000  }
0x74: {  	[sflag:s23] =	ssyncset.done $0x0  }
0x75: {  	s29 =	sadd.s32 $0x2880, s1;
	[sflag:s23] =	ssyncadd.s32 $0xFFFFE000  }
0x76: {  	[spmem:s3] =	stream.indirect.scatter.add.f32 [tilespmem:s18], [sflag:$0x4], $0x40, s29, s22, $0xb8;
	[tilespmem:$0x1ED00] =	vst v63  }
0x77: {  	_ =	swait.ge [sflag:s17], $0x2000  }
0x78: {  	[sflag:s17] =	ssyncset.done $0x0  }
0x79: {  	s21 =	sadd.s32 $0x180, s1;
	[sflag:s17] =	ssyncadd.s32 $0xFFFFE000  }
0x7a: {  	[tilespmem:s18], [sflag:$0x1] =	stream.indirect.gather [hbm4b:s5+s22], $0x40, s21, s22, $0xb8;
	[tilespmem:$0x1ED00] =	vst v63  }
0x7b: {  	_ =	swait.ge [sflag:s25], $0x2000  }
0x7c: {  	[sflag:s25] =	ssyncset.done $0x0  }
0x7d: {  	s28 =	sadd.s32 $0x2900, s1;
	[sflag:s25] =	ssyncadd.s32 $0xFFFFE000  }
0x7e: {  	[spmem:s3] =	stream.indirect.scatter.add.f32 [tilespmem:s19], [sflag:$0x4], $0x40, s28, s22, $0xb8;
	[tilespmem:$0x1ED00] =	vst v63  }
0x7f: {  	_ =	swait.ge [sflag:s17], $0x2000  }
0x80: {  	[sflag:s17] =	ssyncset.done $0x0  }
0x81: {  	s29 =	sadd.s32 $0x200, s1;
	[sflag:s17] =	ssyncadd.s32 $0xFFFFE000  }
0x82: {  	[tilespmem:s19], [sflag:$0x2] =	stream.indirect.gather [spmem:s2], $0x40, s29, s22, $0xb8;
	[tilespmem:$0x1ED00] =	vst v63  }
0x83: {  	_ =	swait.ge [sflag:s26], $0x2000  }
0x84: {  	[sflag:s26] =	ssyncset.done $0x0  }
0x85: {  	s1 =	sadd.s32 $0x2980, s1;
	[sflag:s26] =	ssyncadd.s32 $0xFFFFE000  }
0x86: {  	[spmem:s3] =	stream.indirect.scatter.add.f32 [tilespmem:s20], [sflag:$0x4], $0x40, s1, s22, $0xb8;
	[tilespmem:$0x1ED00] =	vst v63  }
0x87: {  	_ =	swait.ge [sflag:s17], $0x2000  }
0x88: {  	[sflag:s17] =	ssyncset.done $0x0  }
0x89: {  	s21 =	simm.s32 $0x2800;
	[sflag:s17] =	ssyncadd.s32 $0xFFFFE000  }
0x8a: {  	[tilespmem:s20], [sflag:$0x3] =	stream.indirect.gather [spmem:s2], $0x40, s21, s22, $0xb8;
	[tilespmem:$0x1ED00] =	vst v63  }
0x8b: {  	_ =	swait.ge [sflag:s23], $0x2000  }
0x8c: {  	[sflag:s23] =	ssyncset.done $0x0  }
0x8d: {  	s28 =	simm.s32 $0x4F80;
	[sflag:s23] =	ssyncadd.s32 $0xFFFFE000  }
0x8e: {  	[spmem:s3] =	stream.indirect.scatter.add.f32 [tilespmem:s18], [sflag:$0x4], $0x40, s28, s22, $0xb8;
	[tilespmem:$0x1ED00] =	vst v63  }
0x8f: {  	_ =	swait.ge [sflag:s17], $0x2000  }
0x90: {  	[sflag:s17] =	ssyncset.done $0x0  }
0x91: {  	[sflag:s17] =	ssyncadd.s32 $0xFFFFE000  }
0x92: {  	_ =	swait.ge [sflag:s25], $0x2000  }
0x93: {  	[sflag:s25] =	ssyncset.done $0x0  }
0x94: {  	[sflag:s25] =	ssyncadd.s32 $0xFFFFE000  }
0x95: {  	[spmem:s3] =	stream.indirect.scatter.add.f32 [tilespmem:s19], [sflag:$0x4], $0x40, s30, s22, $0xb8;
	[tilespmem:$0x1ED00] =	vst v63  }
0x96: {  	_ =	swait.ge [sflag:s17], $0x2000  }
0x97: {  	[sflag:s17] =	ssyncset.done $0x0  }
0x98: {  	[sflag:s17] =	ssyncadd.s32 $0xFFFFE000  }
0x99: {  	_ =	swait.ge [sflag:s26], $0x2000  }
0x9a: {  	[sflag:s26] =	ssyncset.done $0x0  }
0x9b: {  	[sflag:s26] =	ssyncadd.s32 $0xFFFFE000  }
0x9c: {  	[spmem:s3] =	stream.indirect.scatter.add.f32 [tilespmem:s20], [sflag:$0x4], $0x40, s31, s22, $0xb8;
	[tilespmem:$0x1ED00] =	vst v63  }
0x9d: {  	_ =	swait.ge [sflag:s17], $0x2000  }
0x9e: {  	s4 =	sadd.s32 $0x1, s4;
	[sflag:s17] =	ssyncset.done $0x0  }
0x9f: {  	p0 =	sne.s32 s4, s15;
	[sflag:s17] =	ssyncadd.s32 $0xFFFFE000  }
.Ltmp2:
0xa0: {  	s29 =	sshrl.u32 s8, $0x3;
	[bflag:$0x0] =	sbarrier.arrive $0xFFFF;
	(pc) =	sbr.rel @p0 .LBB2_1-.Ltmp2, $4  }
0xa1: {  	[hbm:s24], [sflag:s7] =	dma.local [spmem:s29], $0x13C0  }
0xa2: {  	_ =	swait.ge [sflag:s17], $0x13C0  }
0xa3: {  	[sflag:s17] =	ssyncset.done $0x0  }
0xa4: {  	[sflag:s17] =	ssyncadd.s32 $0xFFFFEC40  }
0xa5: {  	_ =	sfence.sel $0x180000  }
0xa6: {  	[bflag:$0x0] =	sbarrier.arrive $0xFFFF  }
0xa7: {  	_ =	strace $0x90000047  }
0xa8: {  	s0 =	stileid.u32;
	[bflag:$0x2] =	sbarrier.arrive $0xFFFF  }
0xa9: {  	p0 =	sne.s32 s0, $0x0;
	s0 =	rddreg [dreg:$0x3]  }
0xaa: {  	s0 =	sadd.s32 @!p0 $0x100000, s0  }
0xab: {  	[sflag:s0] =	ssyncadd.tile.s32 @!p0 $0x1;
	_ =	shalt  }
.Lfunc_end2:
_tile_overlayer_lowered:
.L_overlay_start_2:
0xac: {  	(tag) =	ssettag $0x2  }
0xad: {  	s0 =	rddreg [dreg:$0x0];
	s2 =	stileid.u32  }
0xae: {  	s1 =	rddreg [dreg:$0x1];
	p0 =	sne.s32 s2, $0x0  }
0xaf: {  	s3 =	rddreg [dreg:$0x2];
	[bflag:$0x3] =	sbarrier.arrive $0xFFFF;
	s2 =	simm.s32 @!p0 $0x1C04  }
0xb0: {  	[timem:s3], [sflag:s2] =	dma.local @!p0 [hbm:s0], s1  }
0xb1: {  	s0 =	simm.s32 @!p0 $0x4  }
0xb2: {  	_ =	swait.ge @!p0 [sflag:s0], s1  }
0xb3: {  	s1 =	ssub.s32 @!p0 $0x0, s1;
	[sflag:s0] =	ssyncset.done @!p0 $0x0  }
0xb4: {  	[sflag:s0] =	ssyncadd.s32 @!p0 s1  }
0xb5: {  	[bflag:$0x3] =	sbarrier.arrive $0xFFFF  }
0xb6: {  	_ =	shalt  }

</sc_bundles>
